<compile_context>
chip_gen: v7x
topology: tpu7x:2x2x1
jax: 0.10.2.dev20260603
libtpu: 0.0.44.dev20260713+nightly
codegen_flags: <defaults>
</compile_context>

<pallas_src>
import jax
import jax.numpy as jnp
from jax import lax
from jax.experimental import pallas as pl

_GX, _GY, _C = 256, 256, 64
_N = 100000
_NPAD = 102400
_NCLOUD = 4
_DUMP = _GX * _GY
_ACC_R = 66048
_STRIPE = _ACC_R // 16

_VOX4 = (0.4, 0.4, 6.4, 1.0)
_MIN4 = (-51.2, -51.2, -3.2, -1.0)
_GRID4 = (256.0, 256.0, 1.0, 1e30)
_CNT_SEL = (0.0, 0.0, 0.0, 1.0)

_BPT = 2048


def _lane_const(shape, values):
    l = lax.broadcasted_iota(jnp.int32, shape, len(shape) - 1)
    out = jnp.full(shape, values[-1], jnp.float32)
    for i in range(len(values) - 2, -1, -1):
        out = jnp.where(l == i, jnp.float32(values[i]), out)
    return out


def _consts(shape):
    vox = _lane_const(shape, _VOX4)
    mn = _lane_const(shape, _MIN4)
    gr = _lane_const(shape, _GRID4)
    return vox, mn, gr


def _vid_kernel(pc_ref, vid_ref):
    p = pc_ref[0]
    vox, mn, gr = _consts(p.shape)
    rel = (p - mn) / vox
    cf = jnp.floor(rel)
    valid = jnp.all((rel >= 0.0) & (cf < gr), axis=1)
    vidf = jnp.sum(cf * _lane_const(p.shape, (float(_GY), 1.0, 0.0, 0.0)),
                   axis=1)
    vidf = jnp.where(valid, vidf, float(_DUMP))
    vid_ref[0] = vidf.astype(jnp.int32).reshape(8, 128)


def _stage_a(pc4):
    return pl.pallas_call(
        _vid_kernel,
        grid=(_NCLOUD, _NPAD // 1024),
        in_specs=[pl.BlockSpec((1, 1024, 4), lambda c, i: (c, i, 0))],
        out_specs=pl.BlockSpec((1, 8, 128), lambda c, i: (c, i, 0)),
        out_shape=jax.ShapeDtypeStruct((_NCLOUD, _NPAD // 128, 128),
                                       jnp.int32),
    )(pc4)


def _pfn_kernel(pc_ref, mr_ref, ws_ref, w1_ref, w2_ref, b_ref, out_ref):
    p = pc_ref[0]
    mr = mr_ref[0]
    vox, mn, gr = _consts(p.shape)
    rel = (p - mn) / vox
    cf = jnp.floor(rel)
    valid = jnp.all((rel >= 0.0) & (cf < gr), axis=1, keepdims=True)
    cnt = jnp.sum(mr * _lane_const(mr.shape, _CNT_SEL),
                  axis=1, keepdims=True)
    mean = mr / jnp.maximum(cnt, 1.0)
    center = (cf + 0.5) * vox + mn
    acc = (jnp.dot(p, ws_ref[...], preferred_element_type=jnp.float32)
           - jnp.dot(mean, w1_ref[...], preferred_element_type=jnp.float32)
           - jnp.dot(center, w2_ref[...], preferred_element_type=jnp.float32)
           + b_ref[...])
    out_ref[0] = jnp.maximum(acc, 0.0) * valid


def _stage_d(pc4, meanrows, ws, w1p, w2p, b):
    return pl.pallas_call(
        _pfn_kernel,
        grid=(_NCLOUD, _NPAD // _BPT),
        in_specs=[
            pl.BlockSpec((1, _BPT, 4), lambda c, i: (c, i, 0)),
            pl.BlockSpec((1, _BPT, 4), lambda c, i: (c, i, 0)),
            pl.BlockSpec((4, _C), lambda c, i: (0, 0)),
            pl.BlockSpec((4, _C), lambda c, i: (0, 0)),
            pl.BlockSpec((4, _C), lambda c, i: (0, 0)),
            pl.BlockSpec((1, _C), lambda c, i: (0, 0)),
        ],
        out_specs=pl.BlockSpec((1, _BPT, _C), lambda c, i: (c, i, 0)),
        out_shape=jax.ShapeDtypeStruct((_NCLOUD, _NPAD, _C), jnp.float32),
    )(pc4, meanrows, ws, w1p, w2p, b.reshape(1, _C))


def _canvas_kernel(ps_ref, sums_ref, out_ref):
    ps = ps_ref[0]
    s4 = sums_ref[0]
    cnt = jnp.sum(s4 * _lane_const(s4.shape, _CNT_SEL), axis=1,
                  keepdims=True)
    pooled = ps / jnp.maximum(cnt, 1.0)
    out_ref[0, :, 0] = pooled.T.reshape(_C, 8, 256)


def _stage_f1(psum, sums):
    return pl.pallas_call(
        _canvas_kernel,
        grid=(_NCLOUD, 32),
        in_specs=[
            pl.BlockSpec((1, 2048, _C), lambda c, x: (c, x, 0)),
            pl.BlockSpec((1, 2048, 4), lambda c, x: (c, x, 0)),
        ],
        out_specs=pl.BlockSpec(
            (1, _C, 1, 8, 256),
            lambda c, x: (c % 2, 0, c // 2, x, 0)),
        out_shape=jax.ShapeDtypeStruct((2, _C, 2, _GX, _GY), jnp.float32),
    )(psum, sums)


def _pooled_kernel(ps_ref, sums_ref, out_ref):
    ps = ps_ref[0]
    s4 = sums_ref[0]
    cnt = jnp.sum(s4 * _lane_const(s4.shape, _CNT_SEL), axis=1,
                  keepdims=True)
    out_ref[0] = ps / jnp.maximum(cnt, 1.0)


def _stage_f2(psum, sums):
    return pl.pallas_call(
        _pooled_kernel,
        grid=(2, 32),
        in_specs=[
            pl.BlockSpec((1, 2048, _C), lambda c, x: (c, x, 0)),
            pl.BlockSpec((1, 2048, 4), lambda c, x: (c, x, 0)),
        ],
        out_specs=pl.BlockSpec((1, 2048, _C), lambda c, x: (c, x, 0)),
        out_shape=jax.ShapeDtypeStruct((2, _GX * _GY, _C), jnp.float32),
    )(psum, sums)


def kernel(pc0s, pc1s, training_flag, W, b):
    pcs = jnp.concatenate([pc0s, pc1s], axis=0)
    pcs = jnp.pad(pcs, ((0, 0), (0, _NPAD - _N), (0, 0)),
                  constant_values=1e9)
    pc4 = jnp.pad(pcs, ((0, 0), (0, 0), (0, 1)))
    nc = pcs.shape[0]
    pts4 = jnp.concatenate(
        [pcs, jnp.ones((nc, _NPAD, 1), jnp.float32)], axis=-1)

    w0, w1, w2 = W[0:3], W[3:6], W[6:9]
    zrow = jnp.zeros((1, _C), jnp.float32)
    ws = jnp.concatenate([w0 + w1 + w2, zrow], axis=0)
    w1p = jnp.concatenate([w1, zrow], axis=0)
    w2p = jnp.concatenate([w2, zrow], axis=0)

    vid = _stage_a(pc4)
    vidf = vid.reshape(_NCLOUD, _NPAD)
    sums = jax.vmap(
        lambda x, v: jax.ops.segment_sum(x, v, num_segments=_ACC_R)
    )(pts4, vidf)
    meanrows = jax.vmap(lambda s, v: s[v])(sums, vidf)
    feats = _stage_d(pc4, meanrows, ws, w1p, w2p, b)
    psum = jax.vmap(
        lambda x, v: jax.ops.segment_sum(x, v, num_segments=_ACC_R)
    )(feats, vidf)
    tensor_4d = jnp.moveaxis(_stage_f1(psum, sums), 2, -1)
    pooled0 = _stage_f2(psum[0:2], sums[0:2])
    pf0 = feats[0:2, :_N, :]
    return tensor_4d, pf0, pooled0

# --- scband reference (transcript-rebuilt; emitter-appended) ---
"""Pipeline reference for scband-dynamic-embedder-4-d-2087354106085 (READ-ONLY COPY).

The authoritative reference and input builder live on the scoring server;
editing this copy changes nothing except your own understanding.
"""

import jax, jax.numpy as jnp
import numpy as np

VOXEL_SIZE = jnp.array([0.4, 0.4, 6.4], dtype=jnp.float32)
PC_MIN = jnp.array([-51.2, -51.2, -3.2], dtype=jnp.float32)
PC_MAX = jnp.array([51.2, 51.2, 3.2], dtype=jnp.float32)
GX, GY = 256, 256
C = 64
NSEG = GX * GY + 1  # last segment is the dump bucket for out-of-range points
B, N = 2, 100000


def setup_inputs(seed: int = 0) -> dict:
    key = jax.random.key(seed)
    k0, k1, k2 = jax.random.split(key, 3)
    span = (PC_MAX - PC_MIN) * 1.04  # ~4% of points fall out of range -> exercises masking
    lo = PC_MIN - 0.02 * (PC_MAX - PC_MIN)
    pc0s = lo + jax.random.uniform(k0, (B, N, 3), dtype=jnp.float32) * span
    pc1s = lo + jax.random.uniform(k1, (B, N, 3), dtype=jnp.float32) * span
    W = jax.random.normal(k2, (9, C), dtype=jnp.float32) * 0.05
    b = jnp.zeros((C,), dtype=jnp.float32)
    return {"pc0s": pc0s, "pc1s": pc1s, "training_flag": True, "W": W, "b": b}


def _pillar_frame(pts, W, b):
    # pts: [N, 3]. DynamicVoxelizer: floor-quantize + in-range mask.
    rel = (pts - PC_MIN) / VOXEL_SIZE
    coords = jnp.floor(rel).astype(jnp.int32)  # (x, y, z) voxel coords; z grid size 1 (pillars)
    grid = jnp.array([GX, GY, 1], dtype=jnp.int32)
    valid = jnp.all((coords >= 0) & (coords < grid), axis=1)
    vid = coords[:, 0] * GY + coords[:, 1]
    vid = jnp.where(valid, vid, GX * GY)  # invalid points go to dump bucket
    vmask = valid.astype(jnp.float32)[:, None]
    # DynamicPillarFeatureNet: per-voxel mean (scatter-add), cluster + center offsets
    counts = jax.ops.segment_sum(vmask[:, 0], vid, num_segments=NSEG)
    sums = jax.ops.segment_sum(pts * vmask, vid, num_segments=NSEG)
    mean = sums / jnp.clip(counts, 1.0)[:, None]
    cluster_off = pts - mean[vid]  # gather of per-voxel mean
    center = (coords.astype(jnp.float32) + 0.5) * VOXEL_SIZE + PC_MIN
    center_off = pts - center
    fin = jnp.concatenate([pts, cluster_off, center_off], axis=1)  # [N, 9]
    point_feats = jax.nn.relu(fin @ W + b) * vmask  # PFN layer [N, C]
    # mode='avg': segment mean over points of each pillar (scatter-add + divide)
    pooled = jax.ops.segment_sum(point_feats, vid, num_segments=NSEG) / jnp.clip(counts, 1.0)[:, None]
    pooled = pooled[: GX * GY]
    # PointPillarsScatter: dense pseudo-image canvas [C, H, W]
    canvas = pooled.reshape(GX, GY, C).transpose(2, 0, 1)
    return canvas, point_feats, pooled


def reference(pc0s, pc1s, training_flag, W, b):
    f = lambda p: _pillar_frame(p, W, b)
    canvas0, pf0, pooled0 = jax.vmap(f)(pc0s)  # time index 0 (pc0s)
    canvas1, pf1, pooled1 = jax.vmap(f)(pc1s)  # time index 1 (pc1s)
    # 4D sparse tensor densified onto the pseudo-image grid with a time axis: [B, C, H, W, T]
    tensor_4d = jnp.stack([canvas0, canvas1], axis=-1)
    # (4d_tensor, pc0_point_feats_lst, pc0s_voxel_feature)
    return tensor_4d, pf0, pooled0

if __name__ == "__main__":
    import jax
    _d = setup_inputs()
    print(jax.jit(kernel)(*tuple(_d.values())))

</pallas_src>

<mosaic_0001>
module attributes {stable_mosaic.version = 14 : i64} {
  func.func @_vid_kernel(%arg0: i32, %arg1: i32, %arg2: memref<1x1024x4xf32, #tpu.memory_space<vmem>>, %arg3: memref<1x8x128xi32, #tpu.memory_space<vmem>>) attributes {dimension_semantics = [#tpu.dimension_semantics<arbitrary>, #tpu.dimension_semantics<arbitrary>], iteration_bounds = array<i64: 4, 100>, scalar_prefetch = 0 : i64, scratch_operands = 0 : i64, tpu.core_type = #tpu.core_type<tc>, window_params = [{transform_indices = @transform_0, window_bounds = array<i64: 1, 1024, 4>}, {transform_indices = @transform_1, window_bounds = array<i64: 1, 8, 128>}]} {
    %get3A = arith.constant 0 : index
    %get3A_0 = arith.constant 0 : index
    %get3A_1 = arith.constant 0 : index
    %get3A_2 = vector.load %arg2[%get3A, %get3A_0, %get3A_1] : memref<1x1024x4xf32, #tpu.memory_space<vmem>>, vector<1x1024x4xf32>
    %get3A_3 = vector.shape_cast %get3A_2 : vector<1x1024x4xf32> to vector<1024x4xf32>
    %iota3A = tpu.iota {dimensions = array<i32: 1>} : vector<1024x4xi32>
    %broadcast_in_dim3A = arith.constant 1.000000e+00 : f32
    %broadcast_in_dim3A_4 = vector.broadcast %broadcast_in_dim3A : f32 to vector<1024x4xf32>
    %eq3A = arith.constant 2 : i32
    %eq3A_5 = vector.broadcast %eq3A : i32 to vector<1024x4xi32>
    %eq3A_6 = arith.cmpi eq, %iota3A, %eq3A_5 : vector<1024x4xi32>
    %jit3A = arith.constant 6.400000e+00 : f32
    %broadcast_in_dim3A_7 = vector.broadcast %jit3A : f32 to vector<1024x4xf32>
    %select_n3A = arith.select %eq3A_6, %broadcast_in_dim3A_7, %broadcast_in_dim3A_4 : vector<1024x4xi1>, vector<1024x4xf32>
    %eq3A_8 = arith.constant 1 : i32
    %eq3A_9 = vector.broadcast %eq3A_8 : i32 to vector<1024x4xi32>
    %eq3A_10 = arith.cmpi eq, %iota3A, %eq3A_9 : vector<1024x4xi32>
    %jit3A_11 = arith.constant 4.000000e-01 : f32
    %broadcast_in_dim3A_12 = vector.broadcast %jit3A_11 : f32 to vector<1024x4xf32>
    %select_n3A_13 = arith.select %eq3A_10, %broadcast_in_dim3A_12, %select_n3A : vector<1024x4xi1>, vector<1024x4xf32>
    %eq3A_14 = arith.constant 0 : i32
    %eq3A_15 = vector.broadcast %eq3A_14 : i32 to vector<1024x4xi32>
    %eq3A_16 = arith.cmpi eq, %iota3A, %eq3A_15 : vector<1024x4xi32>
    %jit3A_17 = arith.constant 4.000000e-01 : f32
    %broadcast_in_dim3A_18 = vector.broadcast %jit3A_17 : f32 to vector<1024x4xf32>
    %select_n3A_19 = arith.select %eq3A_16, %broadcast_in_dim3A_18, %select_n3A_13 : vector<1024x4xi1>, vector<1024x4xf32>
    %iota3A_20 = tpu.iota {dimensions = array<i32: 1>} : vector<1024x4xi32>
    %broadcast_in_dim3A_21 = arith.constant -1.000000e+00 : f32
    %broadcast_in_dim3A_22 = vector.broadcast %broadcast_in_dim3A_21 : f32 to vector<1024x4xf32>
    %eq3A_23 = arith.constant 2 : i32
    %eq3A_24 = vector.broadcast %eq3A_23 : i32 to vector<1024x4xi32>
    %eq3A_25 = arith.cmpi eq, %iota3A_20, %eq3A_24 : vector<1024x4xi32>
    %jit3A_26 = arith.constant -3.200000e+00 : f32
    %broadcast_in_dim3A_27 = vector.broadcast %jit3A_26 : f32 to vector<1024x4xf32>
    %select_n3A_28 = arith.select %eq3A_25, %broadcast_in_dim3A_27, %broadcast_in_dim3A_22 : vector<1024x4xi1>, vector<1024x4xf32>
    %eq3A_29 = arith.constant 1 : i32
    %eq3A_30 = vector.broadcast %eq3A_29 : i32 to vector<1024x4xi32>
    %eq3A_31 = arith.cmpi eq, %iota3A_20, %eq3A_30 : vector<1024x4xi32>
    %jit3A_32 = arith.constant -5.120000e+01 : f32
    %broadcast_in_dim3A_33 = vector.broadcast %jit3A_32 : f32 to vector<1024x4xf32>
    %select_n3A_34 = arith.select %eq3A_31, %broadcast_in_dim3A_33, %select_n3A_28 : vector<1024x4xi1>, vector<1024x4xf32>
    %eq3A_35 = arith.constant 0 : i32
    %eq3A_36 = vector.broadcast %eq3A_35 : i32 to vector<1024x4xi32>
    %eq3A_37 = arith.cmpi eq, %iota3A_20, %eq3A_36 : vector<1024x4xi32>
    %jit3A_38 = arith.constant -5.120000e+01 : f32
    %broadcast_in_dim3A_39 = vector.broadcast %jit3A_38 : f32 to vector<1024x4xf32>
    %select_n3A_40 = arith.select %eq3A_37, %broadcast_in_dim3A_39, %select_n3A_34 : vector<1024x4xi1>, vector<1024x4xf32>
    %iota3A_41 = tpu.iota {dimensions = array<i32: 1>} : vector<1024x4xi32>
    %broadcast_in_dim3A_42 = arith.constant 1.000000e+30 : f32
    %broadcast_in_dim3A_43 = vector.broadcast %broadcast_in_dim3A_42 : f32 to vector<1024x4xf32>
    %eq3A_44 = arith.constant 2 : i32
    %eq3A_45 = vector.broadcast %eq3A_44 : i32 to vector<1024x4xi32>
    %eq3A_46 = arith.cmpi eq, %iota3A_41, %eq3A_45 : vector<1024x4xi32>
    %jit3A_47 = arith.constant 1.000000e+00 : f32
    %broadcast_in_dim3A_48 = vector.broadcast %jit3A_47 : f32 to vector<1024x4xf32>
    %select_n3A_49 = arith.select %eq3A_46, %broadcast_in_dim3A_48, %broadcast_in_dim3A_43 : vector<1024x4xi1>, vector<1024x4xf32>
    %eq3A_50 = arith.constant 1 : i32
    %eq3A_51 = vector.broadcast %eq3A_50 : i32 to vector<1024x4xi32>
    %eq3A_52 = arith.cmpi eq, %iota3A_41, %eq3A_51 : vector<1024x4xi32>
    %jit3A_53 = arith.constant 2.560000e+02 : f32
    %broadcast_in_dim3A_54 = vector.broadcast %jit3A_53 : f32 to vector<1024x4xf32>
    %select_n3A_55 = arith.select %eq3A_52, %broadcast_in_dim3A_54, %select_n3A_49 : vector<1024x4xi1>, vector<1024x4xf32>
    %eq3A_56 = arith.constant 0 : i32
    %eq3A_57 = vector.broadcast %eq3A_56 : i32 to vector<1024x4xi32>
    %eq3A_58 = arith.cmpi eq, %iota3A_41, %eq3A_57 : vector<1024x4xi32>
    %jit3A_59 = arith.constant 2.560000e+02 : f32
    %broadcast_in_dim3A_60 = vector.broadcast %jit3A_59 : f32 to vector<1024x4xf32>
    %select_n3A_61 = arith.select %eq3A_58, %broadcast_in_dim3A_60, %select_n3A_55 : vector<1024x4xi1>, vector<1024x4xf32>
    %sub3A = arith.subf %get3A_3, %select_n3A_40 : vector<1024x4xf32>
    %div3A = arith.divf %sub3A, %select_n3A_19 : vector<1024x4xf32>
    %floor3A = math.floor %div3A : vector<1024x4xf32>
    %ge3A = arith.constant 0.000000e+00 : f32
    %ge3A_62 = vector.broadcast %ge3A : f32 to vector<1024x4xf32>
    %ge3A_63 = arith.cmpf oge, %div3A, %ge3A_62 : vector<1024x4xf32>
    %lt3A = arith.cmpf olt, %floor3A, %select_n3A_61 : vector<1024x4xf32>
    %and3A = arith.andi %ge3A_63, %lt3A : vector<1024x4xi1>
    %reduce_and3A = arith.constant 1.000000e+00 : f32
    %reduce_and3A_64 = arith.constant 0.000000e+00 : f32
    %reduce_and3A_65 = vector.broadcast %reduce_and3A : f32 to vector<1024x4xf32>
    %reduce_and3A_66 = vector.broadcast %reduce_and3A_64 : f32 to vector<1024x4xf32>
    %reduce_and3A_67 = arith.select %and3A, %reduce_and3A_65, %reduce_and3A_66 : vector<1024x4xi1>, vector<1024x4xf32>
    %reduce_and3A_68 = arith.constant dense<0x7F800000> : vector<1024xf32>
    %reduce_and3A_69 = vector.multi_reduction <minimumf>, %reduce_and3A_67, %reduce_and3A_68 [1] : vector<1024x4xf32> to vector<1024xf32>
    %reduce_and3A_70 = arith.constant 0.000000e+00 : f32
    %reduce_and3A_71 = vector.broadcast %reduce_and3A_70 : f32 to vector<1024xf32>
    %reduce_and3A_72 = arith.cmpf ogt, %reduce_and3A_69, %reduce_and3A_71 : vector<1024xf32>
    %iota3A_73 = tpu.iota {dimensions = array<i32: 1>} : vector<1024x4xi32>
    %broadcast_in_dim3A_74 = arith.constant 0.000000e+00 : f32
    %broadcast_in_dim3A_75 = vector.broadcast %broadcast_in_dim3A_74 : f32 to vector<1024x4xf32>
    %eq3A_76 = arith.constant 2 : i32
    %eq3A_77 = vector.broadcast %eq3A_76 : i32 to vector<1024x4xi32>
    %eq3A_78 = arith.cmpi eq, %iota3A_73, %eq3A_77 : vector<1024x4xi32>
    %jit3A_79 = arith.constant 0.000000e+00 : f32
    %broadcast_in_dim3A_80 = vector.broadcast %jit3A_79 : f32 to vector<1024x4xf32>
    %select_n3A_81 = arith.select %eq3A_78, %broadcast_in_dim3A_80, %broadcast_in_dim3A_75 : vector<1024x4xi1>, vector<1024x4xf32>
    %eq3A_82 = arith.constant 1 : i32
    %eq3A_83 = vector.broadcast %eq3A_82 : i32 to vector<1024x4xi32>
    %eq3A_84 = arith.cmpi eq, %iota3A_73, %eq3A_83 : vector<1024x4xi32>
    %jit3A_85 = arith.constant 1.000000e+00 : f32
    %broadcast_in_dim3A_86 = vector.broadcast %jit3A_85 : f32 to vector<1024x4xf32>
    %select_n3A_87 = arith.select %eq3A_84, %broadcast_in_dim3A_86, %select_n3A_81 : vector<1024x4xi1>, vector<1024x4xf32>
    %eq3A_88 = arith.constant 0 : i32
    %eq3A_89 = vector.broadcast %eq3A_88 : i32 to vector<1024x4xi32>
    %eq3A_90 = arith.cmpi eq, %iota3A_73, %eq3A_89 : vector<1024x4xi32>
    %jit3A_91 = arith.constant 2.560000e+02 : f32
    %broadcast_in_dim3A_92 = vector.broadcast %jit3A_91 : f32 to vector<1024x4xf32>
    %select_n3A_93 = arith.select %eq3A_90, %broadcast_in_dim3A_92, %select_n3A_87 : vector<1024x4xi1>, vector<1024x4xf32>
    %mul3A = arith.mulf %floor3A, %select_n3A_93 : vector<1024x4xf32>
    %reduce_sum3A = arith.constant dense<0.000000e+00> : vector<1024xf32>
    %reduce_sum3A_94 = vector.multi_reduction <add>, %mul3A, %reduce_sum3A [1] : vector<1024x4xf32> to vector<1024xf32>
    %jit3A_95 = arith.constant 6.553600e+04 : f32
    %broadcast_in_dim3A_96 = vector.broadcast %jit3A_95 : f32 to vector<1024xf32>
    %select_n3A_97 = arith.select %reduce_and3A_72, %reduce_sum3A_94, %broadcast_in_dim3A_96 : vector<1024xi1>, vector<1024xf32>
    %convert_element_type3A = arith.fptosi %select_n3A_97 : vector<1024xf32> to vector<1024xi32>
    %reshape3A = vector.shape_cast %convert_element_type3A : vector<1024xi32> to vector<8x128xi32>
    %swap3A = arith.constant 0 : index
    %swap3A_98 = arith.constant 0 : index
    %swap3A_99 = arith.constant 0 : index
    %swap3A_100 = vector.load %arg3[%swap3A, %swap3A_98, %swap3A_99] : memref<1x8x128xi32, #tpu.memory_space<vmem>>, vector<1x8x128xi32>
    %swap3A_101 = vector.shape_cast %swap3A_100 : vector<1x8x128xi32> to vector<8x128xi32>
    %swap3A_102 = vector.shape_cast %reshape3A : vector<8x128xi32> to vector<1x8x128xi32>
    tpu.vector_store %arg3[%swap3A, %swap3A_98, %swap3A_99], %swap3A_102 {strides = array<i32>} : memref<1x8x128xi32, #tpu.memory_space<vmem>>, vector<1x8x128xi32>,
    return
  }
  func.func @transform_0(%arg0: i32, %arg1: i32) -> (i32, i32, i32) {
    %c0_i32 = arith.constant 0 : i32
    %c0_i32_0 = arith.constant 0 : i32
    return %arg0, %arg1, %c0_i32 : i32, i32, i32
  }
  func.func @transform_1(%arg0: i32, %arg1: i32) -> (i32, i32, i32) {
    %c0_i32 = arith.constant 0 : i32
    %c0_i32_0 = arith.constant 0 : i32
    return %arg0, %arg1, %c0_i32 : i32, i32, i32
  }
}

module attributes {stable_mosaic.version = 14 : i64} {
  func.func @_pfn_kernel(%arg0: i32, %arg1: i32, %arg2: memref<1x2048x4xf32, #tpu.memory_space<vmem>>, %arg3: memref<1x2048x4xf32, #tpu.memory_space<vmem>>, %arg4: memref<4x64xf32, #tpu.memory_space<vmem>>, %arg5: memref<4x64xf32, #tpu.memory_space<vmem>>, %arg6: memref<4x64xf32, #tpu.memory_space<vmem>>, %arg7: memref<1x64xf32, #tpu.memory_space<vmem>>, %arg8: memref<1x2048x64xf32, #tpu.memory_space<vmem>>) attributes {dimension_semantics = [#tpu.dimension_semantics<arbitrary>, #tpu.dimension_semantics<arbitrary>], iteration_bounds = array<i64: 4, 50>, scalar_prefetch = 0 : i64, scratch_operands = 0 : i64, tpu.core_type = #tpu.core_type<tc>, window_params = [{transform_indices = @transform_0, window_bounds = array<i64: 1, 2048, 4>}, {transform_indices = @transform_1, window_bounds = array<i64: 1, 2048, 4>}, {pipeline_mode = #tpu.pipeline_mode<synchronous>, transform_indices = @transform_2, window_bounds = array<i64: 4, 64>}, {pipeline_mode = #tpu.pipeline_mode<synchronous>, transform_indices = @transform_3, window_bounds = array<i64: 4, 64>}, {pipeline_mode = #tpu.pipeline_mode<synchronous>, transform_indices = @transform_4, window_bounds = array<i64: 4, 64>}, {pipeline_mode = #tpu.pipeline_mode<synchronous>, transform_indices = @transform_5, window_bounds = array<i64: 1, 64>}, {transform_indices = @transform_6, window_bounds = array<i64: 1, 2048, 64>}]} {
    %get3A = arith.constant 0 : index
    %get3A_0 = arith.constant 0 : index
    %get3A_1 = arith.constant 0 : index
    %get3A_2 = vector.load %arg2[%get3A, %get3A_0, %get3A_1] : memref<1x2048x4xf32, #tpu.memory_space<vmem>>, vector<1x2048x4xf32>
    %get3A_3 = vector.shape_cast %get3A_2 : vector<1x2048x4xf32> to vector<2048x4xf32>
    %get3A_4 = arith.constant 0 : index
    %get3A_5 = arith.constant 0 : index
    %get3A_6 = arith.constant 0 : index
    %get3A_7 = vector.load %arg3[%get3A_4, %get3A_5, %get3A_6] : memref<1x2048x4xf32, #tpu.memory_space<vmem>>, vector<1x2048x4xf32>
    %get3A_8 = vector.shape_cast %get3A_7 : vector<1x2048x4xf32> to vector<2048x4xf32>
    %iota3A = tpu.iota {dimensions = array<i32: 1>} : vector<2048x4xi32>
    %broadcast_in_dim3A = arith.constant 1.000000e+00 : f32
    %broadcast_in_dim3A_9 = vector.broadcast %broadcast_in_dim3A : f32 to vector<2048x4xf32>
    %eq3A = arith.constant 2 : i32
    %eq3A_10 = vector.broadcast %eq3A : i32 to vector<2048x4xi32>
    %eq3A_11 = arith.cmpi eq, %iota3A, %eq3A_10 : vector<2048x4xi32>
    %jit3A = arith.constant 6.400000e+00 : f32
    %broadcast_in_dim3A_12 = vector.broadcast %jit3A : f32 to vector<2048x4xf32>
    %select_n3A = arith.select %eq3A_11, %broadcast_in_dim3A_12, %broadcast_in_dim3A_9 : vector<2048x4xi1>, vector<2048x4xf32>
    %eq3A_13 = arith.constant 1 : i32
    %eq3A_14 = vector.broadcast %eq3A_13 : i32 to vector<2048x4xi32>
    %eq3A_15 = arith.cmpi eq, %iota3A, %eq3A_14 : vector<2048x4xi32>
    %jit3A_16 = arith.constant 4.000000e-01 : f32
    %broadcast_in_dim3A_17 = vector.broadcast %jit3A_16 : f32 to vector<2048x4xf32>
    %select_n3A_18 = arith.select %eq3A_15, %broadcast_in_dim3A_17, %select_n3A : vector<2048x4xi1>, vector<2048x4xf32>
    %eq3A_19 = arith.constant 0 : i32
    %eq3A_20 = vector.broadcast %eq3A_19 : i32 to vector<2048x4xi32>
    %eq3A_21 = arith.cmpi eq, %iota3A, %eq3A_20 : vector<2048x4xi32>
    %jit3A_22 = arith.constant 4.000000e-01 : f32
    %broadcast_in_dim3A_23 = vector.broadcast %jit3A_22 : f32 to vector<2048x4xf32>
    %select_n3A_24 = arith.select %eq3A_21, %broadcast_in_dim3A_23, %select_n3A_18 : vector<2048x4xi1>, vector<2048x4xf32>
    %iota3A_25 = tpu.iota {dimensions = array<i32: 1>} : vector<2048x4xi32>
    %broadcast_in_dim3A_26 = arith.constant -1.000000e+00 : f32
    %broadcast_in_dim3A_27 = vector.broadcast %broadcast_in_dim3A_26 : f32 to vector<2048x4xf32>
    %eq3A_28 = arith.constant 2 : i32
    %eq3A_29 = vector.broadcast %eq3A_28 : i32 to vector<2048x4xi32>
    %eq3A_30 = arith.cmpi eq, %iota3A_25, %eq3A_29 : vector<2048x4xi32>
    %jit3A_31 = arith.constant -3.200000e+00 : f32
    %broadcast_in_dim3A_32 = vector.broadcast %jit3A_31 : f32 to vector<2048x4xf32>
    %select_n3A_33 = arith.select %eq3A_30, %broadcast_in_dim3A_32, %broadcast_in_dim3A_27 : vector<2048x4xi1>, vector<2048x4xf32>
    %eq3A_34 = arith.constant 1 : i32
    %eq3A_35 = vector.broadcast %eq3A_34 : i32 to vector<2048x4xi32>
    %eq3A_36 = arith.cmpi eq, %iota3A_25, %eq3A_35 : vector<2048x4xi32>
    %jit3A_37 = arith.constant -5.120000e+01 : f32
    %broadcast_in_dim3A_38 = vector.broadcast %jit3A_37 : f32 to vector<2048x4xf32>
    %select_n3A_39 = arith.select %eq3A_36, %broadcast_in_dim3A_38, %select_n3A_33 : vector<2048x4xi1>, vector<2048x4xf32>
    %eq3A_40 = arith.constant 0 : i32
    %eq3A_41 = vector.broadcast %eq3A_40 : i32 to vector<2048x4xi32>
    %eq3A_42 = arith.cmpi eq, %iota3A_25, %eq3A_41 : vector<2048x4xi32>
    %jit3A_43 = arith.constant -5.120000e+01 : f32
    %broadcast_in_dim3A_44 = vector.broadcast %jit3A_43 : f32 to vector<2048x4xf32>
    %select_n3A_45 = arith.select %eq3A_42, %broadcast_in_dim3A_44, %select_n3A_39 : vector<2048x4xi1>, vector<2048x4xf32>
    %iota3A_46 = tpu.iota {dimensions = array<i32: 1>} : vector<2048x4xi32>
    %broadcast_in_dim3A_47 = arith.constant 1.000000e+30 : f32
    %broadcast_in_dim3A_48 = vector.broadcast %broadcast_in_dim3A_47 : f32 to vector<2048x4xf32>
    %eq3A_49 = arith.constant 2 : i32
    %eq3A_50 = vector.broadcast %eq3A_49 : i32 to vector<2048x4xi32>
    %eq3A_51 = arith.cmpi eq, %iota3A_46, %eq3A_50 : vector<2048x4xi32>
    %jit3A_52 = arith.constant 1.000000e+00 : f32
    %broadcast_in_dim3A_53 = vector.broadcast %jit3A_52 : f32 to vector<2048x4xf32>
    %select_n3A_54 = arith.select %eq3A_51, %broadcast_in_dim3A_53, %broadcast_in_dim3A_48 : vector<2048x4xi1>, vector<2048x4xf32>
    %eq3A_55 = arith.constant 1 : i32
    %eq3A_56 = vector.broadcast %eq3A_55 : i32 to vector<2048x4xi32>
    %eq3A_57 = arith.cmpi eq, %iota3A_46, %eq3A_56 : vector<2048x4xi32>
    %jit3A_58 = arith.constant 2.560000e+02 : f32
    %broadcast_in_dim3A_59 = vector.broadcast %jit3A_58 : f32 to vector<2048x4xf32>
    %select_n3A_60 = arith.select %eq3A_57, %broadcast_in_dim3A_59, %select_n3A_54 : vector<2048x4xi1>, vector<2048x4xf32>
    %eq3A_61 = arith.constant 0 : i32
    %eq3A_62 = vector.broadcast %eq3A_61 : i32 to vector<2048x4xi32>
    %eq3A_63 = arith.cmpi eq, %iota3A_46, %eq3A_62 : vector<2048x4xi32>
    %jit3A_64 = arith.constant 2.560000e+02 : f32
    %broadcast_in_dim3A_65 = vector.broadcast %jit3A_64 : f32 to vector<2048x4xf32>
    %select_n3A_66 = arith.select %eq3A_63, %broadcast_in_dim3A_65, %select_n3A_60 : vector<2048x4xi1>, vector<2048x4xf32>
    %sub3A = arith.subf %get3A_3, %select_n3A_45 : vector<2048x4xf32>
    %div3A = arith.divf %sub3A, %select_n3A_24 : vector<2048x4xf32>
    %floor3A = math.floor %div3A : vector<2048x4xf32>
    %ge3A = arith.constant 0.000000e+00 : f32
    %ge3A_67 = vector.broadcast %ge3A : f32 to vector<2048x4xf32>
    %ge3A_68 = arith.cmpf oge, %div3A, %ge3A_67 : vector<2048x4xf32>
    %lt3A = arith.cmpf olt, %floor3A, %select_n3A_66 : vector<2048x4xf32>
    %and3A = arith.andi %ge3A_68, %lt3A : vector<2048x4xi1>
    %reduce_and3A = arith.constant 1.000000e+00 : f32
    %reduce_and3A_69 = arith.constant 0.000000e+00 : f32
    %reduce_and3A_70 = vector.broadcast %reduce_and3A : f32 to vector<2048x4xf32>
    %reduce_and3A_71 = vector.broadcast %reduce_and3A_69 : f32 to vector<2048x4xf32>
    %reduce_and3A_72 = arith.select %and3A, %reduce_and3A_70, %reduce_and3A_71 : vector<2048x4xi1>, vector<2048x4xf32>
    %reduce_and3A_73 = arith.constant dense<0x7F800000> : vector<2048xf32>
    %reduce_and3A_74 = vector.multi_reduction <minimumf>, %reduce_and3A_72, %reduce_and3A_73 [1] : vector<2048x4xf32> to vector<2048xf32>
    %reduce_and3A_75 = arith.constant 0.000000e+00 : f32
    %reduce_and3A_76 = vector.broadcast %reduce_and3A_75 : f32 to vector<2048xf32>
    %reduce_and3A_77 = arith.cmpf ogt, %reduce_and3A_74, %reduce_and3A_76 : vector<2048xf32>
    %broadcast_in_dim3A_78 = vector.shape_cast %reduce_and3A_77 : vector<2048xi1> to vector<2048x1xi1>
    %iota3A_79 = tpu.iota {dimensions = array<i32: 1>} : vector<2048x4xi32>
    %broadcast_in_dim3A_80 = arith.constant 1.000000e+00 : f32
    %broadcast_in_dim3A_81 = vector.broadcast %broadcast_in_dim3A_80 : f32 to vector<2048x4xf32>
    %eq3A_82 = arith.constant 2 : i32
    %eq3A_83 = vector.broadcast %eq3A_82 : i32 to vector<2048x4xi32>
    %eq3A_84 = arith.cmpi eq, %iota3A_79, %eq3A_83 : vector<2048x4xi32>
    %jit3A_85 = arith.constant 0.000000e+00 : f32
    %broadcast_in_dim3A_86 = vector.broadcast %jit3A_85 : f32 to vector<2048x4xf32>
    %select_n3A_87 = arith.select %eq3A_84, %broadcast_in_dim3A_86, %broadcast_in_dim3A_81 : vector<2048x4xi1>, vector<2048x4xf32>
    %eq3A_88 = arith.constant 1 : i32
    %eq3A_89 = vector.broadcast %eq3A_88 : i32 to vector<2048x4xi32>
    %eq3A_90 = arith.cmpi eq, %iota3A_79, %eq3A_89 : vector<2048x4xi32>
    %jit3A_91 = arith.constant 0.000000e+00 : f32
    %broadcast_in_dim3A_92 = vector.broadcast %jit3A_91 : f32 to vector<2048x4xf32>
    %select_n3A_93 = arith.select %eq3A_90, %broadcast_in_dim3A_92, %select_n3A_87 : vector<2048x4xi1>, vector<2048x4xf32>
    %eq3A_94 = arith.constant 0 : i32
    %eq3A_95 = vector.broadcast %eq3A_94 : i32 to vector<2048x4xi32>
    %eq3A_96 = arith.cmpi eq, %iota3A_79, %eq3A_95 : vector<2048x4xi32>
    %jit3A_97 = arith.constant 0.000000e+00 : f32
    %broadcast_in_dim3A_98 = vector.broadcast %jit3A_97 : f32 to vector<2048x4xf32>
    %select_n3A_99 = arith.select %eq3A_96, %broadcast_in_dim3A_98, %select_n3A_93 : vector<2048x4xi1>, vector<2048x4xf32>
    %mul3A = arith.mulf %get3A_8, %select_n3A_99 : vector<2048x4xf32>
    %reduce_sum3A = arith.constant dense<0.000000e+00> : vector<2048xf32>
    %reduce_sum3A_100 = vector.multi_reduction <add>, %mul3A, %reduce_sum3A [1] : vector<2048x4xf32> to vector<2048xf32>
    %broadcast_in_dim3A_101 = vector.shape_cast %reduce_sum3A_100 : vector<2048xf32> to vector<2048x1xf32>
    %max3A = arith.constant 1.000000e+00 : f32
    %max3A_102 = vector.broadcast %max3A : f32 to vector<2048x1xf32>
    %max3A_103 = arith.maximumf %broadcast_in_dim3A_101, %max3A_102 : vector<2048x1xf32>
    %div3A_104 = vector.broadcast %max3A_103 : vector<2048x1xf32> to vector<2048x4xf32>
    %div3A_105 = arith.divf %get3A_8, %div3A_104 : vector<2048x4xf32>
    %add3A = arith.constant 5.000000e-01 : f32
    %add3A_106 = vector.broadcast %add3A : f32 to vector<2048x4xf32>
    %add3A_107 = arith.addf %floor3A, %add3A_106 : vector<2048x4xf32>
    %mul3A_108 = arith.mulf %add3A_107, %select_n3A_24 : vector<2048x4xf32>
    %add3A_109 = arith.addf %mul3A_108, %select_n3A_45 : vector<2048x4xf32>
    %get3A_110 = arith.constant 0 : index
    %get3A_111 = arith.constant 0 : index
    %get3A_112 = vector.load %arg4[%get3A_110, %get3A_111] : memref<4x64xf32, #tpu.memory_space<vmem>>, vector<4x64xf32>
    %dot_general3A = arith.constant dense<0.000000e+00> : vector<2048x64xf32>
    %dot_general3A_113 = tpu.matmul %get3A_3, %get3A_112, %dot_general3A {dimension_numbers = #tpu.dot_dimension_numbers<[1], [0], [0], [1], [0, 0, 1, 1], [], []>, transpose_lhs_hint = false} : vector<2048x4xf32>, vector<4x64xf32>, vector<2048x64xf32> -> vector<2048x64xf32>
    %get3A_114 = arith.constant 0 : index
    %get3A_115 = arith.constant 0 : index
    %get3A_116 = vector.load %arg5[%get3A_114, %get3A_115] : memref<4x64xf32, #tpu.memory_space<vmem>>, vector<4x64xf32>
    %dot_general3A_117 = arith.constant dense<0.000000e+00> : vector<2048x64xf32>
    %dot_general3A_118 = tpu.matmul %div3A_105, %get3A_116, %dot_general3A_117 {dimension_numbers = #tpu.dot_dimension_numbers<[1], [0], [0], [1], [0, 0, 1, 1], [], []>, transpose_lhs_hint = false} : vector<2048x4xf32>, vector<4x64xf32>, vector<2048x64xf32> -> vector<2048x64xf32>
    %sub3A_119 = arith.subf %dot_general3A_113, %dot_general3A_118 : vector<2048x64xf32>
    %get3A_120 = arith.constant 0 : index
    %get3A_121 = arith.constant 0 : index
    %get3A_122 = vector.load %arg6[%get3A_120, %get3A_121] : memref<4x64xf32, #tpu.memory_space<vmem>>, vector<4x64xf32>
    %dot_general3A_123 = arith.constant dense<0.000000e+00> : vector<2048x64xf32>
    %dot_general3A_124 = tpu.matmul %add3A_109, %get3A_122, %dot_general3A_123 {dimension_numbers = #tpu.dot_dimension_numbers<[1], [0], [0], [1], [0, 0, 1, 1], [], []>, transpose_lhs_hint = false} : vector<2048x4xf32>, vector<4x64xf32>, vector<2048x64xf32> -> vector<2048x64xf32>
    %sub3A_125 = arith.subf %sub3A_119, %dot_general3A_124 : vector<2048x64xf32>
    %get3A_126 = arith.constant 0 : index
    %get3A_127 = arith.constant 0 : index
    %get3A_128 = vector.load %arg7[%get3A_126, %get3A_127] : memref<1x64xf32, #tpu.memory_space<vmem>>, vector<1x64xf32>
    %add3A_129 = vector.broadcast %get3A_128 : vector<1x64xf32> to vector<2048x64xf32>
    %add3A_130 = arith.addf %sub3A_125, %add3A_129 : vector<2048x64xf32>
    %max3A_131 = arith.constant 0.000000e+00 : f32
    %max3A_132 = vector.broadcast %max3A_131 : f32 to vector<2048x64xf32>
    %max3A_133 = arith.maximumf %add3A_130, %max3A_132 : vector<2048x64xf32>
    %convert_element_type3A = arith.extui %broadcast_in_dim3A_78 : vector<2048x1xi1> to vector<2048x1xi32>
    %convert_element_type3A_134 = arith.sitofp %convert_element_type3A : vector<2048x1xi32> to vector<2048x1xf32>
    %mul3A_135 = vector.broadcast %convert_element_type3A_134 : vector<2048x1xf32> to vector<2048x64xf32>
    %mul3A_136 = arith.mulf %max3A_133, %mul3A_135 : vector<2048x64xf32>
    %swap3A = arith.constant 0 : index
    %swap3A_137 = arith.constant 0 : index
    %swap3A_138 = arith.constant 0 : index
    %swap3A_139 = vector.load %arg8[%swap3A, %swap3A_137, %swap3A_138] : memref<1x2048x64xf32, #tpu.memory_space<vmem>>, vector<1x2048x64xf32>
    %swap3A_140 = vector.shape_cast %swap3A_139 : vector<1x2048x64xf32> to vector<2048x64xf32>
    %swap3A_141 = vector.shape_cast %mul3A_136 : vector<2048x64xf32> to vector<1x2048x64xf32>
    tpu.vector_store %arg8[%swap3A, %swap3A_137, %swap3A_138], %swap3A_141 {strides = array<i32>} : memref<1x2048x64xf32, #tpu.memory_space<vmem>>, vector<1x2048x64xf32>,
    return
  }
  func.func @transform_0(%arg0: i32, %arg1: i32) -> (i32, i32, i32) {
    %c0_i32 = arith.constant 0 : i32
    %c0_i32_0 = arith.constant 0 : i32
    return %arg0, %arg1, %c0_i32 : i32, i32, i32
  }
  func.func @transform_1(%arg0: i32, %arg1: i32) -> (i32, i32, i32) {
    %c0_i32 = arith.constant 0 : i32
    %c0_i32_0 = arith.constant 0 : i32
    return %arg0, %arg1, %c0_i32 : i32, i32, i32
  }
  func.func @transform_2(%arg0: i32, %arg1: i32) -> (i32, i32) {
    %c0_i32 = arith.constant 0 : i32
    %c0_i32_0 = arith.constant 0 : i32
    %c0_i32_1 = arith.constant 0 : i32
    return %c0_i32, %c0_i32_0 : i32, i32
  }
  func.func @transform_3(%arg0: i32, %arg1: i32) -> (i32, i32) {
    %c0_i32 = arith.constant 0 : i32
    %c0_i32_0 = arith.constant 0 : i32
    %c0_i32_1 = arith.constant 0 : i32
    return %c0_i32, %c0_i32_0 : i32, i32
  }
  func.func @transform_4(%arg0: i32, %arg1: i32) -> (i32, i32) {
    %c0_i32 = arith.constant 0 : i32
    %c0_i32_0 = arith.constant 0 : i32
    %c0_i32_1 = arith.constant 0 : i32
    return %c0_i32, %c0_i32_0 : i32, i32
  }
  func.func @transform_5(%arg0: i32, %arg1: i32) -> (i32, i32) {
    %c0_i32 = arith.constant 0 : i32
    %c0_i32_0 = arith.constant 0 : i32
    %c0_i32_1 = arith.constant 0 : i32
    return %c0_i32, %c0_i32_0 : i32, i32
  }
  func.func @transform_6(%arg0: i32, %arg1: i32) -> (i32, i32, i32) {
    %c0_i32 = arith.constant 0 : i32
    %c0_i32_0 = arith.constant 0 : i32
    return %arg0, %arg1, %c0_i32 : i32, i32, i32
  }
}

module attributes {stable_mosaic.version = 14 : i64} {
  func.func @_canvas_kernel(%arg0: i32, %arg1: i32, %arg2: memref<1x2048x64xf32, #tpu.memory_space<vmem>>, %arg3: memref<1x2048x4xf32, #tpu.memory_space<vmem>>, %arg4: memref<1x64x1x8x256xf32, #tpu.memory_space<vmem>>) attributes {dimension_semantics = [#tpu.dimension_semantics<arbitrary>, #tpu.dimension_semantics<arbitrary>], iteration_bounds = array<i64: 4, 32>, scalar_prefetch = 0 : i64, scratch_operands = 0 : i64, tpu.core_type = #tpu.core_type<tc>, window_params = [{transform_indices = @transform_0, window_bounds = array<i64: 1, 2048, 64>}, {transform_indices = @transform_1, window_bounds = array<i64: 1, 2048, 4>}, {transform_indices = @transform_2, window_bounds = array<i64: 1, 64, 1, 8, 256>}]} {
    %get3A = arith.constant 0 : index
    %get3A_0 = arith.constant 0 : index
    %get3A_1 = arith.constant 0 : index
    %get3A_2 = vector.load %arg2[%get3A, %get3A_0, %get3A_1] : memref<1x2048x64xf32, #tpu.memory_space<vmem>>, vector<1x2048x64xf32>
    %get3A_3 = vector.shape_cast %get3A_2 : vector<1x2048x64xf32> to vector<2048x64xf32>
    %get3A_4 = arith.constant 0 : index
    %get3A_5 = arith.constant 0 : index
    %get3A_6 = arith.constant 0 : index
    %get3A_7 = vector.load %arg3[%get3A_4, %get3A_5, %get3A_6] : memref<1x2048x4xf32, #tpu.memory_space<vmem>>, vector<1x2048x4xf32>
    %get3A_8 = vector.shape_cast %get3A_7 : vector<1x2048x4xf32> to vector<2048x4xf32>
    %iota3A = tpu.iota {dimensions = array<i32: 1>} : vector<2048x4xi32>
    %broadcast_in_dim3A = arith.constant 1.000000e+00 : f32
    %broadcast_in_dim3A_9 = vector.broadcast %broadcast_in_dim3A : f32 to vector<2048x4xf32>
    %eq3A = arith.constant 2 : i32
    %eq3A_10 = vector.broadcast %eq3A : i32 to vector<2048x4xi32>
    %eq3A_11 = arith.cmpi eq, %iota3A, %eq3A_10 : vector<2048x4xi32>
    %jit3A = arith.constant 0.000000e+00 : f32
    %broadcast_in_dim3A_12 = vector.broadcast %jit3A : f32 to vector<2048x4xf32>
    %select_n3A = arith.select %eq3A_11, %broadcast_in_dim3A_12, %broadcast_in_dim3A_9 : vector<2048x4xi1>, vector<2048x4xf32>
    %eq3A_13 = arith.constant 1 : i32
    %eq3A_14 = vector.broadcast %eq3A_13 : i32 to vector<2048x4xi32>
    %eq3A_15 = arith.cmpi eq, %iota3A, %eq3A_14 : vector<2048x4xi32>
    %jit3A_16 = arith.constant 0.000000e+00 : f32
    %broadcast_in_dim3A_17 = vector.broadcast %jit3A_16 : f32 to vector<2048x4xf32>
    %select_n3A_18 = arith.select %eq3A_15, %broadcast_in_dim3A_17, %select_n3A : vector<2048x4xi1>, vector<2048x4xf32>
    %eq3A_19 = arith.constant 0 : i32
    %eq3A_20 = vector.broadcast %eq3A_19 : i32 to vector<2048x4xi32>
    %eq3A_21 = arith.cmpi eq, %iota3A, %eq3A_20 : vector<2048x4xi32>
    %jit3A_22 = arith.constant 0.000000e+00 : f32
    %broadcast_in_dim3A_23 = vector.broadcast %jit3A_22 : f32 to vector<2048x4xf32>
    %select_n3A_24 = arith.select %eq3A_21, %broadcast_in_dim3A_23, %select_n3A_18 : vector<2048x4xi1>, vector<2048x4xf32>
    %mul3A = arith.mulf %get3A_8, %select_n3A_24 : vector<2048x4xf32>
    %reduce_sum3A = arith.constant dense<0.000000e+00> : vector<2048xf32>
    %reduce_sum3A_25 = vector.multi_reduction <add>, %mul3A, %reduce_sum3A [1] : vector<2048x4xf32> to vector<2048xf32>
    %broadcast_in_dim3A_26 = vector.shape_cast %reduce_sum3A_25 : vector<2048xf32> to vector<2048x1xf32>
    %max3A = arith.constant 1.000000e+00 : f32
    %max3A_27 = vector.broadcast %max3A : f32 to vector<2048x1xf32>
    %max3A_28 = arith.maximumf %broadcast_in_dim3A_26, %max3A_27 : vector<2048x1xf32>
    %div3A = vector.broadcast %max3A_28 : vector<2048x1xf32> to vector<2048x64xf32>
    %div3A_29 = arith.divf %get3A_3, %div3A : vector<2048x64xf32>
    %transpose3A = tpu.transpose %div3A_29, [1, 0] : vector<2048x64xf32> -> vector<64x2048xf32>
    %reshape3A = vector.shape_cast %transpose3A : vector<64x2048xf32> to vector<64x8x256xf32>
    %swap3A = arith.constant 0 : index
    %swap3A_30 = arith.constant 0 : index
    %swap3A_31 = arith.constant 0 : index
    %swap3A_32 = arith.constant 0 : index
    %swap3A_33 = arith.constant 0 : index
    %swap3A_34 = vector.load %arg4[%swap3A, %swap3A_30, %swap3A_31, %swap3A_32, %swap3A_33] : memref<1x64x1x8x256xf32, #tpu.memory_space<vmem>>, vector<1x64x1x8x256xf32>
    %swap3A_35 = vector.shape_cast %swap3A_34 : vector<1x64x1x8x256xf32> to vector<64x8x256xf32>
    %swap3A_36 = vector.shape_cast %reshape3A : vector<64x8x256xf32> to vector<1x64x1x8x256xf32>
    tpu.vector_store %arg4[%swap3A, %swap3A_30, %swap3A_31, %swap3A_32, %swap3A_33], %swap3A_36 {strides = array<i32>} : memref<1x64x1x8x256xf32, #tpu.memory_space<vmem>>, vector<1x64x1x8x256xf32>,
    return
  }
  func.func @transform_0(%arg0: i32, %arg1: i32) -> (i32, i32, i32) {
    %c0_i32 = arith.constant 0 : i32
    %c0_i32_0 = arith.constant 0 : i32
    return %arg0, %arg1, %c0_i32 : i32, i32, i32
  }
  func.func @transform_1(%arg0: i32, %arg1: i32) -> (i32, i32, i32) {
    %c0_i32 = arith.constant 0 : i32
    %c0_i32_0 = arith.constant 0 : i32
    return %arg0, %arg1, %c0_i32 : i32, i32, i32
  }
  func.func @transform_2(%arg0: i32, %arg1: i32) -> (i32, i32, i32, i32, i32) {
    %jit3A = arith.constant 2 : i32
    %eq3A = arith.constant 0 : i32
    %eq3A_0 = arith.cmpi eq, %jit3A, %eq3A : i32
    %jit3A_1 = arith.constant 1 : i32
    %select_n3A = arith.select %eq3A_0, %jit3A_1, %jit3A : i32
    %rem3A = arith.remsi %arg0, %select_n3A : i32
    %ne3A = arith.constant 0 : i32
    %ne3A_2 = arith.cmpi ne, %rem3A, %ne3A : i32
    %lt3A = arith.constant 0 : i32
    %lt3A_3 = arith.cmpi slt, %rem3A, %lt3A : i32
    %lt3A_4 = arith.constant 0 : i32
    %lt3A_5 = arith.cmpi slt, %select_n3A, %lt3A_4 : i32
    %ne3A_6 = arith.xori %lt3A_3, %lt3A_5 : i1
    %and3A = arith.andi %ne3A_6, %ne3A_2 : i1
    %add3A = arith.addi %rem3A, %select_n3A : i32
    %select_n3A_7 = arith.select %and3A, %add3A, %rem3A : i32
    %jit3A_8 = arith.constant 2 : i32
    %div3A = arith.divsi %arg0, %jit3A_8 : i32
    %sign3A = arith.constant 0 : i32
    %sign3A_9 = arith.cmpi sgt, %arg0, %sign3A : i32
    %sign3A_10 = arith.extui %sign3A_9 : i1 to i32
    %sign3A_11 = arith.constant 0 : i32
    %sign3A_12 = arith.cmpi slt, %arg0, %sign3A_11 : i32
    %sign3A_13 = arith.extui %sign3A_12 : i1 to i32
    %sign3A_14 = arith.subi %sign3A_10, %sign3A_13 : i32
    %sign3A_15 = arith.constant 0 : i32
    %sign3A_16 = arith.cmpi sgt, %jit3A_8, %sign3A_15 : i32
    %sign3A_17 = arith.extui %sign3A_16 : i1 to i32
    %sign3A_18 = arith.constant 0 : i32
    %sign3A_19 = arith.cmpi slt, %jit3A_8, %sign3A_18 : i32
    %sign3A_20 = arith.extui %sign3A_19 : i1 to i32
    %sign3A_21 = arith.subi %sign3A_17, %sign3A_20 : i32
    %ne3A_22 = arith.cmpi ne, %sign3A_14, %sign3A_21 : i32
    %rem3A_23 = arith.remsi %arg0, %jit3A_8 : i32
    %ne3A_24 = arith.constant 0 : i32
    %ne3A_25 = arith.cmpi ne, %rem3A_23, %ne3A_24 : i32
    %and3A_26 = arith.andi %ne3A_22, %ne3A_25 : i1
    %sub3A = arith.constant 1 : i32
    %sub3A_27 = arith.subi %div3A, %sub3A : i32
    %select_n3A_28 = arith.select %and3A_26, %sub3A_27, %div3A : i32
    %c0_i32 = arith.constant 0 : i32
    %c0_i32_29 = arith.constant 0 : i32
    %c0_i32_30 = arith.constant 0 : i32
    return %select_n3A_7, %c0_i32, %select_n3A_28, %arg1, %c0_i32_29 : i32, i32, i32, i32, i32
  }
}

module attributes {stable_mosaic.version = 14 : i64} {
  func.func @_pooled_kernel(%arg0: i32, %arg1: i32, %arg2: memref<1x2048x64xf32, #tpu.memory_space<vmem>>, %arg3: memref<1x2048x4xf32, #tpu.memory_space<vmem>>, %arg4: memref<1x2048x64xf32, #tpu.memory_space<vmem>>) attributes {dimension_semantics = [#tpu.dimension_semantics<arbitrary>, #tpu.dimension_semantics<arbitrary>], iteration_bounds = array<i64: 2, 32>, scalar_prefetch = 0 : i64, scratch_operands = 0 : i64, tpu.core_type = #tpu.core_type<tc>, window_params = [{transform_indices = @transform_0, window_bounds = array<i64: 1, 2048, 64>}, {transform_indices = @transform_1, window_bounds = array<i64: 1, 2048, 4>}, {transform_indices = @transform_2, window_bounds = array<i64: 1, 2048, 64>}]} {
    %get3A = arith.constant 0 : index
    %get3A_0 = arith.constant 0 : index
    %get3A_1 = arith.constant 0 : index
    %get3A_2 = vector.load %arg2[%get3A, %get3A_0, %get3A_1] : memref<1x2048x64xf32, #tpu.memory_space<vmem>>, vector<1x2048x64xf32>
    %get3A_3 = vector.shape_cast %get3A_2 : vector<1x2048x64xf32> to vector<2048x64xf32>
    %get3A_4 = arith.constant 0 : index
    %get3A_5 = arith.constant 0 : index
    %get3A_6 = arith.constant 0 : index
    %get3A_7 = vector.load %arg3[%get3A_4, %get3A_5, %get3A_6] : memref<1x2048x4xf32, #tpu.memory_space<vmem>>, vector<1x2048x4xf32>
    %get3A_8 = vector.shape_cast %get3A_7 : vector<1x2048x4xf32> to vector<2048x4xf32>
    %iota3A = tpu.iota {dimensions = array<i32: 1>} : vector<2048x4xi32>
    %broadcast_in_dim3A = arith.constant 1.000000e+00 : f32
    %broadcast_in_dim3A_9 = vector.broadcast %broadcast_in_dim3A : f32 to vector<2048x4xf32>
    %eq3A = arith.constant 2 : i32
    %eq3A_10 = vector.broadcast %eq3A : i32 to vector<2048x4xi32>
    %eq3A_11 = arith.cmpi eq, %iota3A, %eq3A_10 : vector<2048x4xi32>
    %jit3A = arith.constant 0.000000e+00 : f32
    %broadcast_in_dim3A_12 = vector.broadcast %jit3A : f32 to vector<2048x4xf32>
    %select_n3A = arith.select %eq3A_11, %broadcast_in_dim3A_12, %broadcast_in_dim3A_9 : vector<2048x4xi1>, vector<2048x4xf32>
    %eq3A_13 = arith.constant 1 : i32
    %eq3A_14 = vector.broadcast %eq3A_13 : i32 to vector<2048x4xi32>
    %eq3A_15 = arith.cmpi eq, %iota3A, %eq3A_14 : vector<2048x4xi32>
    %jit3A_16 = arith.constant 0.000000e+00 : f32
    %broadcast_in_dim3A_17 = vector.broadcast %jit3A_16 : f32 to vector<2048x4xf32>
    %select_n3A_18 = arith.select %eq3A_15, %broadcast_in_dim3A_17, %select_n3A : vector<2048x4xi1>, vector<2048x4xf32>
    %eq3A_19 = arith.constant 0 : i32
    %eq3A_20 = vector.broadcast %eq3A_19 : i32 to vector<2048x4xi32>
    %eq3A_21 = arith.cmpi eq, %iota3A, %eq3A_20 : vector<2048x4xi32>
    %jit3A_22 = arith.constant 0.000000e+00 : f32
    %broadcast_in_dim3A_23 = vector.broadcast %jit3A_22 : f32 to vector<2048x4xf32>
    %select_n3A_24 = arith.select %eq3A_21, %broadcast_in_dim3A_23, %select_n3A_18 : vector<2048x4xi1>, vector<2048x4xf32>
    %mul3A = arith.mulf %get3A_8, %select_n3A_24 : vector<2048x4xf32>
    %reduce_sum3A = arith.constant dense<0.000000e+00> : vector<2048xf32>
    %reduce_sum3A_25 = vector.multi_reduction <add>, %mul3A, %reduce_sum3A [1] : vector<2048x4xf32> to vector<2048xf32>
    %broadcast_in_dim3A_26 = vector.shape_cast %reduce_sum3A_25 : vector<2048xf32> to vector<2048x1xf32>
    %max3A = arith.constant 1.000000e+00 : f32
    %max3A_27 = vector.broadcast %max3A : f32 to vector<2048x1xf32>
    %max3A_28 = arith.maximumf %broadcast_in_dim3A_26, %max3A_27 : vector<2048x1xf32>
    %div3A = vector.broadcast %max3A_28 : vector<2048x1xf32> to vector<2048x64xf32>
    %div3A_29 = arith.divf %get3A_3, %div3A : vector<2048x64xf32>
    %swap3A = arith.constant 0 : index
    %swap3A_30 = arith.constant 0 : index
    %swap3A_31 = arith.constant 0 : index
    %swap3A_32 = vector.load %arg4[%swap3A, %swap3A_30, %swap3A_31] : memref<1x2048x64xf32, #tpu.memory_space<vmem>>, vector<1x2048x64xf32>
    %swap3A_33 = vector.shape_cast %swap3A_32 : vector<1x2048x64xf32> to vector<2048x64xf32>
    %swap3A_34 = vector.shape_cast %div3A_29 : vector<2048x64xf32> to vector<1x2048x64xf32>
    tpu.vector_store %arg4[%swap3A, %swap3A_30, %swap3A_31], %swap3A_34 {strides = array<i32>} : memref<1x2048x64xf32, #tpu.memory_space<vmem>>, vector<1x2048x64xf32>,
    return
  }
  func.func @transform_0(%arg0: i32, %arg1: i32) -> (i32, i32, i32) {
    %c0_i32 = arith.constant 0 : i32
    %c0_i32_0 = arith.constant 0 : i32
    return %arg0, %arg1, %c0_i32 : i32, i32, i32
  }
  func.func @transform_1(%arg0: i32, %arg1: i32) -> (i32, i32, i32) {
    %c0_i32 = arith.constant 0 : i32
    %c0_i32_0 = arith.constant 0 : i32
    return %arg0, %arg1, %c0_i32 : i32, i32, i32
  }
  func.func @transform_2(%arg0: i32, %arg1: i32) -> (i32, i32, i32) {
    %c0_i32 = arith.constant 0 : i32
    %c0_i32_0 = arith.constant 0 : i32
    return %arg0, %arg1, %c0_i32 : i32, i32, i32
  }
}

</mosaic_0001>

<sc_bundles>
// kernel: gather_offload_async_start
scs
__scs_entry_jumppad:
0x0: {  	(pc) =	sbr.rel $0x88, $3  }
0x1: {  	(tag) =	ssettag $0x0;
	lr =	simm.s32 $0x1  }
0x2: {  	[smem:$0x3F9D] =	sst lr;
	_ =	strace $0xD0000000  }
0x3: {  	_ = 	snop  }
0x4: {  	_ = 	snop  }
0x5: {  	_ = 	snop  }
0x6: {  	_ = 	snop  }
0x7: {  	_ = 	snop  }
__scs_overlays_trampoline_lowered:
0x8: {  	[smem:$0x3FAC] =	sst s0  }
0x9: {  	[smem:$0x3FAD] =	sst s1  }
0xa: {  	[smem:$0x3FAE] =	sst s2  }
0xb: {  	[smem:$0x3FAF] =	sst s3  }
0xc: {  	[smem:$0x3FB0] =	sst s4  }
0xd: {  	[smem:$0x3FB1] =	sst s5  }
0xe: {  	[smem:$0x3FB2] =	sst s6  }
0xf: {  	[smem:$0x3FB3] =	sst s7  }
0x10: {  	[smem:$0x3FB4] =	sst s8  }
0x11: {  	[smem:$0x3FB5] =	sst s9;
	s0 =	simm.s32 @!p0 $0x0  }
0x12: {  	s1 =	sld [smem:$0x3F9B];
	s0 =	simm.s32 @p0 $0x1  }
0x13: {  	[smem:$0x3FB6] =	sst s0;
	s0 =	simm.s32 @!p1 $0x0  }
0x14: {  	s2 =	sld [smem:$0x3F9A];
	s0 =	simm.s32 @p1 $0x1  }
0x15: {  	[smem:$0x3FB7] =	sst s0;
	s0 =	simm.s32 @!p2 $0x0  }
0x16: {  	s3 =	sld [smem:$0x3FDB];
	s0 =	simm.s32 @p2 $0x1  }
0x17: {  	s4 =	simm.s32 $0x1BF5;
	[smem:$0x3FB9] =	sst s0  }
0x18: {  	s0 =	sld [smem:$0x3F9C];
	_ =	swait.ge [sflag:s4], $0x0  }
0x19: {  	s7 =	sld [smem:$0x3F9D]  }
0x1a: {  	s8 =	sadd.s32 $0xFFFFE003, lr  }
0x1b: {  	s9 =	sadd.s32 $0xFFFFFEF7, lr;
	s5 =	simm.s32 $0xFFFFFFFF;
	p2 =	slt.u32 s8, $0xFFFFF086  }
0x1c: {  	p1 =	slt.u32 s9, $0xF7A;
	s5 =	simm.s32 @!p2 $0x0  }
0x1d: {  	s5 =	simm.s32 @p1 $0x1;
	p0 =	seq.s32 s7, s2  }
0x1e: {  	s7 =	smul.u32 @!p0 $0xF7A, s2;
	p2 =	seq.s32 @!p0 s5, $0x0  }
0x1f: {  	s9 =	smul.u32 $0xF7A, s1;
	s8 =	simm.s32 @!p0 $0x1BF5;
	p2 =	por !p2, p0  }
0x20: {  	[sflag:s8] =	ssyncset.s32 @!p0 $0xFFFFF086;
	s6 =	sadd.s32 @!p0 s3, s7;
	s7 =	simm.s32 @!p0 $0x108  }
0x21: {  	s3 =	sadd.s32 s3, s9;
	s6 =	sadd.s32 @!p0 $0x88, s6;
	s7 =	simm.s32 @p2 $0x1082  }
0x22: {  	[simem:s7], [sflag:s8] =	dma.local @!p0 [hbm:s6], $0xF7A  }
0x23: {  	s9 =	sor.u32 $0xD0000000, s2;
	s6 =	simm.s32 $0x108;
	_ =	swait.ge @!p0 [sflag:s8], $0x0  }
0x24: {  	s3 =	sadd.s32 $0x88, s3;
	s6 =	simm.s32 @!p1 $0x1082;
	[sflag:s4] =	ssyncset.s32 $0xFFFFF086  }
0x25: {  	[simem:s6], [sflag:s4] =	dma.local [hbm:s3], $0xF7A  }
0x26: {  	[smem:$0x3F9D] =	sst s1;
	(tag) =	ssettag s2;
	_ =	strace s9  }
0x27: {  	s1 =	sld [smem:$0x3FAD]  }
0x28: {  	s2 =	sld [smem:$0x3FAE]  }
0x29: {  	s4 =	sld [smem:$0x3FB0]  }
0x2a: {  	p0 =	seq.s32 s5, $0x0;
	s5 =	sld [smem:$0x3FB1]  }
0x2b: {  	s6 =	sld [smem:$0x3FB2]  }
0x2c: {  	s7 =	sld [smem:$0x3FB3]  }
0x2d: {  	s3 =	simm.s32 $0x108;
	s8 =	sld [smem:$0x3FB4]  }
0x2e: {  	s3 =	simm.s32 @!p0 $0x1082;
	s9 =	sld [smem:$0x3FB5]  }
0x2f: {  	lr =	sadd.s32 s0, s3;
	s0 =	sld [smem:$0x3FAC]  }
0x30: {  	s3 =	sld [smem:$0x3FAF]  }
0x31: {  	[smem:$0x3FB8] =	sst s10  }
0x32: {  	s10 =	sld [smem:$0x3FB6];
	_ =	sdelay $0x3  }
0x33: {  	p0 =	seq.s32 s10, $0x1;
	s10 =	sld [smem:$0x3FB8];
	_ =	sdelay $0x3  }
0x34: {  	[smem:$0x3FB8] =	sst s10  }
0x35: {  	s10 =	sld [smem:$0x3FB7];
	_ =	sdelay $0x3  }
0x36: {  	p1 =	seq.s32 s10, $0x1;
	s10 =	sld [smem:$0x3FB8];
	_ =	sdelay $0x3  }
0x37: {  	[smem:$0x3FB8] =	sst s10  }
0x38: {  	s10 =	sld [smem:$0x3FB9]  }
0x39: {  	_ = 	snop;
	(pc) =	sbr.ind lr, $3  }
0x3a: {  	_ = 	snop  }
0x3b: {  	_ = 	snop  }
0x3c: {  	p2 =	seq.s32 s10, $0x1;
	s10 =	sld [smem:$0x3FB8]  }
0x3d: {  	_ =	shalt  }
0x3e: {  	_ =	shalt  }
0x3f: {  	_ =	shalt  }
0x40: {  	_ =	shalt  }
0x41: {  	_ =	shalt  }
0x42: {  	_ =	shalt  }
0x43: {  	_ =	shalt  }
0x44: {  	_ =	shalt  }
0x45: {  	_ =	shalt  }
0x46: {  	_ =	shalt  }
0x47: {  	_ =	shalt  }
0x48: {  	_ =	shalt  }
0x49: {  	_ =	shalt  }
0x4a: {  	_ =	shalt  }
0x4b: {  	_ =	shalt  }
0x4c: {  	_ =	shalt  }
0x4d: {  	_ =	shalt  }
0x4e: {  	_ =	shalt  }
0x4f: {  	_ =	shalt  }
0x50: {  	_ =	shalt  }
0x51: {  	_ =	shalt  }
0x52: {  	_ =	shalt  }
0x53: {  	_ =	shalt  }
0x54: {  	_ =	shalt  }
0x55: {  	_ =	shalt  }
0x56: {  	_ =	shalt  }
0x57: {  	_ =	shalt  }
0x58: {  	_ =	shalt  }
0x59: {  	_ =	shalt  }
0x5a: {  	_ =	shalt  }
0x5b: {  	_ =	shalt  }
0x5c: {  	_ =	shalt  }
0x5d: {  	_ =	shalt  }
0x5e: {  	_ =	shalt  }
0x5f: {  	_ =	shalt  }
0x60: {  	_ =	shalt  }
0x61: {  	_ =	shalt  }
0x62: {  	_ =	shalt  }
0x63: {  	_ =	shalt  }
0x64: {  	_ =	shalt  }
0x65: {  	_ =	shalt  }
0x66: {  	_ =	shalt  }
0x67: {  	_ =	shalt  }
0x68: {  	_ =	shalt  }
0x69: {  	_ =	shalt  }
0x6a: {  	_ =	shalt  }
0x6b: {  	_ =	shalt  }
0x6c: {  	_ =	shalt  }
0x6d: {  	_ =	shalt  }
0x6e: {  	_ =	shalt  }
0x6f: {  	_ =	shalt  }
0x70: {  	_ =	shalt  }
0x71: {  	_ =	shalt  }
0x72: {  	_ =	shalt  }
0x73: {  	_ =	shalt  }
0x74: {  	_ =	shalt  }
0x75: {  	_ =	shalt  }
0x76: {  	_ =	shalt  }
0x77: {  	_ =	shalt  }
0x78: {  	_ =	shalt  }
0x79: {  	_ =	shalt  }
0x7a: {  	_ =	shalt  }
0x7b: {  	_ =	shalt  }
0x7c: {  	_ =	shalt  }
0x7d: {  	_ =	shalt  }
0x7e: {  	_ =	shalt  }
0x7f: {  	_ =	shalt  }
0x80: {  	_ =	shalt  }
0x81: {  	_ =	shalt  }
0x82: {  	_ =	shalt  }
0x83: {  	_ =	shalt  }
0x84: {  	_ =	shalt  }
0x85: {  	_ =	shalt  }
0x86: {  	_ =	shalt  }
0x87: {  	_ =	shalt  }
.Lfunc_end0:
.L_simem_size_0:
called_computation.4_lowered:
.L_overlay_start_0:
0x88: {  	s2 =	sld [smem:$0x3FD9]  }
0x89: {  	s3 =	sld [smem:$0x3FFE];
	_ =	sdelay $0x1  }
0x8a: {  	s1 =	srdreg.scid  }
0x8b: {  	s0 =	sand.u32 $0x1, s1  }
0x8c: {  	s14 =	sshll.u32 s0, $0xA;
	s2 =	sadd.s32 s3, s2  }
0x8d: {  	s2 =	sadd.s32 s2, s14  }
0x8e: {  	[smem:$0x3FC4] =	sst s2  }
0x8f: {  	_ = 	snop  }
0x90: {  	s2 =	sld [smem:$0x3FD0];
	_ =	sdelay $0x2  }
0x91: {  	s15 =	simm.s32 $0xB;
	s4 =	simm.s32 $0x10  }
0x92: {  	[smem:s4], [sflag:s15] =	dma.local [hbm:s2], $0x1  }
0x93: {  	_ =	swait.eq [sflag:s15], $0x1  }
0x94: {  	[sflag:s15] =	ssyncset.done $0x0  }
0x95: {  	[sflag:s15] =	ssyncadd.s32 $0xFFFFFFFF  }
0x96: {  	s16 =	sld [smem:$0x11];
	(tm) =	ssettm $0x1  }
0x97: {  	s17 =	sld [smem:$0x3FFB];
	_ =	sdelay $0x3  }
0x98: {  	_ =	strace s17  }
0x99: {  	s3 =	sld [smem:$0x3FFC];
	_ =	sdelay $0x3  }
0x9a: {  	_ =	strace s3  }
0x9b: {  	s3 =	sld [smem:$0x3FFD];
	_ =	sdelay $0x3  }
0x9c: {  	_ =	strace s3  }
0x9d: {  	_ =	strace $0x8FFFFFFF  }
0x9e: {  	s18 =	sld [smem:$0x3FDB];
	_ =	sdelay $0x1  }
0x9f: {  	s19 =	simm.s32 $_scs_section_size  }
0xa0: {  	s5 =	simm.s32 $_size__tile_overlayer_lowered;
	s6 =	simm.s32 $_tile_overlayer_lowered  }
0xa1: {  	s22 =	simm.s32 $0x1BFF;
	s21 =	sshll.u32 s6, $0x1;
	s3 =	sadd.s32 s19, s18  }
0xa2: {  	s7 =	simm.s32 $0x0;
	s20 =	sshll.u32 s5, $0x1;
	s5 =	sadd.s32 s21, s3  }
0xa3: {  	[timem:s7], [sflag:s22] =	dma.local [hbm:s5], s20  }
0xa4: {  	_ =	swait.ge [sflag:s22], s20  }
0xa5: {  	s4 =	ssub.s32 $0x0, s20;
	[sflag:s22] =	ssyncset.done $0x0  }
0xa6: {  	[sflag:s22] =	ssyncadd.s32 s4;
	_ =	sdelay $0x1  }
0xa7: {  	s23 =	simm.s32 $0x1B8B  }
0xa8: {  	_ =	swait.ge [sflag:s23], $0x1  }
0xa9: {  	[sflag:s23] =	ssyncset.done $0x0  }
0xaa: {  	s25 =	simm.s32 $0x1B8E;
	s24 =	sld [smem:$0x3FFE];
	[sflag:s23] =	ssyncadd.s32 $0xFFFFFFFF  }
0xab: {  	s26 =	simm.s32 $execute0_lowered;
	[smem:$0x3FD2] =	sst s25  }
0xac: {  	s5 =	sshll.u32 s26, $0x1;
	_ =	strace $0x80000049;
	[dreg:$0x1] =	wrdreg $0xFFFFFFFF  }
0xad: {  	s28 =	simm.s32 $_size_execute0_lowered;
	s3 =	sadd.s32 s3, s5;
	[dreg:$0x0] =	wrdreg $0x0  }
0xae: {  	s5 =	sshll.u32 s28, $0x1;
	[dreg:$0x2] =	wrdreg s3  }
0xaf: {  	[dreg:$0x3] =	wrdreg s5  }
0xb0: {  	[dreg:$0x4] =	wrdreg $0xC0  }
0xb1: {  	_ =	task [dreg:s7], $0x5FFFF  }
0xb2: {  	[dreg:$0x1] =	wrdreg $0xFFFFFFFF  }
0xb3: {  	[dreg:$0x0] =	wrdreg $0x60  }
0xb4: {  	[dreg:$0x2] =	wrdreg s24  }
0xb5: {  	[dreg:$0x3] =	wrdreg s16  }
0xb6: {  	[dreg:$0x4] =	wrdreg $0x9  }
0xb7: {  	_ =	task.clear_ibuf [dreg:s7], $0x5FFFF;
	_ =	strace $0x90000049  }
0xb8: {  	s29 =	simm.s32 $0x9;
	_ =	strace $0x8000004B  }
0xb9: {  	_ =	swait.ge [sflag:s29], $0x1  }
0xba: {  	[sflag:s29] =	ssyncadd.s32 $0xFFFFFFFF  }
0xbb: {  	_ =	strace $0x9000004B  }
0xbc: {  	_ =	sfence  }
0xbd: {  	s30 =	sld [smem:$0x0];
	_ =	sdelay $0x2  }
0xbe: {  	s31 =	sshll.u32 s1, $0xD;
	s1 =	sshrl.u32 s1, $0x2  }
0xbf: {  	s3 =	sand.u32 $0x4000, s31;
	s1 =	sadd.s32 s1, s30  }
0xc0: {  	s0 =	sor.u32 s3, s0;
	s1 =	sshll.u32 s1, $0x11  }
0xc1: {  	s0 =	sor.u32 s1, s0  }
0xc2: {  	s0 =	sadd.s32 $0x8F2B, s0  }
0xc3: {  	[sflag:s0] =	ssyncadd.remote.s32 $0x1  }
0xc4: {  	_ =	sfence.sel $0xFFFF  }
0xc5: {  	[dreg:$0x0] =	wrdreg $0xFFFFFFFF;
	(pc) =	sbr.abs _section_cstart, $3  }
0xc6: {  	[dreg:$0x1] =	wrdreg $0xFFFFFFFF  }
0xc7: {  	_ =	task.clear_ibuf [dreg:s7], $0x2FFFF;
	_ =	strace $0x9FFFFFFF  }
0xc8: {  	(tm) =	ssettm $0x7FFFFFFF  }
0xc9: {  	_ =	shalt  }
tec
execute0_lowered:
.L_overlay_start_1:
0x0: {  	(tag) =	ssettag $0x1  }
0x1: {  	s2 =	rddreg [dreg:$0x0];
	s0 =	srdreg.scid  }
0x2: {  	s3 =	rddreg [dreg:$0x1];
	s1 =	stileid.u32;
	s6 =	simm.s32 $0x2  }
0x3: {  	s4 =	sshll.u32 s0, $0x4;
	s0 =	rddreg [dreg:$0x2];
	_ =	strace $0x8000004A  }
.Ltmp0:
0x4: {  	s5 =	sand.u32 $0x10, s4;
	s4 =	simm.s32 $0x1;
	(pc) =	sbr.rel .LBB2_1-.Ltmp0, $4  }
0x5: {  	s9 =	simm.s32 $0x3;
	s5 =	sor.u32 s1, s5;
	[sflag:s4] =	ssyncpa.u1 $0x0  }
0x6: {  	s11 =	simm.s32 $0x0;
	s5 =	smul.u32 $0x3200, s5;
	[sflag:s6] =	ssyncpa.u1 $0x0  }
0x7: {  	p0 =	por $0x0, $0x0;
	s7 =	sadd.s32 $0x408000, s2;
	[sflag:s9] =	ssyncpa.u1 $0x0  }
0x8: {  	vm0 =	vmmov $0xff;
	vm1 =	vcmask $0x3F20;
	s9 =	simm.s32 $0x0;
	s8 =	sadd.s32 $0x3200, s5;
	s10 =	smov.u32 s5  }
.LBB2_6:
0x9: {  	[hbm:s15] =	stream.linear.scatter [tilespmem:s12], [sflag:$0x3], $0x400, $0x38;
	[tilespmem:$0x14280] =	vst v63  }
.LBB2_7:
0xa: {  	p1 =	slt.u32 s9, $0x2;
	s11 =	sadd.s32 $0x140, s10  }
0xb: {  	s13 =	smov.u32 s5;
	s9 =	sadd.s32 $0x1, s9;
	p2 =	slt.s32 s11, s8  }
0xc: {  	s13 =	smov.u32 @p2 s11;
	p2 =	sne.s32 s9, $0x2A  }
.Ltmp1:
0xd: {  	_ = 	snop;
	(pc) =	sbr.rel @!p2 .LBB2_8-.Ltmp1, $4  }
0xe: {  	s12 =	simm.s32 @!p1 $0x3  }
0xf: {  	_ =	swait.ge @!p1 [sflag:s12], $0xA000  }
0x10: {  	p0 =	por !p0, !p0;
	[sflag:s12] =	ssyncset.done @!p1 $0x0  }
0x11: {  	s11 =	smov.u32 s10;
	s10 =	smov.u32 s13;
	[sflag:s12] =	ssyncadd.s32 @!p1 $0xFFFF6000  }
.LBB2_1:
0x12: {  	p1 =	sgt.u32 s9, $0x27  }
0x13: {  	s12 =	sxor.u32 @!p1 $0xFFFFFFFF, s9  }
0x14: {  	s12 =	sand.u32 @!p1 $0x1, s12  }
0x15: {  	s12 =	smul.u32 @!p1 $0x500, s12  }
0x16: {  	s31 =	sadd.s32 $0xFFFFFFFF, s9;
	s13 =	sshrl.u32 @!p1 s10, $0x3  }
0x17: {  	s14 =	sand.u32 @!p1 $0x7, s10;
	s13 =	sadd.s32 @!p1 s3, s13;
	s12 =	sshrl.u32 @!p1 s12, $0x2  }
0x18: {  	[tilespmem:s12], [sflag:$0x2] =	stream.linear.gather @!p1 [hbm4b:s13+s14], $0x140, $0x38;
	[tilespmem:$0x14280] =	vst v63  }
0x19: {  	p1 =	sgt.u32 s31, $0x27  }
.Ltmp2:
0x1a: {  	_ = 	snop;
	(pc) =	sbr.rel @p1 .LBB2_7-.Ltmp2, $1  }
0x1b: {  	_ =	sdelay $0x3  }
0x1c: {  	s12 =	simm.s32 $0x1  }
0x1d: {  	s12 =	simm.s32 @!p0 $0x0  }
0x1e: {  	s13 =	smul.u32 $0x500, s12  }
0x1f: {  	_ =	swait.ge [sflag:s6], $0x140  }
0x20: {  	[sflag:s6] =	ssyncset.done $0x0;
	s14 =	sshrl.u32 s13, $0x2  }
0x21: {  	[sflag:s6] =	ssyncadd.s32 $0xFFFFFEC0;
	s13 =	sadd.s32 $0x0, s14  }
0x22: {  	v0 =	vld.msk [tilespmem:s13+$0x0 ss:$0x1], $0xffff;
	_ =	sdelay $0x4  }
0x23: {  	v1 =	vand.u32 $0x3, v0;
	v2 =	vshll.u32 v0, $0x5  }
0x24: {  	vm2 =	veq.s32 v0, $0x80000000;
	v0 =	vmul.u32 $0x810000, v1;
	v1 =	vand.u32 $0xFFFF80, v2  }
0x25: {  	v1 =	vsel vm2, $0xFFFFFF80, v1  }
0x26: {  	v0 =	vsel vm2, $0xFF7F0000, v0;
	v2 =	vand.u32 $0xFFFFFC00, v1  }
0x27: {  	v1 =	vand.u32 $0x380, v1;
	v0 =	vadd.s32 v0, v2  }
0x28: {  	v0 =	vor.u32 v1, v0  }
0x29: {  	v0 =	vshrl.u32 v0, $0x3  }
0x2a: {  	s12 =	smul.u32 $0x28000, s12;
	_ =	sdelay $0x1  }
0x2b: {  	s12 =	sshrl.u32 s12, $0x2  }
0x2c: {  	s12 =	sor.u32 $0x280, s12  }
0x2d: {  	[tilespmem:s12], [sflag:$0x1] =	stream.indirect_vreg.gather [hbm:s2], $0x80, v0, vm0, $0x38;
	[tilespmem:$0x14280] =	vst v63  }
0x2e: {  	s15 =	sadd.s32 $0x10, s14;
	s13 =	sadd.s32 $0x400, s12  }
0x2f: {  	[tilespmem:s13], [sflag:$0x1] =	stream.indirect_vreg.gather [hbm:s2], $0x80, v0, vm1, $0x38;
	[tilespmem:$0x14280] =	vst v63  }
0x30: {  	s16 =	simm.s32 $0x80;
	v0 =	vld.msk [tilespmem:s15+$0x0 ss:$0x1], $0xffff;
	s15 =	smov.u32 s12  }
.LBB2_3:
0x31: {  	p1 =	sne.s32 s16, $0x4C0;
	_ =	sdelay $0x4  }
0x32: {  	v1 =	vand.u32 $0x3, v0;
	v2 =	vshll.u32 v0, $0x5  }
0x33: {  	vm2 =	veq.s32 v0, $0x80000000;
	v0 =	vmul.u32 $0x810000, v1;
	v1 =	vand.u32 $0xFFFF80, v2  }
0x34: {  	v1 =	vsel vm2, $0xFFFFFF80, v1  }
0x35: {  	v0 =	vsel vm2, $0xFF7F0000, v0;
	v2 =	vand.u32 $0xFFFFFC00, v1  }
0x36: {  	v1 =	vand.u32 $0x380, v1;
	v0 =	vadd.s32 v0, v2  }
0x37: {  	v0 =	vor.u32 v1, v0  }
0x38: {  	v0 =	vshrl.u32 v0, $0x3;
	_ =	sdelay $0x3  }
.Ltmp3:
0x39: {  	s17 =	sshra.s32 s16, $0x2;
	s15 =	sadd.s32 $0x800, s15;
	(pc) =	sbr.rel @p1 .LBB2_3-.Ltmp3, $4  }
0x3a: {  	[tilespmem:s15], [sflag:$0x1] =	stream.indirect_vreg.gather [hbm:s2], $0x80, v0, vm0, $0x38;
	[tilespmem:$0x14280] =	vst v63  }
0x3b: {  	s17 =	sadd.s32 s17, s14;
	s18 =	sadd.s32 $0x400, s15  }
0x3c: {  	[tilespmem:s18], [sflag:$0x1] =	stream.indirect_vreg.gather [hbm:s2], $0x80, v0, vm1, $0x38;
	[tilespmem:$0x14280] =	vst v63  }
0x3d: {  	s16 =	sadd.s32 $0x40, s16;
	v0 =	vld.msk [tilespmem:s17+$0x0 ss:$0x1], $0xffff  }
0x3e: {  	_ =	sdelay $0x3  }
0x3f: {  	v1 =	vand.u32 $0x3, v0;
	v2 =	vshll.u32 v0, $0x5  }
0x40: {  	vm2 =	veq.s32 v0, $0x80000000;
	v61 =	vmul.u32 $0x810000, v1;
	v62 =	vand.u32 $0xFFFF80, v2  }
0x41: {  	v1 =	vsel vm2, $0xFFFFFF80, v62  }
0x42: {  	v0 =	vsel vm2, $0xFF7F0000, v61;
	v63 =	vand.u32 $0xFFFFFC00, v1  }
0x43: {  	v1 =	vand.u32 $0x380, v1;
	v0 =	vadd.s32 v0, v63  }
0x44: {  	v0 =	vor.u32 v1, v0  }
0x45: {  	v0 =	vshrl.u32 v0, $0x3;
	_ =	sdelay $0x3  }
0x46: {  	s14 =	sadd.s32 $0x800, s15  }
0x47: {  	[tilespmem:s14], [sflag:$0x1] =	stream.indirect_vreg.gather [hbm:s2], $0x80, v0, vm0, $0x38;
	[tilespmem:$0x14280] =	vst v63  }
0x48: {  	s14 =	sadd.s32 $0x400, s14  }
0x49: {  	[tilespmem:s14], [sflag:$0x1] =	stream.indirect_vreg.gather [hbm:s2], $0x80, v0, vm1, $0x38;
	[tilespmem:$0x14280] =	vst v63  }
0x4a: {  	s11 =	sshll.u32 s11, $0x4;
	_ =	swait.ge [sflag:s4], $0xA000  }
0x4b: {  	s11 =	sadd.s32 s11, s7;
	[sflag:s4] =	ssyncset.done $0x0  }
0x4c: {  	s15 =	sadd.s32 $0x0, s11;
	s14 =	simm.s32 $0x80;
	[sflag:s4] =	ssyncadd.s32 $0xFFFF6000  }
.LBB2_5:
0x4d: {  	[hbm:s15] =	stream.linear.scatter [tilespmem:s12], [sflag:$0x3], $0x400, $0x38;
	[tilespmem:$0x14280] =	vst v63  }
0x4e: {  	s15 =	smov.u32 s14;
	s12 =	smov.u32 s13;
	p1 =	sne.s32 s14, $0x1380  }
.Ltmp4:
0x4f: {  	s14 =	sadd.s32 $0x80, s14;
	(pc) =	sbr.rel @p1 .LBB2_5-.Ltmp4, $2  }
0x50: {  	_ =	sdelay $0x2  }
0x51: {  	s13 =	sadd.s32 $0x400, s13;
	s15 =	sadd.s32 s15, s11  }
.Ltmp5:
0x52: {  	_ = 	snop;
	(pc) =	sbr.rel .LBB2_6-.Ltmp5, $1  }
0x53: {  	_ =	sdelay $0x3  }
.LBB2_8:
0x54: {  	_ =	sfence.sel $0x180000  }
0x55: {  	s2 =	simm.s32 $0x2;
	[bflag:$0x0] =	sbarrier.arrive $0xFFFF  }
0x56: {  	s30 =	simm.s32 $0x3;
	[sflag:s2] =	ssyncpa.u1 $0x1  }
0x57: {  	s31 =	simm.s32 $0x1;
	[sflag:s30] =	ssyncpa.u1 $0x1  }
0x58: {  	[sflag:s31] =	ssyncpa.u1 $0x1  }
0x59: {  	p0 =	sne.s32 s1, $0x0;
	_ =	strace $0x9000004A  }
0x5a: {  	s0 =	sadd.s32 @!p0 $0x100000, s0;
	[bflag:$0x2] =	sbarrier.arrive $0xFFFF  }
0x5b: {  	[sflag:s0] =	ssyncadd.tile.s32 @!p0 $0x1;
	_ =	shalt  }
.Lfunc_end2:
_tile_overlayer_lowered:
.L_overlay_start_2:
0x5c: {  	(tag) =	ssettag $0x2  }
0x5d: {  	s0 =	rddreg [dreg:$0x0];
	s2 =	stileid.u32  }
0x5e: {  	s1 =	rddreg [dreg:$0x1];
	p0 =	sne.s32 s2, $0x0  }
0x5f: {  	s3 =	rddreg [dreg:$0x2];
	[bflag:$0x3] =	sbarrier.arrive $0xFFFF;
	s2 =	simm.s32 @!p0 $0x1C01  }
0x60: {  	[timem:s3], [sflag:s2] =	dma.local @!p0 [hbm:s0], s1  }
0x61: {  	s0 =	simm.s32 @!p0 $0x1  }
0x62: {  	_ =	swait.ge @!p0 [sflag:s0], s1  }
0x63: {  	s1 =	ssub.s32 @!p0 $0x0, s1;
	[sflag:s0] =	ssyncset.done @!p0 $0x0  }
0x64: {  	[sflag:s0] =	ssyncadd.s32 @!p0 s1  }
0x65: {  	[bflag:$0x3] =	sbarrier.arrive $0xFFFF  }
0x66: {  	_ =	shalt  }

// kernel: scatter_offload_async_start.1
scs
__scs_entry_jumppad:
0x0: {  	(pc) =	sbr.rel $0x88, $3  }
0x1: {  	(tag) =	ssettag $0x0;
	lr =	simm.s32 $0x1  }
0x2: {  	[smem:$0x3F9D] =	sst lr;
	_ =	strace $0xD0000000  }
0x3: {  	_ = 	snop  }
0x4: {  	_ = 	snop  }
0x5: {  	_ = 	snop  }
0x6: {  	_ = 	snop  }
0x7: {  	_ = 	snop  }
__scs_overlays_trampoline_lowered:
0x8: {  	[smem:$0x3FAC] =	sst s0  }
0x9: {  	[smem:$0x3FAD] =	sst s1  }
0xa: {  	[smem:$0x3FAE] =	sst s2  }
0xb: {  	[smem:$0x3FAF] =	sst s3  }
0xc: {  	[smem:$0x3FB0] =	sst s4  }
0xd: {  	[smem:$0x3FB1] =	sst s5  }
0xe: {  	[smem:$0x3FB2] =	sst s6  }
0xf: {  	[smem:$0x3FB3] =	sst s7  }
0x10: {  	[smem:$0x3FB4] =	sst s8  }
0x11: {  	[smem:$0x3FB5] =	sst s9;
	s0 =	simm.s32 @!p0 $0x0  }
0x12: {  	s1 =	sld [smem:$0x3F9B];
	s0 =	simm.s32 @p0 $0x1  }
0x13: {  	[smem:$0x3FB6] =	sst s0;
	s0 =	simm.s32 @!p1 $0x0  }
0x14: {  	s2 =	sld [smem:$0x3F9A];
	s0 =	simm.s32 @p1 $0x1  }
0x15: {  	[smem:$0x3FB7] =	sst s0;
	s0 =	simm.s32 @!p2 $0x0  }
0x16: {  	s3 =	sld [smem:$0x3FDB];
	s0 =	simm.s32 @p2 $0x1  }
0x17: {  	s4 =	simm.s32 $0x1BF5;
	[smem:$0x3FB9] =	sst s0  }
0x18: {  	s0 =	sld [smem:$0x3F9C];
	_ =	swait.ge [sflag:s4], $0x0  }
0x19: {  	s7 =	sld [smem:$0x3F9D]  }
0x1a: {  	s8 =	sadd.s32 $0xFFFFE003, lr  }
0x1b: {  	s9 =	sadd.s32 $0xFFFFFEF7, lr;
	s5 =	simm.s32 $0xFFFFFFFF;
	p2 =	slt.u32 s8, $0xFFFFF086  }
0x1c: {  	p1 =	slt.u32 s9, $0xF7A;
	s5 =	simm.s32 @!p2 $0x0  }
0x1d: {  	s5 =	simm.s32 @p1 $0x1;
	p0 =	seq.s32 s7, s2  }
0x1e: {  	s7 =	smul.u32 @!p0 $0xF7A, s2;
	p2 =	seq.s32 @!p0 s5, $0x0  }
0x1f: {  	s9 =	smul.u32 $0xF7A, s1;
	s8 =	simm.s32 @!p0 $0x1BF5;
	p2 =	por !p2, p0  }
0x20: {  	[sflag:s8] =	ssyncset.s32 @!p0 $0xFFFFF086;
	s6 =	sadd.s32 @!p0 s3, s7;
	s7 =	simm.s32 @!p0 $0x108  }
0x21: {  	s3 =	sadd.s32 s3, s9;
	s6 =	sadd.s32 @!p0 $0x88, s6;
	s7 =	simm.s32 @p2 $0x1082  }
0x22: {  	[simem:s7], [sflag:s8] =	dma.local @!p0 [hbm:s6], $0xF7A  }
0x23: {  	s9 =	sor.u32 $0xD0000000, s2;
	s6 =	simm.s32 $0x108;
	_ =	swait.ge @!p0 [sflag:s8], $0x0  }
0x24: {  	s3 =	sadd.s32 $0x88, s3;
	s6 =	simm.s32 @!p1 $0x1082;
	[sflag:s4] =	ssyncset.s32 $0xFFFFF086  }
0x25: {  	[simem:s6], [sflag:s4] =	dma.local [hbm:s3], $0xF7A  }
0x26: {  	[smem:$0x3F9D] =	sst s1;
	(tag) =	ssettag s2;
	_ =	strace s9  }
0x27: {  	s1 =	sld [smem:$0x3FAD]  }
0x28: {  	s2 =	sld [smem:$0x3FAE]  }
0x29: {  	s4 =	sld [smem:$0x3FB0]  }
0x2a: {  	p0 =	seq.s32 s5, $0x0;
	s5 =	sld [smem:$0x3FB1]  }
0x2b: {  	s6 =	sld [smem:$0x3FB2]  }
0x2c: {  	s7 =	sld [smem:$0x3FB3]  }
0x2d: {  	s3 =	simm.s32 $0x108;
	s8 =	sld [smem:$0x3FB4]  }
0x2e: {  	s3 =	simm.s32 @!p0 $0x1082;
	s9 =	sld [smem:$0x3FB5]  }
0x2f: {  	lr =	sadd.s32 s0, s3;
	s0 =	sld [smem:$0x3FAC]  }
0x30: {  	s3 =	sld [smem:$0x3FAF]  }
0x31: {  	[smem:$0x3FB8] =	sst s10  }
0x32: {  	s10 =	sld [smem:$0x3FB6];
	_ =	sdelay $0x3  }
0x33: {  	p0 =	seq.s32 s10, $0x1;
	s10 =	sld [smem:$0x3FB8];
	_ =	sdelay $0x3  }
0x34: {  	[smem:$0x3FB8] =	sst s10  }
0x35: {  	s10 =	sld [smem:$0x3FB7];
	_ =	sdelay $0x3  }
0x36: {  	p1 =	seq.s32 s10, $0x1;
	s10 =	sld [smem:$0x3FB8];
	_ =	sdelay $0x3  }
0x37: {  	[smem:$0x3FB8] =	sst s10  }
0x38: {  	s10 =	sld [smem:$0x3FB9]  }
0x39: {  	_ = 	snop;
	(pc) =	sbr.ind lr, $3  }
0x3a: {  	_ = 	snop  }
0x3b: {  	_ = 	snop  }
0x3c: {  	p2 =	seq.s32 s10, $0x1;
	s10 =	sld [smem:$0x3FB8]  }
0x3d: {  	_ =	shalt  }
0x3e: {  	_ =	shalt  }
0x3f: {  	_ =	shalt  }
0x40: {  	_ =	shalt  }
0x41: {  	_ =	shalt  }
0x42: {  	_ =	shalt  }
0x43: {  	_ =	shalt  }
0x44: {  	_ =	shalt  }
0x45: {  	_ =	shalt  }
0x46: {  	_ =	shalt  }
0x47: {  	_ =	shalt  }
0x48: {  	_ =	shalt  }
0x49: {  	_ =	shalt  }
0x4a: {  	_ =	shalt  }
0x4b: {  	_ =	shalt  }
0x4c: {  	_ =	shalt  }
0x4d: {  	_ =	shalt  }
0x4e: {  	_ =	shalt  }
0x4f: {  	_ =	shalt  }
0x50: {  	_ =	shalt  }
0x51: {  	_ =	shalt  }
0x52: {  	_ =	shalt  }
0x53: {  	_ =	shalt  }
0x54: {  	_ =	shalt  }
0x55: {  	_ =	shalt  }
0x56: {  	_ =	shalt  }
0x57: {  	_ =	shalt  }
0x58: {  	_ =	shalt  }
0x59: {  	_ =	shalt  }
0x5a: {  	_ =	shalt  }
0x5b: {  	_ =	shalt  }
0x5c: {  	_ =	shalt  }
0x5d: {  	_ =	shalt  }
0x5e: {  	_ =	shalt  }
0x5f: {  	_ =	shalt  }
0x60: {  	_ =	shalt  }
0x61: {  	_ =	shalt  }
0x62: {  	_ =	shalt  }
0x63: {  	_ =	shalt  }
0x64: {  	_ =	shalt  }
0x65: {  	_ =	shalt  }
0x66: {  	_ =	shalt  }
0x67: {  	_ =	shalt  }
0x68: {  	_ =	shalt  }
0x69: {  	_ =	shalt  }
0x6a: {  	_ =	shalt  }
0x6b: {  	_ =	shalt  }
0x6c: {  	_ =	shalt  }
0x6d: {  	_ =	shalt  }
0x6e: {  	_ =	shalt  }
0x6f: {  	_ =	shalt  }
0x70: {  	_ =	shalt  }
0x71: {  	_ =	shalt  }
0x72: {  	_ =	shalt  }
0x73: {  	_ =	shalt  }
0x74: {  	_ =	shalt  }
0x75: {  	_ =	shalt  }
0x76: {  	_ =	shalt  }
0x77: {  	_ =	shalt  }
0x78: {  	_ =	shalt  }
0x79: {  	_ =	shalt  }
0x7a: {  	_ =	shalt  }
0x7b: {  	_ =	shalt  }
0x7c: {  	_ =	shalt  }
0x7d: {  	_ =	shalt  }
0x7e: {  	_ =	shalt  }
0x7f: {  	_ =	shalt  }
0x80: {  	_ =	shalt  }
0x81: {  	_ =	shalt  }
0x82: {  	_ =	shalt  }
0x83: {  	_ =	shalt  }
0x84: {  	_ =	shalt  }
0x85: {  	_ =	shalt  }
0x86: {  	_ =	shalt  }
0x87: {  	_ =	shalt  }
.Lfunc_end0:
.L_simem_size_0:
called_computation.1_lowered:
.L_overlay_start_0:
0x88: {  	s2 =	sld [smem:$0x3FD9]  }
0x89: {  	s3 =	sld [smem:$0x3FFE];
	_ =	sdelay $0x1  }
0x8a: {  	s1 =	srdreg.scid  }
0x8b: {  	s0 =	sand.u32 $0x1, s1  }
0x8c: {  	s13 =	sshll.u32 s0, $0xA;
	s2 =	sadd.s32 s3, s2  }
0x8d: {  	s2 =	sadd.s32 s2, s13  }
0x8e: {  	[smem:$0x3FC4] =	sst s2  }
0x8f: {  	_ = 	snop  }
0x90: {  	s2 =	sld [smem:$0x3FD0];
	_ =	sdelay $0x2  }
0x91: {  	s14 =	simm.s32 $0xB;
	s4 =	simm.s32 $0x10  }
0x92: {  	[smem:s4], [sflag:s14] =	dma.local [hbm:s2], $0x1  }
0x93: {  	_ =	swait.eq [sflag:s14], $0x1  }
0x94: {  	[sflag:s14] =	ssyncset.done $0x0  }
0x95: {  	s15 =	sld [smem:$0x10];
	[sflag:s14] =	ssyncadd.s32 $0xFFFFFFFF  }
0x96: {  	s16 =	sld [smem:$0x12];
	(tm) =	ssettm $0x1  }
0x97: {  	s17 =	sld [smem:$0x3FFB];
	_ =	sdelay $0x3  }
0x98: {  	_ =	strace s17  }
0x99: {  	s4 =	sld [smem:$0x3FFC];
	_ =	sdelay $0x3  }
0x9a: {  	_ =	strace s4  }
0x9b: {  	s4 =	sld [smem:$0x3FFD];
	_ =	sdelay $0x3  }
0x9c: {  	_ =	strace s4  }
0x9d: {  	_ =	strace $0x8FFFFFFF  }
0x9e: {  	s18 =	sld [smem:$0x3FDB];
	_ =	sdelay $0x1  }
0x9f: {  	s5 =	simm.s32 $_scs_section_size  }
0xa0: {  	s6 =	simm.s32 $_size__tile_overlayer_lowered;
	s7 =	simm.s32 $_tile_overlayer_lowered  }
0xa1: {  	s21 =	simm.s32 $0x1BFF;
	s20 =	sshll.u32 s7, $0x1;
	s4 =	sadd.s32 s5, s18  }
0xa2: {  	s8 =	simm.s32 $0x0;
	s19 =	sshll.u32 s6, $0x1;
	s6 =	sadd.s32 s20, s4  }
0xa3: {  	[timem:s8], [sflag:s21] =	dma.local [hbm:s6], s19  }
0xa4: {  	_ =	swait.ge [sflag:s21], s19  }
0xa5: {  	s5 =	ssub.s32 $0x0, s19;
	[sflag:s21] =	ssyncset.done $0x0  }
0xa6: {  	[sflag:s21] =	ssyncadd.s32 s5;
	_ =	sdelay $0x1  }
0xa7: {  	s22 =	simm.s32 $0x1B8B  }
0xa8: {  	_ =	swait.ge [sflag:s22], $0x1  }
0xa9: {  	[sflag:s22] =	ssyncset.done $0x0  }
0xaa: {  	s23 =	sld [smem:$0x3FFE];
	[sflag:s22] =	ssyncadd.s32 $0xFFFFFFFF  }
0xab: {  	s25 =	simm.s32 $0x1B8E;
	s24 =	sld [smem:$0x0]  }
0xac: {  	s26 =	simm.s32 $execute0_lowered;
	[smem:$0x3FD2] =	sst s25  }
0xad: {  	s7 =	sshll.u32 s26, $0x1;
	_ =	strace $0x8000004C;
	[dreg:$0x1] =	wrdreg $0xFFFFFFFF  }
0xae: {  	s28 =	simm.s32 $_size_execute0_lowered;
	s4 =	sadd.s32 s4, s7;
	[dreg:$0x0] =	wrdreg $0x0  }
0xaf: {  	s7 =	sshll.u32 s28, $0x1;
	[dreg:$0x2] =	wrdreg s4  }
0xb0: {  	[dreg:$0x3] =	wrdreg s7  }
0xb1: {  	[dreg:$0x4] =	wrdreg $0xC0  }
0xb2: {  	_ =	task [dreg:s8], $0x5FFFF  }
0xb3: {  	[dreg:$0x1] =	wrdreg $0xFFFFFFFF  }
0xb4: {  	[dreg:$0x0] =	wrdreg $0x60  }
0xb5: {  	[dreg:$0x2] =	wrdreg s23  }
0xb6: {  	[dreg:$0x3] =	wrdreg s16  }
0xb7: {  	[dreg:$0x4] =	wrdreg s15  }
0xb8: {  	[dreg:$0x5] =	wrdreg s1  }
0xb9: {  	[dreg:$0x6] =	wrdreg s24  }
0xba: {  	[dreg:$0x7] =	wrdreg $0xA  }
0xbb: {  	_ =	task.clear_ibuf [dreg:s8], $0x8FFFF;
	_ =	strace $0x9000004C  }
0xbc: {  	s29 =	simm.s32 $0xA;
	_ =	strace $0x8000004E  }
0xbd: {  	_ =	swait.ge [sflag:s29], $0x1  }
0xbe: {  	[sflag:s29] =	ssyncadd.s32 $0xFFFFFFFF  }
0xbf: {  	_ =	strace $0x9000004E  }
0xc0: {  	_ =	sfence  }
0xc1: {  	s30 =	sld [smem:$0x0];
	_ =	sdelay $0x2  }
0xc2: {  	s31 =	sshll.u32 s1, $0xD;
	s1 =	sshrl.u32 s1, $0x2  }
0xc3: {  	s3 =	sand.u32 $0x4000, s31;
	s1 =	sadd.s32 s1, s30  }
0xc4: {  	s0 =	sor.u32 s3, s0;
	s1 =	sshll.u32 s1, $0x11  }
0xc5: {  	s0 =	sor.u32 s1, s0  }
0xc6: {  	s0 =	sadd.s32 $0x8F2B, s0  }
0xc7: {  	[sflag:s0] =	ssyncadd.remote.s32 $0x1  }
0xc8: {  	_ =	sfence.sel $0xFFFF  }
0xc9: {  	[dreg:$0x0] =	wrdreg $0xFFFFFFFF;
	(pc) =	sbr.abs _section_cstart, $3  }
0xca: {  	[dreg:$0x1] =	wrdreg $0xFFFFFFFF  }
0xcb: {  	_ =	task.clear_ibuf [dreg:s8], $0x2FFFF;
	_ =	strace $0x9FFFFFFF  }
0xcc: {  	(tm) =	ssettm $0x7FFFFFFF  }
0xcd: {  	_ =	shalt  }
tec
execute0_lowered:
.L_overlay_start_1:
0x0: {  	(tag) =	ssettag $0x1  }
0x1: {  	s4 =	rddreg [dreg:$0x0]  }
0x2: {  	s0 =	rddreg [dreg:$0x1]  }
0x3: {  	s2 =	rddreg [dreg:$0x2]  }
0x4: {  	s5 =	rddreg [dreg:$0x3];
	_ =	strace $0x8000004D;
	s1 =	simm.s32 $0x1  }
0x5: {  	s3 =	simm.s32 $0x88;
	v0 =	vimm.s32 $0x0;
	[sflag:s1] =	ssyncpa.u1 $0x0  }
0x6: {  	[tilespmem:s3+$0x30] =	vst v0  }
0x7: {  	s1 =	sadd.s32 $0x408000, s4;
	[tilespmem:s3+$0x20] =	vst v0  }
0x8: {  	s6 =	sadd.s32 $0xA48000, s4;
	s5 =	sand.u32 $0x1, s5;
	s4 =	simm.s32 $0x40;
	[tilespmem:s3+$0x10] =	vst v0  }
.LBB2_1:
0x9: {  	s4 =	sadd.s32 $0x40, s4  }
0xa: {  	[tilespmem:s3+$0x0] =	vst v0;
	s3 =	sadd.s32 $0x40, s3;
	p0 =	slt.u32 s4, $0x5040  }
.Ltmp0:
0xb: {  	(pc) =	sbr.rel @p0 .LBB2_1-.Ltmp0, $4  }
0xc: {  	_ = 	snop  }
0xd: {  	[tilespmem:s3+$0x30] =	vst v0  }
0xe: {  	[tilespmem:s3+$0x20] =	vst v0  }
0xf: {  	[tilespmem:s3+$0x10] =	vst v0  }
0x10: {  	s28 =	simm.s32 $0x2  }
0x11: {  	s4 =	stileid.u32;
	s29 =	simm.s32 $0x9;
	s30 =	simm.s32 $0xA  }
0x12: {  	s7 =	simm.s32 $0xB;
	[dreg:$0x6] =	wrdreg s5;
	s31 =	smul.u32 $0x6400, s5  }
0x13: {  	s16 =	simm.s32 $0x0;
	p0 =	por $0x1, $0x1;
	s17 =	simm.s32 $0xFF  }
0x14: {  	p1 =	por $0x0, $0x0;
	s18 =	simm.s32 $0x1;
	s12 =	simm.s32 $0xC  }
0x15: {  	s23 =	simm.s32 $0x0;
	s21 =	simm.s32 $0x0;
	s9 =	smul.u32 $0x3200, s4  }
.Ltmp1:
0x16: {  	s20 =	simm.s32 $0x0;
	s0 =	sadd.s32 s31, s0;
	(pc) =	sbr.rel .LBB2_3-.Ltmp1, $4  }
0x17: {  	[tilespmem:s3+$0x0] =	vst v0;
	v0 =	vimm.s32 $0xFFFFFFFF;
	[sflag:s28] =	ssyncpa.u1 $0x0;
	s15 =	sshll.u32 s4, $0x7;
	[dreg:$0xa] =	wrdreg s0  }
0x18: {  	[tilespmem:$0xA108] =	vst v0;
	[sflag:s29] =	ssyncpa.u1 $0x0;
	s11 =	sadd.s32 s31, s2;
	[dreg:$0x7] =	wrdreg s9  }
0x19: {  	[sflag:s30] =	ssyncpa.u1 $0x0;
	s10 =	sadd.s32 $0x3200, s9;
	[dreg:$0x9] =	wrdreg s11  }
0x1a: {  	v0 =	vlaneseq.u32;
	s22 =	smov.u32 s9;
	[sflag:s7] =	ssyncpa.u1 $0x0;
	[dreg:$0x8] =	wrdreg s10  }
.LBB2_22:
0x1b: {  	s2 =	sshrl.u32 s4, $0x2  }
.LBB2_24:
0x1c: {  	_ =	swait.ge [sflag:s12], s2  }
0x1d: {  	s31 =	ssub.s32 $0x0, s2;
	v1 =	vmov s26;
	vm0 =	veq.s32 v0, $0x0;
	[sflag:s12] =	ssyncset.done $0x0  }
0x1e: {  	vm15 =	veq.s32 v0, $0x2;
	v1 =	vsel vm0, s0, v1;
	[sflag:s12] =	ssyncadd.s32 s31  }
0x1f: {  	v1 =	vsel vm15, s23, v1;
	[sflag:s12] =	ssyncpa.u1 $0x1  }
0x20: {  	[tilespmem:$0xA108] =	vst v1  }
.LBB2_25:
0x21: {  	s0 =	sadd.s32 $0x140, s22  }
0x22: {  	s2 =	smov.u32 s9;
	s20 =	sadd.s32 $0x1, s20;
	p2 =	slt.s32 s0, s10  }
0x23: {  	s2 =	smov.u32 @p2 s0;
	p2 =	sne.s32 s20, $0x2A  }
.Ltmp2:
0x24: {  	_ = 	snop;
	(pc) =	sbr.rel @!p2 .LBB2_26-.Ltmp2, $3  }
0x25: {  	_ =	sdelay $0x1  }
0x26: {  	s23 =	smov.u32 s21;
	s21 =	smov.u32 s22;
	p0 =	por !p0, !p0  }
0x27: {  	s17 =	sadd.s32 $0x1, s17;
	p1 =	por !p1, !p1;
	s22 =	smov.u32 s2  }
.LBB2_3:
0x28: {  	p2 =	sgt.u32 s20, $0x27  }
0x29: {  	s0 =	smul.u32 @!p2 $0xAB, s20;
	_ =	sdelay $0x1  }
0x2a: {  	s0 =	sshrl.u32 @!p2 s0, $0x9  }
0x2b: {  	s2 =	smov.u32 s22;
	p3 =	sgt.s32 @!p2 s22, $0x31EC0;
	s0 =	sand.u32 @!p2 $0x7F, s0  }
0x2c: {  	s3 =	sshra.s32 @!p2 s22, $0x1F;
	p3 =	por !p3, p2;
	s0 =	smul.u32 @!p2 $0x3, s0  }
0x2d: {  	s3 =	sand.u32 @!p2 s3, s22;
	s2 =	simm.s32 @p3 $0x31EC0  }
0x2e: {  	s2 =	ssub.s32 @!p2 s2, s3;
	s0 =	ssub.s32 @!p2 s20, s0  }
0x2f: {  	s2 =	sadd.s32 @!p2 $0xFFFCE140, s2;
	s0 =	sand.u32 @!p2 $0xFF, s0  }
0x30: {  	s3 =	sshll.u32 @!p2 s2, $0x2;
	p3 =	sgt.s32 @!p2 s2, $0x13F;
	s0 =	smul.u32 @!p2 $0x500, s0  }
0x31: {  	s4 =	sand.u32 @!p2 $0x7, s22;
	s2 =	ssub.s32 @!p2 $0x500, s3;
	p3 =	por !p3, p2  }
0x32: {  	s3 =	sshrl.u32 @!p2 s22, $0x3;
	s2 =	sshrl.u32 @!p2 s2, $0x2;
	s0 =	sshrl.u32 @!p2 s0, $0x2  }
0x33: {  	s3 =	sadd.s32 @!p2 s3, s11;
	s2 =	simm.s32 @!p3 $0x0;
	s0 =	sadd.s32 @!p2 $0xA948, s0  }
0x34: {  	[tilespmem:s0], [sflag:$0xA] =	stream.linear.gather @!p2 [hbm4b:s3+s4], s2, $0x38;
	[tilespmem:$0x1EF88] =	vst v63  }
0x35: {  	s0 =	sadd.s32 $0xFFFFFFFF, s20  }
0x36: {  	p2 =	sgt.u32 s0, $0x27  }
.Ltmp3:
0x37: {  	_ = 	snop;
	(pc) =	sbr.rel @p2 .LBB2_7-.Ltmp3, $1  }
0x38: {  	_ =	sdelay $0x3  }
0x39: {  	p2 =	sgt.s32 s21, $0x31EC0;
	s2 =	smov.u32 s21;
	s3 =	sshra.s32 s21, $0x1F  }
0x3a: {  	s4 =	sand.u32 $0xFF, s17;
	s2 =	simm.s32 @!p2 $0x31EC0;
	s3 =	sand.u32 s3, s21  }
0x3b: {  	s31 =	smulhi.u32 $0x55555556, s4;
	s2 =	ssub.s32 s2, s3  }
0x3c: {  	s0 =	sand.u32 $0x1, s0;
	s4 =	smul.u32 $0x500, s4;
	s2 =	sadd.s32 $0xFFFCE140, s2  }
0x3d: {  	s7 =	simm.s32 $0xA;
	s0 =	smul.u32 $0x500, s0;
	s5 =	sshll.u32 s2, $0x2  }
0x3e: {  	s9 =	sshrl.u32 s21, $0x3;
	s3 =	smul.u32 $0xF00, s31;
	s5 =	ssub.s32 $0x500, s5  }
0x3f: {  	s11 =	sand.u32 $0x7, s21;
	p2 =	sgt.s32 s2, $0x13F;
	s2 =	sshrl.u32 s5, $0x2  }
0x40: {  	s0 =	sshrl.u32 s0, $0x2;
	s3 =	ssub.s32 s4, s3;
	s2 =	simm.s32 @p2 $0x0  }
0x41: {  	s0 =	sadd.s32 $0xAD08, s0;
	s3 =	sshra.s32 s3, $0x2;
	_ =	swait.ge [sflag:s7], s2  }
0x42: {  	s8 =	ssub.s32 $0x0, s2;
	[sflag:s7] =	ssyncset.done $0x0;
	s10 =	rddreg [dreg:$0xa]  }
0x43: {  	s28 =	sadd.s32 $0xA948, s3;
	[sflag:s7] =	ssyncadd.s32 s8;
	s3 =	sadd.s32 s9, s10  }
0x44: {  	[tilespmem:s0], [sflag:$0xB] =	stream.linear.gather [hbm4b:s3+s11], s2, $0x38;
	[tilespmem:$0x1EF88] =	vst v63  }
0x45: {  	v1 =	vld.msk [tilespmem:s28+$0x0], $0xffff;
	_ =	sdelay $0x4  }
0x46: {  	v1 =	vshll.u32 v1, $0x4  }
0x47: {  	(v2sf) =	vpush v1, $0x0  }
0x48: {  	(v2sf) =	vpush v1, $0x1  }
0x49: {  	(v2sf) =	vpush v1, $0x2;
	_ =	sdelay $0x1  }
0x4a: {  	(v2sf) =	vpush v1, $0x3;
	_ =	sdelay $0x1  }
0x4b: {  	s0 =	simm.s32 $0x1;
	(v2sf) =	vpush v1, $0x4  }
0x4c: {  	s0 =	simm.s32 @!p0 $0x0  }
0x4d: {  	s0 =	smul.u32 $0x28000, s0;
	(v2sf) =	vpush v1, $0x5;
	_ =	sdelay $0x1  }
0x4e: {  	s0 =	sshrl.u32 s0, $0x2;
	(v2sf) =	vpush v1, $0x6  }
0x4f: {  	s24 =	sadd.s32 $0xB708, s0  }
0x50: {  	s28 =	sadd.s32 $0x10, s28;
	s0 =	sadd.s32 $0xFFFFFE80, s24;
	s2 =	sadd.s32 $0xFFFFFD00, s24;
	(v2sf) =	vpush v1, $0x7  }
0x51: {  	s4 =	sadd.s32 $0xFFFFFD80, s24;
	s3 =	sadd.s32 $0xFFFFFE00, s24;
	s5 =	sadd.s32 $0xFFFFFB80, s24  }
0x52: {  	s26 =	sadd.s32 $0xFFFFFA00, s24;
	s29 =	sadd.s32 $0xFFFFFA80, s24;
	s30 =	sadd.s32 $0xFFFFFB00, s24;
	(v2sf) =	vpush v1, $0x8  }
0x53: {  	s31 =	sadd.s32 $0xFFFFF900, s24;
	s7 =	sadd.s32 $0xFFFFF980, s24;
	s8 =	spop (v2sf)  }
0x54: {  	s10 =	sadd.s32 $0xFFFFF880, s24;
	(v2sf) =	vpush v1, $0x9;
	s8 =	sand.u32 $0x1FFFFFF0, s8;
	s11 =	spop (v2sf)  }
0x55: {  	s8 =	sadd.s32 s6, s8;
	s11 =	sand.u32 $0x1FFFFFF0, s11;
	s13 =	spop (v2sf)  }
0x56: {  	[tilespmem:s10], [sflag:$0x9] =	stream.linear.gather [hbm4b:s8+s16], $0x40, $0x38;
	[tilespmem:$0x1EF88] =	vst v63  }
0x57: {  	(v2sf) =	vpush v1, $0xA;
	s12 =	sadd.s32 s6, s11;
	s19 =	sand.u32 $0x1FFFFFF0, s13;
	s9 =	spop (v2sf)  }
0x58: {  	(v2sf) =	vpush v1, $0xB;
	[tilespmem:s31], [sflag:$0x9] =	stream.linear.gather [hbm4b:s12+s16], $0x40, $0x38;
	[tilespmem:$0x1EF88] =	vst v63  }
0x59: {  	s10 =	sadd.s32 s6, s19;
	s13 =	spop (v2sf);
	s12 =	sand.u32 $0x1FFFFFF0, s9  }
0x5a: {  	(v2sf) =	vpush v1, $0xC;
	[tilespmem:s7], [sflag:$0x9] =	stream.linear.gather [hbm4b:s10+s16], $0x40, $0x38;
	[tilespmem:$0x1EF88] =	vst v63  }
0x5b: {  	s31 =	sand.u32 $0x1FFFFFF0, s13;
	s9 =	spop (v2sf);
	s19 =	sadd.s32 s6, s12  }
0x5c: {  	(v2sf) =	vpush v1, $0xD;
	[tilespmem:s26], [sflag:$0x9] =	stream.linear.gather [hbm4b:s19+s16], $0x40, $0x38;
	[tilespmem:$0x1EF88] =	vst v63  }
0x5d: {  	s11 =	sadd.s32 s6, s31;
	s12 =	sand.u32 $0x1FFFFFF0, s9;
	s13 =	spop (v2sf)  }
0x5e: {  	(v2sf) =	vpush v1, $0xE;
	[tilespmem:s29], [sflag:$0x9] =	stream.linear.gather [hbm4b:s11+s16], $0x40, $0x38;
	[tilespmem:$0x1EF88] =	vst v63  }
0x5f: {  	s19 =	sadd.s32 s6, s12;
	s26 =	sand.u32 $0x1FFFFFF0, s13;
	s29 =	spop (v2sf)  }
0x60: {  	(v2sf) =	vpush v1, $0xF;
	[tilespmem:s30], [sflag:$0x9] =	stream.linear.gather [hbm4b:s19+s16], $0x40, $0x38;
	[tilespmem:$0x1EF88] =	vst v63  }
0x61: {  	s14 =	sadd.s32 $0xFFFFFC00, s24;
	s9 =	spop (v2sf);
	s30 =	sadd.s32 s6, s26  }
0x62: {  	[tilespmem:s5], [sflag:$0x9] =	stream.linear.gather [hbm4b:s30+s16], $0x40, $0x38;
	[tilespmem:$0x1EF88] =	vst v63  }
0x63: {  	s25 =	sadd.s32 $0xFFFFFC80, s24;
	s31 =	sand.u32 $0x1FFFFFF0, s29;
	s13 =	spop (v2sf)  }
0x64: {  	s11 =	sadd.s32 s6, s31;
	s12 =	sand.u32 $0x1FFFFFF0, s9;
	s19 =	sand.u32 $0x1FFFFFF0, s13  }
0x65: {  	[tilespmem:s14], [sflag:$0x9] =	stream.linear.gather [hbm4b:s11+s16], $0x40, $0x38;
	[tilespmem:$0x1EF88] =	vst v63  }
0x66: {  	s26 =	spop (v2sf);
	s14 =	sadd.s32 s6, s12;
	s29 =	sadd.s32 s6, s19  }
0x67: {  	s30 =	sand.u32 $0x1FFFFFF0, s26;
	s31 =	spop (v2sf);
	s19 =	sadd.s32 $0xFFFFFF00, s24  }
0x68: {  	[tilespmem:s25], [sflag:$0x9] =	stream.linear.gather [hbm4b:s14+s16], $0x40, $0x38;
	[tilespmem:$0x1EF88] =	vst v63  }
0x69: {  	s5 =	sadd.s32 s6, s30;
	s7 =	sand.u32 $0x1FFFFFF0, s31;
	s8 =	spop (v2sf)  }
0x6a: {  	[tilespmem:s2], [sflag:$0x9] =	stream.linear.gather [hbm4b:s29+s16], $0x40, $0x38;
	[tilespmem:$0x1EF88] =	vst v63  }
0x6b: {  	s31 =	sadd.s32 $0xFFFFFF80, s24;
	s10 =	sand.u32 $0x1FFFFFF0, s8;
	s11 =	spop (v2sf)  }
0x6c: {  	[tilespmem:s4], [sflag:$0x9] =	stream.linear.gather [hbm4b:s5+s16], $0x40, $0x38;
	[tilespmem:$0x1EF88] =	vst v63  }
0x6d: {  	s9 =	sadd.s32 s6, s7;
	s12 =	sadd.s32 s6, s10;
	s14 =	spop (v2sf)  }
0x6e: {  	[tilespmem:s3], [sflag:$0x9] =	stream.linear.gather [hbm4b:s9+s16], $0x40, $0x38;
	[tilespmem:$0x1EF88] =	vst v63  }
0x6f: {  	s13 =	sand.u32 $0x1FFFFFF0, s11;
	s26 =	sand.u32 $0x1FFFFFF0, s14;
	s29 =	spop (v2sf)  }
0x70: {  	[tilespmem:s0], [sflag:$0x9] =	stream.linear.gather [hbm4b:s12+s16], $0x40, $0x38;
	[tilespmem:$0x1EF88] =	vst v63  }
0x71: {  	s25 =	sadd.s32 s6, s13;
	s30 =	sadd.s32 s6, s26;
	s0 =	sand.u32 $0x1FFFFFF0, s29  }
0x72: {  	[tilespmem:s19], [sflag:$0x9] =	stream.linear.gather [hbm4b:s25+s16], $0x40, $0x38;
	[tilespmem:$0x1EF88] =	vst v63  }
0x73: {  	s26 =	sadd.s32 $0x800, s24;
	s0 =	sadd.s32 s6, s0;
	s25 =	simm.s32 $0x0  }
0x74: {  	[tilespmem:s31], [sflag:$0x9] =	stream.linear.gather [hbm4b:s30+s16], $0x40, $0x38;
	[tilespmem:$0x1EF88] =	vst v63  }
.LBB2_5:
0x75: {  	[tilespmem:s24], [sflag:$0x9] =	stream.linear.gather [hbm4b:s0+s16], $0x40, $0x38;
	[tilespmem:$0x1EF88] =	vst v63  }
0x76: {  	s25 =	sadd.s32 $0x10, s25;
	s24 =	smov.u32 s26  }
0x77: {  	p2 =	slt.u32 s25, $0x130;
	v1 =	vld.msk [tilespmem:s28+$0x0], $0xffff;
	_ =	sdelay $0x4  }
0x78: {  	v1 =	vshll.u32 v1, $0x4  }
0x79: {  	(v2sf) =	vpush v1, $0x0  }
0x7a: {  	(v2sf) =	vpush v1, $0x1  }
0x7b: {  	(v2sf) =	vpush v1, $0x2;
	_ =	sdelay $0x1  }
0x7c: {  	(v2sf) =	vpush v1, $0x3;
	_ =	sdelay $0x1  }
0x7d: {  	(v2sf) =	vpush v1, $0x4;
	_ =	sdelay $0x1  }
0x7e: {  	(v2sf) =	vpush v1, $0x5;
	_ =	sdelay $0x1  }
0x7f: {  	(v2sf) =	vpush v1, $0x6  }
0x80: {  	s30 =	sadd.s32 $0xFFFFFE80, s26;
	s29 =	sadd.s32 $0xFFFFFF00, s26  }
0x81: {  	s4 =	sadd.s32 $0xFFFFFD00, s26;
	s0 =	sadd.s32 $0xFFFFFD80, s26;
	s31 =	sadd.s32 $0xFFFFFE00, s26;
	(v2sf) =	vpush v1, $0x7  }
0x82: {  	s2 =	sadd.s32 $0xFFFFFB80, s26;
	s3 =	sadd.s32 $0xFFFFFC00, s26;
	s5 =	sadd.s32 $0xFFFFFC80, s26  }
0x83: {  	s7 =	sadd.s32 $0xFFFFFA00, s26;
	s8 =	sadd.s32 $0xFFFFFA80, s26;
	s10 =	sadd.s32 $0xFFFFFB00, s26;
	(v2sf) =	vpush v1, $0x8  }
0x84: {  	s11 =	sadd.s32 $0xFFFFF900, s26;
	s13 =	sadd.s32 $0xFFFFF980, s26;
	s14 =	spop (v2sf)  }
0x85: {  	s9 =	sadd.s32 $0xFFFFF880, s26;
	s14 =	sand.u32 $0x1FFFFFF0, s14;
	s19 =	spop (v2sf);
	(v2sf) =	vpush v1, $0x9  }
0x86: {  	s14 =	sadd.s32 s6, s14;
	s19 =	sand.u32 $0x1FFFFFF0, s19;
	s12 =	spop (v2sf)  }
0x87: {  	[tilespmem:s9], [sflag:$0x9] =	stream.linear.gather [hbm4b:s14+s16], $0x40, $0x38;
	(v2sf) =	vpush v1, $0xA;
	[tilespmem:$0x1EF88] =	vst v63  }
0x88: {  	s9 =	sadd.s32 s6, s19;
	s12 =	sand.u32 $0x1FFFFFF0, s12;
	s14 =	spop (v2sf)  }
0x89: {  	[tilespmem:s11], [sflag:$0x9] =	stream.linear.gather [hbm4b:s9+s16], $0x40, $0x38;
	(v2sf) =	vpush v1, $0xB;
	[tilespmem:$0x1EF88] =	vst v63  }
0x8a: {  	s9 =	sadd.s32 s6, s12;
	s11 =	sand.u32 $0x1FFFFFF0, s14;
	s12 =	spop (v2sf)  }
0x8b: {  	[tilespmem:s13], [sflag:$0x9] =	stream.linear.gather [hbm4b:s9+s16], $0x40, $0x38;
	(v2sf) =	vpush v1, $0xC;
	[tilespmem:$0x1EF88] =	vst v63  }
0x8c: {  	s9 =	sadd.s32 s6, s11;
	s11 =	sand.u32 $0x1FFFFFF0, s12;
	s12 =	spop (v2sf)  }
0x8d: {  	[tilespmem:s7], [sflag:$0x9] =	stream.linear.gather [hbm4b:s9+s16], $0x40, $0x38;
	(v2sf) =	vpush v1, $0xD;
	[tilespmem:$0x1EF88] =	vst v63  }
0x8e: {  	s7 =	sadd.s32 s6, s11;
	s9 =	sand.u32 $0x1FFFFFF0, s12;
	s11 =	spop (v2sf)  }
0x8f: {  	[tilespmem:s8], [sflag:$0x9] =	stream.linear.gather [hbm4b:s7+s16], $0x40, $0x38;
	(v2sf) =	vpush v1, $0xE;
	[tilespmem:$0x1EF88] =	vst v63  }
0x90: {  	s7 =	sadd.s32 s6, s9;
	s8 =	sand.u32 $0x1FFFFFF0, s11;
	s9 =	spop (v2sf)  }
0x91: {  	[tilespmem:s10], [sflag:$0x9] =	stream.linear.gather [hbm4b:s7+s16], $0x40, $0x38;
	(v2sf) =	vpush v1, $0xF;
	[tilespmem:$0x1EF88] =	vst v63  }
0x92: {  	s7 =	sadd.s32 s6, s8;
	s8 =	sand.u32 $0x1FFFFFF0, s9;
	s9 =	spop (v2sf)  }
0x93: {  	[tilespmem:s2], [sflag:$0x9] =	stream.linear.gather [hbm4b:s7+s16], $0x40, $0x38;
	[tilespmem:$0x1EF88] =	vst v63  }
0x94: {  	s2 =	sadd.s32 s6, s8;
	s7 =	sand.u32 $0x1FFFFFF0, s9;
	s8 =	spop (v2sf)  }
0x95: {  	[tilespmem:s3], [sflag:$0x9] =	stream.linear.gather [hbm4b:s2+s16], $0x40, $0x38;
	[tilespmem:$0x1EF88] =	vst v63  }
0x96: {  	s2 =	sadd.s32 s6, s7;
	s3 =	sand.u32 $0x1FFFFFF0, s8;
	s7 =	spop (v2sf)  }
0x97: {  	[tilespmem:s5], [sflag:$0x9] =	stream.linear.gather [hbm4b:s2+s16], $0x40, $0x38;
	[tilespmem:$0x1EF88] =	vst v63  }
0x98: {  	s2 =	sadd.s32 s6, s3;
	s3 =	sand.u32 $0x1FFFFFF0, s7;
	s5 =	spop (v2sf)  }
0x99: {  	[tilespmem:s4], [sflag:$0x9] =	stream.linear.gather [hbm4b:s2+s16], $0x40, $0x38;
	[tilespmem:$0x1EF88] =	vst v63  }
0x9a: {  	s2 =	sadd.s32 s6, s3;
	s3 =	sand.u32 $0x1FFFFFF0, s5;
	s4 =	spop (v2sf)  }
0x9b: {  	[tilespmem:s0], [sflag:$0x9] =	stream.linear.gather [hbm4b:s2+s16], $0x40, $0x38;
	[tilespmem:$0x1EF88] =	vst v63  }
0x9c: {  	s0 =	sadd.s32 s6, s3;
	s2 =	sand.u32 $0x1FFFFFF0, s4;
	s3 =	spop (v2sf)  }
0x9d: {  	[tilespmem:s31], [sflag:$0x9] =	stream.linear.gather [hbm4b:s0+s16], $0x40, $0x38;
	[tilespmem:$0x1EF88] =	vst v63  }
0x9e: {  	s0 =	sadd.s32 s6, s2;
	s2 =	sand.u32 $0x1FFFFFF0, s3;
	s3 =	spop (v2sf)  }
0x9f: {  	[tilespmem:s30], [sflag:$0x9] =	stream.linear.gather [hbm4b:s0+s16], $0x40, $0x38;
	[tilespmem:$0x1EF88] =	vst v63  }
0xa0: {  	s0 =	sadd.s32 s6, s2  }
.Ltmp4:
0xa1: {  	s2 =	sand.u32 $0x1FFFFFF0, s3;
	s3 =	spop (v2sf);
	(pc) =	sbr.rel @p2 .LBB2_5-.Ltmp4, $4  }
0xa2: {  	[tilespmem:s29], [sflag:$0x9] =	stream.linear.gather [hbm4b:s0+s16], $0x40, $0x38;
	[tilespmem:$0x1EF88] =	vst v63  }
0xa3: {  	s0 =	sadd.s32 s6, s2;
	s2 =	sadd.s32 $0xFFFFFF80, s26;
	s3 =	sand.u32 $0x1FFFFFF0, s3  }
0xa4: {  	[tilespmem:s2], [sflag:$0x9] =	stream.linear.gather [hbm4b:s0+s16], $0x40, $0x38;
	[tilespmem:$0x1EF88] =	vst v63  }
0xa5: {  	s28 =	sadd.s32 $0x10, s28;
	s26 =	sadd.s32 $0x800, s26;
	s0 =	sadd.s32 s6, s3  }
0xa6: {  	[tilespmem:s24], [sflag:$0x9] =	stream.linear.gather [hbm4b:s0+s16], $0x40, $0x38;
	[tilespmem:$0x1EF88] =	vst v63  }
0xa7: {  	s9 =	rddreg [dreg:$0x7]  }
0xa8: {  	s10 =	rddreg [dreg:$0x8]  }
0xa9: {  	s11 =	rddreg [dreg:$0x9];
	s12 =	simm.s32 $0xC  }
.LBB2_7:
0xaa: {  	p2 =	slt.u32 s20, $0x2  }
.Ltmp5:
0xab: {  	_ = 	snop;
	(pc) =	sbr.rel @p2 .LBB2_25-.Ltmp5, $1  }
0xac: {  	_ =	sdelay $0x3  }
0xad: {  	p2 =	sgt.s32 s23, $0x31EC0;
	s0 =	smov.u32 s23;
	s2 =	sshra.s32 s23, $0x1F  }
0xae: {  	s0 =	simm.s32 @!p2 $0x31EC0;
	s2 =	sand.u32 s2, s23  }
0xaf: {  	s0 =	ssub.s32 s0, s2  }
0xb0: {  	s0 =	sadd.s32 $0xFFFCE140, s0  }
0xb1: {  	s3 =	simm.s32 $0x9;
	s30 =	sshll.u32 s0, $0x2  }
0xb2: {  	_ =	swait.ge [sflag:s3], $0x5000;
	s2 =	ssub.s32 $0x500, s30  }
0xb3: {  	[sflag:s3] =	ssyncset.done $0x0;
	p2 =	sgt.s32 s0, $0x13F;
	s0 =	sshrl.u32 s2, $0x2  }
0xb4: {  	s31 =	simm.s32 $0xB;
	[sflag:s3] =	ssyncadd.s32 $0xFFFFB000;
	s0 =	simm.s32 @p2 $0x0  }
0xb5: {  	_ =	swait.ge [sflag:s31], s0  }
0xb6: {  	s0 =	ssub.s32 $0x0, s0;
	[sflag:s31] =	ssyncset.done $0x0  }
0xb7: {  	[sflag:s31] =	ssyncadd.s32 s0  }
0xb8: {  	v1 =	vld [tilespmem:$0xA108];
	_ =	sdelay $0x4  }
0xb9: {  	(v2sf) =	vpush v1, $0x0  }
0xba: {  	(v2sf) =	vpush v1, $0x1  }
0xbb: {  	(v2sf) =	vpush v1, $0x2;
	_ =	sdelay $0x3  }
0xbc: {  	s2 =	sadd.s32 $0x140, s23  }
0xbd: {  	s3 =	ssub.s32 $0x64000, s23;
	p2 =	slt.s32 s10, s2  }
0xbe: {  	s2 =	smov.u32 @p2 s10;
	p2 =	sgt.s32 s3, $0x0  }
0xbf: {  	s24 =	ssub.s32 s2, s23;
	s3 =	simm.s32 @!p2 $0x0  }
0xc0: {  	p2 =	slt.s32 s3, s24  }
0xc1: {  	s24 =	smov.u32 @p2 s3  }
0xc2: {  	s0 =	simm.s32 $0x1;
	p2 =	slt.s32 s24, $0x1  }
.Ltmp6:
0xc3: {  	s0 =	simm.s32 @!p1 $0x0;
	(pc) =	sbr.rel @p2 .LBB2_12-.Ltmp6, $4  }
0xc4: {  	s4 =	smul.u32 $0x500, s0  }
0xc5: {  	s2 =	spop (v2sf)  }
0xc6: {  	s4 =	sshrl.u32 s4, $0x2;
	s3 =	spop (v2sf)  }
0xc7: {  	s25 =	sadd.s32 $0xAD08, s4;
	s23 =	spop (v2sf)  }
0xc8: {  	s4 =	smin.u32 s24, $0x10  }
0xc9: {  	v1 =	vmov s4  }
0xca: {  	p3 =	sgt.s32 s24, $0x10;
	vm1 =	vgt.u32 v1, v0  }
.Ltmp7:
0xcb: {  	_ = 	snop;
	(pc) =	sbr.rel @!p3 .LBB2_11-.Ltmp7, $2  }
0xcc: {  	_ =	sdelay $0x2  }
0xcd: {  	s5 =	simm.s32 $0x10;
	s26 =	sadd.s32 $0xFFFFFFF0, s24;
	s4 =	smov.u32 s25;
	vm0 =	vmmov vm1  }
.LBB2_10:
0xce: {  	s7 =	smin.u32 s26, $0x10;
	s5 =	sadd.s32 $0x10, s5;
	v1 =	vld.msk [tilespmem:s4+$0x0 ss:$0x1], vm1  }
0xcf: {  	v2 =	vmov s7;
	p3 =	slt.s32 s5, s24  }
0xd0: {  	vm1 =	vgt.u32 v2, v0  }
.Ltmp8:
0xd1: {  	(pc) =	sbr.rel @p3 .LBB2_10-.Ltmp8, $3  }
0xd2: {  	_ =	sdelay $0x1  }
0xd3: {  	v1 =	vshll.u32 v1, $0x4  }
0xd4: {  	s26 =	sadd.s32 $0xFFFFFFF0, s26;
	[tilespmem:s4+$0x0] =	vst.msk vm0, v1;
	s4 =	sadd.s32 $0x10, s4;
	vm0 =	vmmov vm1  }
.LBB2_11:
0xd5: {  	_ =	sdelay $0x4  }
0xd6: {  	v1 =	vld.msk [tilespmem:s4+$0x0 ss:$0x1], vm1;
	_ =	sdelay $0x4  }
0xd7: {  	v1 =	vshll.u32 v1, $0x4  }
0xd8: {  	[tilespmem:s4+$0x0] =	vst.msk vm0, v1  }
.LBB2_12:
0xd9: {  	s4 =	sand.u32 $0x1, s20  }
0xda: {  	s4 =	smul.u32 $0x140, s4  }
0xdb: {  	p3 =	sne.s32 s3, $0xFFFFFFFF  }
0xdc: {  	v1 =	vld.msk @!p3 [tilespmem:s4+$0xAD08], $0x1;
	_ =	sdelay $0x4  }
0xdd: {  	(v2sf) =	vpush @!p3 v1, $0x0;
	_ =	sdelay $0xc  }
.Ltmp9:
0xde: {  	_ = 	snop;
	(pc) =	sbr.rel @p2 .LBB2_23-.Ltmp9, $4  }
0xdf: {  	_ = 	snop  }
0xe0: {  	s30 =	spop @!p3 (v2sf)  }
0xe1: {  	s23 =	simm.s32 @!p3 $0x0;
	s26 =	smov.u32 s30  }
0xe2: {  	[sflag:s12] =	ssyncpa.u1 $0x0;
	s30 =	smov.u32 @p3 s2;
	s26 =	smov.u32 @p3 s3  }
0xe3: {  	v1 =	vld.msk [tilespmem:s25+$0x0], $0x1;
	_ =	sdelay $0x4  }
0xe4: {  	(v2sf) =	vpush v1, $0x0;
	_ =	sdelay $0xe  }
0xe5: {  	s0 =	smul.u32 $0x28000, s0;
	s3 =	spop (v2sf)  }
0xe6: {  	p2 =	seq.s32 s30, s3  }
0xe7: {  	s2 =	smov.u32 s30;
	s0 =	sshrl.u32 s0, $0x2;
	p3 =	sgt.s32 @!p2 s30, $0x0  }
0xe8: {  	s28 =	sadd.s32 $0xAFA8, s0;
	s0 =	sadd.s32 $0xFFFFFFFF, s24;
	p3 =	por !p3, p2  }
0xe9: {  	s2 =	simm.s32 @p3 $0x0;
	p3 =	sne.s32 s0, $0x0  }
.Ltmp10:
0xea: {  	_ = 	snop;
	(pc) =	sbr.rel @!p3 .LBB2_15-.Ltmp10, $4  }
0xeb: {  	_ = 	snop  }
0xec: {  	s29 =	simm.s32 $0x0;
	s4 =	simm.s32 @!p2 $0x1;
	s2 =	smin.u32 @!p2 s2, $0x407FF8  }
0xed: {  	s5 =	simm.s32 @!p2 $0x50C8;
	s4 =	smov.u32 @p2 s29;
	s7 =	sand.u32 @!p2 $0x7FFFF8, s2  }
0xee: {  	s31 =	sand.u32 @!p2 $0x7, s2;
	s2 =	sadd.s32 $0x1, s25;
	s14 =	sadd.s32 @!p2 s1, s7  }
.LBB2_14:
0xef: {  	s7 =	smov.u32 s4  }
0xf0: {  	[tilespmem:s5], [sflag:$0x2] =	stream.linear.gather @!p2 [hbm4b:s14+s31], $0x40, $0x38;
	[tilespmem:$0x1EF88] =	vst v63  }
0xf1: {  	s0 =	sadd.s32 $0xFFFFFFFF, s0;
	s8 =	smov.u32 s3;
	v1 =	vld.msk [tilespmem:s2+$0x0], $0x1  }
0xf2: {  	p3 =	sne.s32 s0, $0x0;
	_ =	sdelay $0x3  }
0xf3: {  	(v2sf) =	vpush v1, $0x0;
	_ =	sdelay $0xe  }
0xf4: {  	s3 =	spop (v2sf)  }
0xf5: {  	p2 =	seq.s32 s8, s3  }
0xf6: {  	p4 =	sgt.s32 @!p2 s8, $0x0;
	s5 =	sshll.u32 @!p2 s4, $0x8;
	s4 =	sadd.s32 @!p2 $0x1, s4  }
.Ltmp11:
0xf7: {  	p4 =	por !p4, p2;
	s5 =	sshra.s32 @!p2 s5, $0x2;
	(pc) =	sbr.rel @p3 .LBB2_14-.Ltmp11, $4  }
0xf8: {  	s4 =	smov.u32 @p2 s7;
	s8 =	simm.s32 @p4 $0x0;
	s5 =	sadd.s32 @!p2 $0x50C8, s5  }
0xf9: {  	s7 =	smin.u32 @!p2 s8, $0x407FF8  }
0xfa: {  	s8 =	sand.u32 @!p2 $0x7FFFF8, s7;
	s31 =	sand.u32 @!p2 $0x7, s7  }
0xfb: {  	s2 =	sadd.s32 $0x1, s2;
	s14 =	sadd.s32 @!p2 s1, s8  }
.LBB2_15:
0xfc: {  	[tilespmem:s5], [sflag:$0x2] =	stream.linear.gather @!p2 [hbm4b:s14+s31], $0x40, $0x38;
	[tilespmem:$0x1EF88] =	vst v63  }
.Ltmp12:
0xfd: {  	s0 =	sshll.u32 s4, $0x6;
	(pc) =	sbr.rel .LBB2_16-.Ltmp12, $4  }
0xfe: {  	s2 =	simm.s32 $0x2;
	s0 =	sand.u32 $0x3FFFFFC0, s0  }
0xff: {  	_ =	swait.ge [sflag:s2], s0  }
0x100: {  	s0 =	ssub.s32 $0x0, s0;
	[sflag:s2] =	ssyncset.done $0x0  }
0x101: {  	s4 =	simm.s32 $0x0;
	[sflag:s2] =	ssyncadd.s32 s0  }
.LBB2_17:
0x102: {  	v1 =	vld [tilespmem:s28+$0xFFFFFFE0];
	_ =	sdelay $0x4  }
0x103: {  	[tilespmem:s2+$0x88] =	vst.add.f32.msk $0xffff, v1  }
0x104: {  	v1 =	vld [tilespmem:s28+$0xFFFFFFF0];
	_ =	sdelay $0x4  }
0x105: {  	[tilespmem:s2+$0x98] =	vst.add.f32.msk $0xffff, v1  }
0x106: {  	v1 =	vld [tilespmem:s28+$0x0];
	_ =	sdelay $0x4  }
0x107: {  	[tilespmem:s2+$0xA8] =	vst.add.f32.msk $0xffff, v1  }
0x108: {  	v1 =	vld [tilespmem:s28+$0x10];
	_ =	sdelay $0x4  }
0x109: {  	[tilespmem:s2+$0xB8] =	vst.add.f32.msk $0xffff, v1  }
.LBB2_21:
0x10a: {  	s24 =	sadd.s32 $0xFFFFFFFF, s24  }
0x10b: {  	p2 =	sne.s32 s24, $0x0  }
.Ltmp13:
0x10c: {  	_ = 	snop;
	(pc) =	sbr.rel @!p2 .LBB2_22-.Ltmp13, $2  }
0x10d: {  	_ =	sdelay $0x2  }
0x10e: {  	s28 =	sadd.s32 $0x80, s28;
	s25 =	sadd.s32 $0x1, s25;
	s30 =	smov.u32 s0  }
.LBB2_16:
0x10f: {  	v1 =	vld.msk [tilespmem:s25+$0x0], $0x1;
	_ =	sdelay $0x4  }
0x110: {  	(v2sf) =	vpush v1, $0x0;
	_ =	sdelay $0xe  }
0x111: {  	s0 =	spop (v2sf)  }
0x112: {  	p2 =	sne.s32 s30, s0  }
.Ltmp14:
0x113: {  	_ = 	snop;
	(pc) =	sbr.rel @!p2 .LBB2_17-.Ltmp14, $3  }
0x114: {  	_ =	sdelay $0x1  }
0x115: {  	s2 =	sshll.u32 s23, $0x8  }
0x116: {  	s2 =	sshra.s32 s2, $0x2  }
0x117: {  	p2 =	seq.s32 s30, s26  }
.Ltmp15:
0x118: {  	_ = 	snop;
	(pc) =	sbr.rel @!p2 .LBB2_19-.Ltmp15, $1  }
0x119: {  	_ =	sdelay $0x3  }
.Ltmp16:
0x11a: {  	s2 =	sadd.s32 $0x88, s2;
	(pc) =	sbr.rel .LBB2_20-.Ltmp16, $4  }
0x11b: {  	[spmem:s15] =	stream.linear.scatter [tilespmem:s2], [sflag:$0x1], $0x40, $0x38;
	[tilespmem:$0x1EF88] =	vst v63  }
0x11c: {  	_ =	swait.ge [sflag:s18], $0x40  }
0x11d: {  	[sflag:s18] =	ssyncset.done $0x0  }
0x11e: {  	[sflag:s18] =	ssyncadd.s32 $0xFFFFFFC0  }
.LBB2_19:
0x11f: {  	s3 =	sshll.u32 s29, $0x8  }
0x120: {  	s3 =	sshra.s32 s3, $0x2  }
0x121: {  	v1 =	vld [tilespmem:s3+$0x50C8];
	_ =	sdelay $0x4  }
0x122: {  	[tilespmem:s2+$0x88] =	vst.add.f32.msk $0xffff, v1  }
0x123: {  	v1 =	vld [tilespmem:s3+$0x50D8];
	_ =	sdelay $0x4  }
0x124: {  	[tilespmem:s2+$0x98] =	vst.add.f32.msk $0xffff, v1  }
0x125: {  	v1 =	vld [tilespmem:s3+$0x50E8];
	_ =	sdelay $0x4  }
0x126: {  	[tilespmem:s2+$0xA8] =	vst.add.f32.msk $0xffff, v1  }
0x127: {  	v1 =	vld [tilespmem:s3+$0x50F8];
	_ =	sdelay $0x2  }
0x128: {  	p2 =	sgt.u32 s30, $0x407FF8  }
0x129: {  	s3 =	sand.u32 @!p2 $0x7FFFF8, s30  }
0x12a: {  	s5 =	sadd.s32 $0x88, s2;
	[tilespmem:s2+$0xB8] =	vst.add.f32.msk $0xffff, v1;
	s2 =	sadd.s32 @!p2 s1, s3;
	s3 =	sand.u32 @!p2 $0x7, s30  }
0x12b: {  	[hbm4b:s2+s3] =	stream.linear.scatter @!p2 [tilespmem:s5], [sflag:$0xC], $0x40, $0x38;
	[tilespmem:$0x1EF88] =	vst v63  }
0x12c: {  	s2 =	simm.s32 $0x0  }
0x12d: {  	s2 =	simm.s32 @!p2 $0x100  }
0x12e: {  	s4 =	sadd.s32 s2, s4  }
.LBB2_20:
0x12f: {  	s2 =	sadd.s32 $0x1, s23  }
0x130: {  	s3 =	smulhi.u32 $0xCCCCCCCD, s2;
	_ =	sdelay $0x1  }
0x131: {  	v1 =	vld [tilespmem:s28+$0xFFFFFFE0];
	s3 =	sshrl.u32 s3, $0x8  }
0x132: {  	s3 =	smul.u32 $0x140, s3;
	_ =	sdelay $0x1  }
0x133: {  	s23 =	ssub.s32 s2, s3  }
0x134: {  	s2 =	sshll.u32 s23, $0x6  }
0x135: {  	[tilespmem:s2+$0x88] =	vst v1  }
0x136: {  	v1 =	vld [tilespmem:s28+$0xFFFFFFF0];
	_ =	sdelay $0x4  }
0x137: {  	[tilespmem:s2+$0x98] =	vst v1  }
0x138: {  	v1 =	vld [tilespmem:s28+$0x0];
	_ =	sdelay $0x4  }
0x139: {  	[tilespmem:s2+$0xA8] =	vst v1  }
0x13a: {  	v1 =	vld [tilespmem:s28+$0x10]  }
.Ltmp17:
0x13b: {  	_ = 	snop;
	(pc) =	sbr.rel .LBB2_21-.Ltmp17, $2  }
0x13c: {  	_ =	sdelay $0x2  }
0x13d: {  	s29 =	sadd.s32 $0x1, s29;
	[tilespmem:s2+$0xB8] =	vst v1  }
.LBB2_23:
.Ltmp18:
0x13e: {  	(pc) =	sbr.rel .LBB2_24-.Ltmp18, $4  }
0x13f: {  	_ = 	snop  }
0x140: {  	s0 =	simm.s32 $0x2  }
0x141: {  	_ =	swait.ge [sflag:s0], $0x0  }
0x142: {  	s2 =	simm.s32 $0x0;
	[sflag:s0] =	ssyncset.done $0x0;
	s0 =	smov.u32 s30  }
.LBB2_26:
0x143: {  	_ =	sfence.sel $0x180000  }
0x144: {  	s0 =	simm.s32 $0x9;
	[bflag:$0x0] =	sbarrier.arrive $0xFFFF  }
0x145: {  	s24 =	simm.s32 $0xA;
	[sflag:s0] =	ssyncpa.u1 $0x1  }
0x146: {  	s25 =	simm.s32 $0xB;
	[sflag:s24] =	ssyncpa.u1 $0x1  }
0x147: {  	s26 =	simm.s32 $0x2;
	[sflag:s25] =	ssyncpa.u1 $0x1  }
0x148: {  	[sflag:s26] =	ssyncpa.u1 $0x1  }
0x149: {  	v0 =	vld [tilespmem:$0xA108];
	_ =	sdelay $0x4  }
0x14a: {  	(v2sf) =	vpush v0, $0x0  }
0x14b: {  	(v2sf) =	vpush v0, $0x1;
	_ =	sdelay $0x1  }
0x14c: {  	(v2sf) =	vpush v0, $0x2;
	_ =	sdelay $0xb  }
0x14d: {  	s0 =	spop (v2sf)  }
0x14e: {  	s2 =	spop (v2sf)  }
0x14f: {  	s3 =	smov.u32 s0;
	p0 =	sne.s32 s0, s2  }
0x150: {  	s4 =	spop (v2sf);
	s3 =	simm.s32 @!p0 $0xFFFFFFFF  }
0x151: {  	v2 =	vimm.s32 $0x1;
	v3 =	vlaneseq.u32;
	p0 =	seq.s32 s4, $0xFFFFFFFF;
	v1 =	vmov s3  }
0x152: {  	s14 =	stileid.u32;
	v0 =	vperm.xlane v0, v2;
	p1 =	sne.s32 @!p0 s0, s2;
	v1 =	vperm.xlane v1, v3  }
0x153: {  	vm0 =	vcmask $0x3F04;
	s6 =	simm.s32 $0xA108;
	s0 =	simm.s32 @!p0 $0x1;
	p1 =	por !p1, p0  }
0x154: {  	s3 =	sshll.u32 s14, $0x1;
	s2 =	sshll.u32 @!p0 s4, $0x8;
	s0 =	simm.s32 @p1 $0x0;
	v0 =	vsel vm0, v1, v0  }
0x155: {  	s5 =	sor.u32 $0x800, s3;
	s2 =	sshra.s32 @!p0 s2, $0x2;
	s0 =	sor.u32 @!p0 s0, s3;
	[tilespmem:$0xA108] =	vst v0  }
0x156: {  	[spmem:s5] =	stream.linear.scatter [tilespmem:s6], [sflag:$0x1], $0x2, $0x38;
	[tilespmem:$0x1EF88] =	vst v63  }
0x157: {  	s2 =	sadd.s32 @!p0 $0x88, s2;
	s0 =	sshll.u32 @!p0 s0, $0x6  }
0x158: {  	[spmem:s0] =	stream.linear.scatter @!p0 [tilespmem:s2], [sflag:$0x1], $0x40, $0x38;
	[tilespmem:$0x1EF88] =	vst v63  }
0x159: {  	s0 =	simm.s32 @!p0 $0x42  }
0x15a: {  	s28 =	simm.s32 $0x1;
	s0 =	simm.s32 @p0 $0x2  }
0x15b: {  	_ =	swait.ge [sflag:s28], s0  }
0x15c: {  	s0 =	ssub.s32 $0x0, s0;
	[sflag:s28] =	ssyncset.done $0x0  }
0x15d: {  	p0 =	sne.s32 s14, $0x0;
	[sflag:s28] =	ssyncadd.s32 s0  }
.Ltmp19:
0x15e: {  	_ =	sfence.stream.spmem;
	(pc) =	sbr.rel @p0 .LBB2_43-.Ltmp19, $4  }
0x15f: {  	s29 =	simm.s32 $0x3;
	[bflag:$0x0] =	sbarrier.arrive $0xFFFF  }
0x160: {  	s30 =	simm.s32 $0x4;
	[sflag:s29] =	ssyncpa.u1 $0x1  }
0x161: {  	s31 =	simm.s32 $0x3C;
	[sflag:s30] =	ssyncpa.u1 $0x1  }
0x162: {  	s13 =	rddreg [dreg:$0x6];
	[sflag:s31] =	ssyncpa.u1 $0x1  }
0x163: {  	_ =	sfence.stream.spmem;
	s0 =	simm.s32 $0x5  }
0x164: {  	s2 =	simm.s32 $0x800;
	s3 =	simm.s32 $0xA118;
	[sflag:s0] =	ssyncpa.u1 $0x0  }
0x165: {  	[tilespmem:s3], [sflag:$0x5] =	stream.linear.gather [spmem:s2], $0x20, $0x38;
	[tilespmem:$0x1EF88] =	vst v63  }
0x166: {  	s26 =	simm.s32 $0x0;
	s28 =	simm.s32 $0xA138  }
0x167: {  	[tilespmem:s28], [sflag:$0x5] =	stream.linear.gather [spmem:s26], $0x800, $0x38;
	[tilespmem:$0x1EF88] =	vst v63  }
0x168: {  	_ =	swait.ge [sflag:s0], $0x820  }
0x169: {  	[sflag:s0] =	ssyncset.done $0x0  }
0x16a: {  	s29 =	simm.s32 $0x0;
	[sflag:s0] =	ssyncadd.s32 $0xFFFFF7E0  }
0x16b: {  	v0 =	vld.msk [tilespmem:s29+$0xA118], $0x1;
	_ =	sdelay $0x1  }
0x16c: {  	s30 =	simm.s32 $0x1  }
0x16d: {  	v1 =	vld.msk [tilespmem:s30+$0xA118], $0x1;
	_ =	sdelay $0x1  }
0x16e: {  	(v2sf) =	vpush v0, $0x0;
	_ =	sdelay $0x2  }
0x16f: {  	(v2sf) =	vpush v1, $0x0;
	_ =	sdelay $0x2  }
0x170: {  	s31 =	simm.s32 $0x2  }
0x171: {  	v0 =	vld.msk [tilespmem:s31+$0xA118], $0x1;
	_ =	sdelay $0x2  }
0x172: {  	s2 =	simm.s32 $0xFFFFFFFF;
	s3 =	simm.s32 $0xFFFFFFFF;
	s0 =	simm.s32 $0xC  }
.LBB2_28:
0x173: {  	s4 =	smov.u32 s3;
	s5 =	smov.u32 s2  }
0x174: {  	s2 =	sshra.s32 s0, $0x2;
	p1 =	sne.s32 s0, $0x7C;
	s0 =	sadd.s32 $0x4, s0;
	(v2sf) =	vpush v0, $0x0  }
0x175: {  	v0 =	vld.msk [tilespmem:s2+$0xA118], $0x1  }
.Ltmp20:
0x176: {  	(pc) =	sbr.rel @p1 .LBB2_28-.Ltmp20, $4  }
0x177: {  	s3 =	spop (v2sf)  }
0x178: {  	p2 =	sne.s32 s5, $0xFFFFFFFF;
	s2 =	smov.u32 s3  }
0x179: {  	p3 =	seq.s32 s3, $0xFFFFFFFF;
	s2 =	smov.u32 @p2 s5  }
0x17a: {  	s3 =	smov.u32 @p3 s4;
	s2 =	smov.u32 @p3 s5  }
0x17b: {  	(v2sf) =	vpush v0, $0x0;
	_ =	sdelay $0x8  }
0x17c: {  	s0 =	spop (v2sf)  }
0x17d: {  	p1 =	sne.s32 s2, $0xFFFFFFFF;
	s4 =	smov.u32 s0  }
0x17e: {  	s9 =	simm.s32 $0x6;
	p2 =	seq.s32 s0, $0xFFFFFFFF;
	s4 =	smov.u32 @p1 s2  }
0x17f: {  	s6 =	simm.s32 $0x0;
	s4 =	smov.u32 @p2 s2;
	s2 =	spop (v2sf)  }
0x180: {  	s0 =	smov.u32 @p2 s3;
	p1 =	sne.s32 s4, $0xFFFFFFFF;
	s5 =	smov.u32 s2  }
.Ltmp21:
0x181: {  	p2 =	seq.s32 s2, $0xFFFFFFFF;
	s5 =	smov.u32 @p1 s4;
	(pc) =	sbr.rel .LBB2_30-.Ltmp21, $4  }
0x182: {  	s10 =	simm.s32 $0xA0C8;
	s5 =	smov.u32 @p2 s4;
	s7 =	spop (v2sf)  }
0x183: {  	s11 =	simm.s32 $0x0;
	p1 =	sne.s32 s5, $0xFFFFFFFF;
	s8 =	smov.u32 s7  }
0x184: {  	s2 =	smov.u32 @p2 s0;
	p2 =	seq.s32 s7, $0xFFFFFFFF;
	s8 =	smov.u32 @p1 s5  }
0x185: {  	[sflag:s9] =	ssyncpa.u1 $0x0;
	s7 =	smov.u32 @p2 s2;
	s8 =	smov.u32 @p2 s5  }
.LBB2_36:
0x186: {  	p1 =	sgt.u32 s0, $0x407FF8  }
0x187: {  	p2 =	seq.s32 @!p1 s0, s8  }
0x188: {  	p1 =	por p1, p2  }
0x189: {  	p2 =	sne.s32 @!p1 s0, s7  }
0x18a: {  	p1 =	por p1, !p2  }
0x18b: {  	s0 =	sshll.u32 @p1 s11, $0x8  }
0x18c: {  	s2 =	sand.u32 @!p1 $0x7FFFF8, s0  }
0x18d: {  	s0 =	sand.u32 @!p1 $0x7, s0;
	s2 =	sadd.s32 @!p1 s1, s2  }
0x18e: {  	[tilespmem:s10], [sflag:$0x6] =	stream.linear.gather @!p1 [hbm4b:s2+s0], $0x40, $0x38;
	[tilespmem:$0x1EF88] =	vst v63  }
0x18f: {  	_ =	swait.ge @!p1 [sflag:s9], $0x40  }
0x190: {  	[sflag:s9] =	ssyncset.done @!p1 $0x0  }
0x191: {  	[sflag:s9] =	ssyncadd.s32 @!p1 $0xFFFFFFC0  }
0x192: {  	v1 =	vld @!p1 [tilespmem:$0xA0C8];
	_ =	sdelay $0x2  }
0x193: {  	s0 =	sshll.u32 @!p1 s11, $0x8  }
0x194: {  	s2 =	sshrl.u32 @!p1 s0, $0x2  }
0x195: {  	[tilespmem:s2+$0xA138] =	vst.add.f32.msk @!p1 $0xffff, v1  }
0x196: {  	v1 =	vld @!p1 [tilespmem:$0xA0D8];
	_ =	sdelay $0x4  }
0x197: {  	[tilespmem:s2+$0xA148] =	vst.add.f32.msk @!p1 $0xffff, v1  }
0x198: {  	v1 =	vld @!p1 [tilespmem:$0xA0E8];
	_ =	sdelay $0x4  }
0x199: {  	[tilespmem:s2+$0xA158] =	vst.add.f32.msk @!p1 $0xffff, v1  }
0x19a: {  	v1 =	vld @!p1 [tilespmem:$0xA0F8];
	_ =	sdelay $0x4  }
0x19b: {  	[tilespmem:s2+$0xA168] =	vst.add.f32.msk @!p1 $0xffff, v1  }
0x19c: {  	s0 =	sshrl.u32 s0, $0x2;
	[tilespmem:s6+$0xA118] =	vst.msk $0x1, v0  }
0x19d: {  	v0 =	vld [tilespmem:s0+$0xA138];
	_ =	sdelay $0x2  }
0x19e: {  	s31 =	sshll.u32 s6, $0x8  }
0x19f: {  	s2 =	sshra.s32 s31, $0x2  }
0x1a0: {  	[tilespmem:s2+$0xA138] =	vst v0  }
0x1a1: {  	v0 =	vld [tilespmem:s0+$0xA148];
	_ =	sdelay $0x4  }
0x1a2: {  	[tilespmem:s2+$0xA148] =	vst v0  }
0x1a3: {  	v0 =	vld [tilespmem:s0+$0xA158];
	_ =	sdelay $0x4  }
0x1a4: {  	[tilespmem:s2+$0xA158] =	vst v0  }
0x1a5: {  	v0 =	vld [tilespmem:s0+$0xA168];
	_ =	sdelay $0x4  }
0x1a6: {  	s6 =	sadd.s32 $0x1, s6;
	[tilespmem:s2+$0xA168] =	vst v0  }
.LBB2_37:
0x1a7: {  	s11 =	sadd.s32 $0x1, s11  }
0x1a8: {  	p1 =	sne.s32 s11, $0x20  }
.Ltmp22:
0x1a9: {  	_ = 	snop;
	(pc) =	sbr.rel @!p1 .LBB2_38-.Ltmp22, $1  }
0x1aa: {  	_ =	sdelay $0x3  }
.LBB2_30:
0x1ab: {  	v0 =	vld.msk [tilespmem:s11+$0xA118], $0x1;
	_ =	sdelay $0x4  }
0x1ac: {  	(v2sf) =	vpush v0, $0x0;
	_ =	sdelay $0xe  }
0x1ad: {  	s0 =	spop (v2sf)  }
0x1ae: {  	p1 =	seq.s32 s0, $0xFFFFFFFF  }
.Ltmp23:
0x1af: {  	_ = 	snop;
	(pc) =	sbr.rel @p1 .LBB2_37-.Ltmp23, $1  }
0x1b0: {  	_ =	sdelay $0x3  }
0x1b1: {  	p1 =	slt.s32 s6, $0x1  }
.Ltmp24:
0x1b2: {  	_ = 	snop;
	(pc) =	sbr.rel @p1 .LBB2_36-.Ltmp24, $1  }
0x1b3: {  	_ =	sdelay $0x3  }
0x1b4: {  	s2 =	simm.s32 $0xA118;
	p1 =	por $0x0, $0x0  }
0x1b5: {  	v1 =	vld.msk @!p1 [tilespmem:s2+$0x0], $0x1;
	_ =	sdelay $0x4  }
0x1b6: {  	(v2sf) =	vpush @!p1 v1, $0x0;
	_ =	sdelay $0xd  }
0x1b7: {  	p3 =	sne.s32 s6, $0x1  }
.Ltmp25:
0x1b8: {  	s3 =	spop @!p1 (v2sf);
	(pc) =	sbr.rel @!p3 .LBB2_34-.Ltmp25, $4  }
0x1b9: {  	p2 =	seq.s32 @!p1 s0, s3  }
0x1ba: {  	s3 =	simm.s32 $0x0;
	p2 =	por !p2, p1  }
0x1bb: {  	s5 =	simm.s32 $0xFFFFFFFF;
	s3 =	simm.s32 @p2 $0xFFFFFFFF  }
0x1bc: {  	s4 =	simm.s32 $0x1;
	s3 =	smov.u32 @p1 s5  }
.LBB2_33:
0x1bd: {  	s5 =	smov.u32 s3;
	p1 =	sne.s32 s3, $0xFFFFFFFF  }
0x1be: {  	s2 =	sadd.s32 $0x1, s2;
	s3 =	smov.u32 s4;
	s4 =	sadd.s32 $0x1, s4  }
0x1bf: {  	p2 =	sne.s32 s6, s4;
	v1 =	vld.msk @!p1 [tilespmem:s2+$0x0], $0x1;
	_ =	sdelay $0x4  }
0x1c0: {  	(v2sf) =	vpush @!p1 v1, $0x0;
	_ =	sdelay $0xe  }
.Ltmp26:
0x1c1: {  	s12 =	spop @!p1 (v2sf);
	(pc) =	sbr.rel @p2 .LBB2_33-.Ltmp26, $4  }
0x1c2: {  	p3 =	seq.s32 @!p1 s0, s12  }
0x1c3: {  	p3 =	por !p3, p1  }
0x1c4: {  	s3 =	simm.s32 @p3 $0xFFFFFFFF  }
0x1c5: {  	s3 =	smov.u32 @p1 s5  }
.LBB2_34:
0x1c6: {  	p1 =	seq.s32 s3, $0xFFFFFFFF  }
.Ltmp27:
0x1c7: {  	_ = 	snop;
	(pc) =	sbr.rel @p1 .LBB2_36-.Ltmp27, $1  }
0x1c8: {  	_ =	sdelay $0x3  }
0x1c9: {  	s0 =	sshll.u32 s11, $0x6  }
0x1ca: {  	s0 =	sand.u32 $0x3FFFFFC0, s0  }
0x1cb: {  	v0 =	vld [tilespmem:s0+$0xA138];
	_ =	sdelay $0x2  }
0x1cc: {  	s2 =	sshll.u32 s3, $0x8  }
0x1cd: {  	s2 =	sshra.s32 s2, $0x2  }
0x1ce: {  	[tilespmem:s2+$0xA138] =	vst.add.f32.msk $0xffff, v0  }
0x1cf: {  	v0 =	vld [tilespmem:s0+$0xA148];
	_ =	sdelay $0x4  }
0x1d0: {  	[tilespmem:s2+$0xA148] =	vst.add.f32.msk $0xffff, v0  }
0x1d1: {  	v0 =	vld [tilespmem:s0+$0xA158];
	_ =	sdelay $0x4  }
0x1d2: {  	[tilespmem:s2+$0xA158] =	vst.add.f32.msk $0xffff, v0  }
0x1d3: {  	v0 =	vld [tilespmem:s0+$0xA168]  }
.Ltmp28:
0x1d4: {  	_ = 	snop;
	(pc) =	sbr.rel .LBB2_37-.Ltmp28, $2  }
0x1d5: {  	_ =	sdelay $0x2  }
0x1d6: {  	[tilespmem:s2+$0xA168] =	vst.add.f32.msk $0xffff, v0  }
.LBB2_38:
0x1d7: {  	s0 =	simm.s32 $0x6;
	p1 =	seq.s32 s6, $0x0  }
0x1d8: {  	[sflag:s0] =	ssyncpa.u1 $0x1;
	v0 =	vimm.s32 @p1 $0xFFFFFFFF  }
0x1d9: {  	s0 =	sadd.s32 $0xFFFFFFFF, s6;
	[tilespmem:$0xA938] =	vst @p1 v0  }
0x1da: {  	v0 =	vld.msk @!p1 [tilespmem:s0+$0xA118], $0x1;
	_ =	sdelay $0x1  }
0x1db: {  	v1 =	vld.msk @!p1 [tilespmem:$0xA118], $0x1;
	_ =	sdelay $0x2  }
0x1dc: {  	p2 =	seq.s32 @!p1 s0, $0x0;
	v0 =	vbroadcast @!p1 v0, $0x0  }
0x1dd: {  	vm0 =	vmmov @!p1 $0x1;
	p2 =	por !p2, p1  }
0x1de: {  	v1 =	vnsel @!p1 vm0, $0xFFFFFFFF, v1;
	vm0 =	vcmask @!p1 $0x308;
	v0 =	vpsel !p2, $0xFFFFFFFF, v0  }
0x1df: {  	p2 =	sne.s32 @!p1 s8, s7;
	v0 =	vsel @!p1 vm0, v1, v0  }
0x1e0: {  	s2 =	simm.s32 @!p1 $0xA138;
	s3 =	simm.s32 @!p1 $0x0;
	p3 =	por !p2, p1;
	[tilespmem:$0xA938] =	vst @!p1 v0  }
0x1e1: {  	[spmem:s3] =	stream.linear.scatter @!p1 [tilespmem:s2], [sflag:$0x1], $0x40, $0x38;
	[tilespmem:$0x1EF88] =	vst v63  }
0x1e2: {  	s2 =	sshll.u32 @!p3 s0, $0x8  }
0x1e3: {  	s2 =	sshra.s32 @!p3 s2, $0x2  }
0x1e4: {  	s3 =	simm.s32 @!p3 $0x40;
	s2 =	sadd.s32 @!p3 $0xA138, s2  }
0x1e5: {  	[spmem:s3] =	stream.linear.scatter @!p3 [tilespmem:s2], [sflag:$0x1], $0x40, $0x38;
	[tilespmem:$0x1EF88] =	vst v63  }
0x1e6: {  	s2 =	simm.s32 @!p3 $0x1  }
0x1e7: {  	_ =	swait.ge @!p3 [sflag:s2], $0x80  }
0x1e8: {  	p1 =	por p2, p1;
	[sflag:s2] =	ssyncset.done @!p3 $0x0  }
0x1e9: {  	[sflag:s2] =	ssyncadd.s32 @!p3 $0xFFFFFF80;
	s2 =	simm.s32 @!p1 $0x1  }
0x1ea: {  	_ =	swait.ge @!p1 [sflag:s2], $0x40  }
0x1eb: {  	s29 =	simm.s32 $0xA938;
	[sflag:s2] =	ssyncset.done @!p1 $0x0  }
0x1ec: {  	s30 =	simm.s32 $0x800;
	s31 =	simm.s32 $0x1;
	[sflag:s2] =	ssyncadd.s32 @!p1 $0xFFFFFFC0  }
0x1ed: {  	[spmem:s30] =	stream.linear.scatter [tilespmem:s29], [sflag:$0x1], $0x10, $0x38;
	[tilespmem:$0x1EF88] =	vst v63  }
0x1ee: {  	_ =	swait.ge [sflag:s31], $0x10  }
0x1ef: {  	[sflag:s31] =	ssyncset.done $0x0  }
0x1f0: {  	p1 =	seq.s32 s13, $0x0;
	s9 =	rddreg [dreg:$0x3];
	[sflag:s31] =	ssyncadd.s32 $0xFFFFFFF0  }
0x1f1: {  	s3 =	sshll.u32 @p1 s9, $0xE;
	s8 =	rddreg [dreg:$0x4]  }
0x1f2: {  	s2 =	sadd.s32 @p1 $0x15C3C, s3;
	s3 =	sshll.u32 @p1 s8, $0x11  }
0x1f3: {  	_ =	sfence.stream.spmem;
	s2 =	sor.u32 @p1 s3, s2  }
0x1f4: {  	[sflag:s2] =	ssyncadd.remote.s32 @p1 $0x1;
	s2 =	simm.s32 @p1 $0x4  }
0x1f5: {  	s4 =	simm.s32 @!p1 $0x3C;
	s3 =	sand.u32 $0xFFFFFFFE, s9;
	_ =	swait.ge @p1 [sflag:s2], $0x12  }
0x1f6: {  	s5 =	simm.s32 @!p1 $0x0;
	s3 =	sadd.s32 @!p1 $0x4, s3;
	[sflag:s2] =	ssyncset.done @p1 $0x0  }
0x1f7: {  	s7 =	simm.s32 @!p1 $0x80;
	[sflag:s2] =	ssyncadd.s32 @p1 $0xFFFFFFEE;
	s2 =	sshll.u32 @!p1 s3, $0x1A  }
0x1f8: {  	s3 =	sshll.u32 @!p1 s3, $0xD;
	s2 =	sor.u32 @!p1 s2, s8;
	_ =	swait.eq @!p1 [sflag:s4], $0x1  }
0x1f9: {  	s3 =	sor.u32 @!p1 $0x1C04, s3;
	s4 =	simm.s32 @!p1 $0x1C03;
	s2 =	sor.u32 @!p1 $0x80004000, s2  }
0x1fa: {  	[spmem:s7], [sflag:s3] =	dma.general @!p1 [spmem:s5], [sflag:s4], length:$0x10, [dreg:$0x0], stride_count:$0x0, ici_dest:s2, dma_misc:DstOpCode:WRITE  }
0x1fb: {  	p2 =	slt.s32 s0, $0x2;
	s5 =	simm.s32 @!p1 $0x100;
	s7 =	simm.s32 @!p1 $0x102  }
0x1fc: {  	[spmem:s7], [sflag:s3] =	dma.general @!p1 [spmem:s5], [sflag:s4], length:$0x2, [dreg:$0x0], stride_count:$0x0, ici_dest:s2, dma_misc:DstOpCode:WRITE  }
.Ltmp29:
0x1fd: {  	s2 =	simm.s32 @!p1 $0x3;
	(pc) =	sbr.rel @p2 .LBB2_42-.Ltmp29, $4  }
0x1fe: {  	s3 =	sshll.u32 @!p1 s9, $0xE;
	_ =	swait.ge @!p1 [sflag:s2], $0x12  }
0x1ff: {  	s4 =	sshll.u32 @!p1 s8, $0x11;
	s3 =	sadd.s32 @!p1 $0x11C3C, s3;
	[sflag:s2] =	ssyncset.done @!p1 $0x0  }
0x200: {  	[sflag:s2] =	ssyncadd.s32 @!p1 $0xFFFFFFEE;
	s2 =	sor.u32 @!p1 s4, s3  }
0x201: {  	s0 =	simm.s32 $0x0;
	[sflag:s2] =	ssyncadd.remote.s32 @!p1 $0xFFFFFFFF  }
0x202: {  	s0 =	simm.s32 $0xA119  }
0x203: {  	v0 =	vld.msk [tilespmem:s0+$0x0], $0x1;
	_ =	sdelay $0x4  }
0x204: {  	(v2sf) =	vpush v0, $0x0;
	_ =	sdelay $0xc  }
0x205: {  	s2 =	sadd.s32 $0xFFFFFFFE, s6  }
0x206: {  	s2 =	sadd.s32 $0xFFFFFFFF, s2  }
0x207: {  	p2 =	sne.s32 s2, $0x0;
	s3 =	spop (v2sf)  }
.Ltmp30:
0x208: {  	p1 =	sgt.u32 s3, $0x407FF8;
	(pc) =	sbr.rel @!p2 .LBB2_41-.Ltmp30, $4  }
0x209: {  	s5 =	simm.s32 $0x0;
	s4 =	sand.u32 @!p1 $0x7FFFF8, s3  }
0x20a: {  	s0 =	simm.s32 $0xA178;
	s3 =	sand.u32 @!p1 $0x7, s3;
	s4 =	sadd.s32 @!p1 s1, s4  }
0x20b: {  	[hbm4b:s4+s3] =	stream.linear.scatter @!p1 [tilespmem:s0], [sflag:$0x5], $0x40, $0x38;
	[tilespmem:$0x1EF88] =	vst v63  }
0x20c: {  	s5 =	simm.s32 @!p1 $0x100;
	s3 =	simm.s32 $0x0;
	s4 =	simm.s32 $0xA11A  }
.LBB2_40:
0x20d: {  	v0 =	vld.msk [tilespmem:s4+$0x0], $0x1;
	s2 =	sadd.s32 $0xFFFFFFFF, s2;
	s3 =	sadd.s32 s3, s5  }
0x20e: {  	p1 =	sne.s32 s2, $0x0;
	_ =	sdelay $0x3  }
0x20f: {  	(v2sf) =	vpush v0, $0x0;
	_ =	sdelay $0xe  }
.Ltmp31:
0x210: {  	s6 =	spop (v2sf);
	(pc) =	sbr.rel @p1 .LBB2_40-.Ltmp31, $4  }
0x211: {  	s5 =	simm.s32 $0x0;
	p2 =	sgt.u32 s6, $0x407FF8  }
0x212: {  	s0 =	sadd.s32 $0x40, s0;
	s5 =	simm.s32 @!p2 $0x100;
	s7 =	sand.u32 @!p2 $0x7FFFF8, s6  }
0x213: {  	s4 =	sadd.s32 $0x1, s4;
	s6 =	sand.u32 @!p2 $0x7, s6;
	s7 =	sadd.s32 @!p2 s1, s7  }
0x214: {  	[hbm4b:s7+s6] =	stream.linear.scatter @!p2 [tilespmem:s0], [sflag:$0x5], $0x40, $0x38;
	[tilespmem:$0x1EF88] =	vst v63  }
.LBB2_41:
0x215: {  	s0 =	sadd.s32 s3, s5  }
0x216: {  	s0 =	sshrl.u32 s0, $0x2  }
.LBB2_42:
0x217: {  	s2 =	simm.s32 $0x5  }
0x218: {  	_ =	swait.ge [sflag:s2], s0  }
0x219: {  	s31 =	ssub.s32 $0x0, s0;
	[sflag:s2] =	ssyncset.done $0x0  }
0x21a: {  	[sflag:s2] =	ssyncadd.s32 s31  }
0x21b: {  	[sflag:s2] =	ssyncpa.u1 $0x1  }
.LBB2_43:
0x21c: {  	s0 =	sor.u32 s13, s14  }
0x21d: {  	p1 =	sne.s32 s0, $0x0  }
.Ltmp32:
0x21e: {  	_ = 	snop;
	(pc) =	sbr.rel @p1 .LBB2_58-.Ltmp32, $3  }
0x21f: {  	_ =	sdelay $0x1  }
0x220: {  	[bflag:$0x0] =	sbarrier.arrive $0xFFFF  }
0x221: {  	_ =	sfence  }
0x222: {  	s0 =	simm.s32 $0x7  }
0x223: {  	s2 =	simm.s32 $0x800;
	s3 =	simm.s32 $0xA118;
	[sflag:s0] =	ssyncpa.u1 $0x0  }
0x224: {  	[tilespmem:s3], [sflag:$0x7] =	stream.linear.gather [spmem:s2], $0x20, $0x38;
	[tilespmem:$0x1EF88] =	vst v63  }
0x225: {  	s30 =	simm.s32 $0xA138;
	s2 =	simm.s32 $0x0  }
0x226: {  	[tilespmem:s30], [sflag:$0x7] =	stream.linear.gather [spmem:s2], $0x800, $0x38;
	[tilespmem:$0x1EF88] =	vst v63  }
.Ltmp33:
0x227: {  	_ = 	snop;
	(pc) =	sbr.rel .LBB2_45-.Ltmp33, $4  }
0x228: {  	_ =	swait.ge [sflag:s0], $0x820  }
0x229: {  	[sflag:s0] =	ssyncset.done $0x0  }
0x22a: {  	s31 =	simm.s32 $0x8;
	[sflag:s0] =	ssyncadd.s32 $0xFFFFF7E0  }
0x22b: {  	s3 =	simm.s32 $0x0;
	[sflag:s31] =	ssyncpa.u1 $0x0  }
.LBB2_51:
0x22c: {  	p1 =	slt.u32 s0, $0x407FF9  }
0x22d: {  	s4 =	sand.u32 @p1 $0x7FFFF8, s0  }
0x22e: {  	s0 =	sand.u32 @p1 $0x7, s0;
	s5 =	simm.s32 @p1 $0xA0C8;
	s4 =	sadd.s32 @p1 s1, s4  }
0x22f: {  	[tilespmem:s5], [sflag:$0x8] =	stream.linear.gather @p1 [hbm4b:s4+s0], $0x40, $0x38;
	[tilespmem:$0x1EF88] =	vst v63  }
0x230: {  	s0 =	simm.s32 @p1 $0x8  }
0x231: {  	_ =	swait.ge @p1 [sflag:s0], $0x40  }
0x232: {  	[sflag:s0] =	ssyncset.done @p1 $0x0  }
0x233: {  	[sflag:s0] =	ssyncadd.s32 @p1 $0xFFFFFFC0  }
0x234: {  	v1 =	vld @p1 [tilespmem:$0xA0C8];
	_ =	sdelay $0x2  }
0x235: {  	s0 =	sshll.u32 @p1 s3, $0x8  }
0x236: {  	s4 =	sshrl.u32 @p1 s0, $0x2  }
0x237: {  	[tilespmem:s4+$0xA138] =	vst.add.f32.msk @p1 $0xffff, v1  }
0x238: {  	v1 =	vld @p1 [tilespmem:$0xA0D8];
	_ =	sdelay $0x4  }
0x239: {  	[tilespmem:s4+$0xA148] =	vst.add.f32.msk @p1 $0xffff, v1  }
0x23a: {  	v1 =	vld @p1 [tilespmem:$0xA0E8];
	_ =	sdelay $0x4  }
0x23b: {  	[tilespmem:s4+$0xA158] =	vst.add.f32.msk @p1 $0xffff, v1  }
0x23c: {  	v1 =	vld @p1 [tilespmem:$0xA0F8];
	_ =	sdelay $0x3  }
0x23d: {  	s5 =	sshll.u32 @!p1 s3, $0x8  }
0x23e: {  	s5 =	smov.u32 @p1 s0;
	[tilespmem:s4+$0xA168] =	vst.add.f32.msk @p1 $0xffff, v1  }
0x23f: {  	s0 =	sshrl.u32 s5, $0x2;
	[tilespmem:s2+$0xA118] =	vst.msk $0x1, v0  }
0x240: {  	v0 =	vld [tilespmem:s0+$0xA138];
	_ =	sdelay $0x2  }
0x241: {  	s31 =	sshll.u32 s2, $0x8  }
0x242: {  	s4 =	sshra.s32 s31, $0x2  }
0x243: {  	[tilespmem:s4+$0xA138] =	vst v0  }
0x244: {  	v0 =	vld [tilespmem:s0+$0xA148];
	_ =	sdelay $0x4  }
0x245: {  	[tilespmem:s4+$0xA148] =	vst v0  }
0x246: {  	v0 =	vld [tilespmem:s0+$0xA158];
	_ =	sdelay $0x4  }
0x247: {  	[tilespmem:s4+$0xA158] =	vst v0  }
0x248: {  	v0 =	vld [tilespmem:s0+$0xA168];
	_ =	sdelay $0x4  }
0x249: {  	s2 =	sadd.s32 $0x1, s2;
	[tilespmem:s4+$0xA168] =	vst v0  }
.LBB2_52:
0x24a: {  	s3 =	sadd.s32 $0x1, s3  }
0x24b: {  	p1 =	sne.s32 s3, $0x20  }
.Ltmp34:
0x24c: {  	_ = 	snop;
	(pc) =	sbr.rel @!p1 .LBB2_53-.Ltmp34, $1  }
0x24d: {  	_ =	sdelay $0x3  }
.LBB2_45:
0x24e: {  	v0 =	vld.msk [tilespmem:s3+$0xA118], $0x1;
	_ =	sdelay $0x4  }
0x24f: {  	(v2sf) =	vpush v0, $0x0;
	_ =	sdelay $0xe  }
0x250: {  	s0 =	spop (v2sf)  }
0x251: {  	p1 =	seq.s32 s0, $0xFFFFFFFF  }
.Ltmp35:
0x252: {  	_ = 	snop;
	(pc) =	sbr.rel @p1 .LBB2_52-.Ltmp35, $1  }
0x253: {  	_ =	sdelay $0x3  }
0x254: {  	p1 =	slt.s32 s2, $0x1  }
.Ltmp36:
0x255: {  	_ = 	snop;
	(pc) =	sbr.rel @p1 .LBB2_51-.Ltmp36, $1  }
0x256: {  	_ =	sdelay $0x3  }
0x257: {  	s4 =	simm.s32 $0xA118;
	p1 =	por $0x0, $0x0  }
0x258: {  	v1 =	vld.msk @!p1 [tilespmem:s4+$0x0], $0x1;
	_ =	sdelay $0x4  }
0x259: {  	(v2sf) =	vpush @!p1 v1, $0x0;
	_ =	sdelay $0xd  }
0x25a: {  	p3 =	sne.s32 s2, $0x1  }
.Ltmp37:
0x25b: {  	s5 =	spop @!p1 (v2sf);
	(pc) =	sbr.rel @!p3 .LBB2_49-.Ltmp37, $4  }
0x25c: {  	p2 =	seq.s32 @!p1 s0, s5  }
0x25d: {  	s5 =	simm.s32 $0x0;
	p2 =	por !p2, p1  }
0x25e: {  	s7 =	simm.s32 $0xFFFFFFFF;
	s5 =	simm.s32 @p2 $0xFFFFFFFF  }
0x25f: {  	s6 =	simm.s32 $0x1;
	s5 =	smov.u32 @p1 s7  }
.LBB2_48:
0x260: {  	s7 =	smov.u32 s5;
	p1 =	sne.s32 s5, $0xFFFFFFFF  }
0x261: {  	s4 =	sadd.s32 $0x1, s4;
	s5 =	smov.u32 s6;
	s6 =	sadd.s32 $0x1, s6  }
0x262: {  	p2 =	sne.s32 s2, s6;
	v1 =	vld.msk @!p1 [tilespmem:s4+$0x0], $0x1;
	_ =	sdelay $0x4  }
0x263: {  	(v2sf) =	vpush @!p1 v1, $0x0;
	_ =	sdelay $0xe  }
.Ltmp38:
0x264: {  	s8 =	spop @!p1 (v2sf);
	(pc) =	sbr.rel @p2 .LBB2_48-.Ltmp38, $4  }
0x265: {  	p3 =	seq.s32 @!p1 s0, s8  }
0x266: {  	p3 =	por !p3, p1  }
0x267: {  	s5 =	simm.s32 @p3 $0xFFFFFFFF  }
0x268: {  	s5 =	smov.u32 @p1 s7  }
.LBB2_49:
0x269: {  	p1 =	seq.s32 s5, $0xFFFFFFFF  }
.Ltmp39:
0x26a: {  	_ = 	snop;
	(pc) =	sbr.rel @p1 .LBB2_51-.Ltmp39, $1  }
0x26b: {  	_ =	sdelay $0x3  }
0x26c: {  	s0 =	sshll.u32 s3, $0x6  }
0x26d: {  	s0 =	sand.u32 $0x3FFFFFC0, s0  }
0x26e: {  	v0 =	vld [tilespmem:s0+$0xA138];
	_ =	sdelay $0x2  }
0x26f: {  	s4 =	sshll.u32 s5, $0x8  }
0x270: {  	s4 =	sshra.s32 s4, $0x2  }
0x271: {  	[tilespmem:s4+$0xA138] =	vst.add.f32.msk $0xffff, v0  }
0x272: {  	v0 =	vld [tilespmem:s0+$0xA148];
	_ =	sdelay $0x4  }
0x273: {  	[tilespmem:s4+$0xA148] =	vst.add.f32.msk $0xffff, v0  }
0x274: {  	v0 =	vld [tilespmem:s0+$0xA158];
	_ =	sdelay $0x4  }
0x275: {  	[tilespmem:s4+$0xA158] =	vst.add.f32.msk $0xffff, v0  }
0x276: {  	v0 =	vld [tilespmem:s0+$0xA168]  }
.Ltmp40:
0x277: {  	_ = 	snop;
	(pc) =	sbr.rel .LBB2_52-.Ltmp40, $2  }
0x278: {  	_ =	sdelay $0x2  }
0x279: {  	[tilespmem:s4+$0xA168] =	vst.add.f32.msk $0xffff, v0  }
.LBB2_53:
0x27a: {  	p1 =	slt.s32 s2, $0x1  }
.Ltmp41:
0x27b: {  	_ = 	snop;
	(pc) =	sbr.rel @p1 .LBB2_57-.Ltmp41, $3  }
0x27c: {  	_ =	sdelay $0x1  }
0x27d: {  	s0 =	simm.s32 $0x8  }
0x27e: {  	[sflag:s0] =	ssyncpa.u1 $0x1;
	s0 =	simm.s32 $0x0  }
0x27f: {  	s3 =	simm.s32 $0xA118  }
0x280: {  	v0 =	vld.msk [tilespmem:s3+$0x0], $0x1;
	_ =	sdelay $0x4  }
0x281: {  	(v2sf) =	vpush v0, $0x0;
	_ =	sdelay $0xe  }
0x282: {  	s2 =	sadd.s32 $0xFFFFFFFF, s2;
	s4 =	spop (v2sf)  }
0x283: {  	p2 =	sne.s32 s2, $0x0;
	p1 =	sgt.u32 s4, $0x407FF8  }
.Ltmp42:
0x284: {  	s5 =	sand.u32 @!p1 $0x7FFFF8, s4;
	(pc) =	sbr.rel @!p2 .LBB2_56-.Ltmp42, $4  }
0x285: {  	s3 =	simm.s32 $0xA138;
	s4 =	sand.u32 @!p1 $0x7, s4;
	s5 =	sadd.s32 @!p1 s1, s5  }
0x286: {  	[hbm4b:s5+s4] =	stream.linear.scatter @!p1 [tilespmem:s3], [sflag:$0x7], $0x40, $0x38;
	[tilespmem:$0x1EF88] =	vst v63  }
0x287: {  	s5 =	simm.s32 $0x0  }
0x288: {  	s4 =	simm.s32 $0xA119;
	s5 =	simm.s32 @!p1 $0x100  }
.LBB2_55:
0x289: {  	v0 =	vld.msk [tilespmem:s4+$0x0], $0x1;
	s2 =	sadd.s32 $0xFFFFFFFF, s2;
	s0 =	sadd.s32 s0, s5  }
0x28a: {  	p1 =	sne.s32 s2, $0x0;
	_ =	sdelay $0x3  }
0x28b: {  	(v2sf) =	vpush v0, $0x0;
	_ =	sdelay $0xe  }
.Ltmp43:
0x28c: {  	s6 =	spop (v2sf);
	(pc) =	sbr.rel @p1 .LBB2_55-.Ltmp43, $4  }
0x28d: {  	s5 =	simm.s32 $0x0;
	p2 =	sgt.u32 s6, $0x407FF8  }
0x28e: {  	s3 =	sadd.s32 $0x40, s3;
	s5 =	simm.s32 @!p2 $0x100;
	s7 =	sand.u32 @!p2 $0x7FFFF8, s6  }
0x28f: {  	s4 =	sadd.s32 $0x1, s4;
	s6 =	sand.u32 @!p2 $0x7, s6;
	s7 =	sadd.s32 @!p2 s1, s7  }
0x290: {  	[hbm4b:s7+s6] =	stream.linear.scatter @!p2 [tilespmem:s3], [sflag:$0x7], $0x40, $0x38;
	[tilespmem:$0x1EF88] =	vst v63  }
.LBB2_56:
0x291: {  	s0 =	sadd.s32 s0, s5  }
0x292: {  	s0 =	sshrl.u32 s0, $0x2  }
.LBB2_57:
0x293: {  	s1 =	simm.s32 $0x7  }
0x294: {  	_ =	swait.ge [sflag:s1], s0  }
0x295: {  	s31 =	ssub.s32 $0x0, s0;
	[sflag:s1] =	ssyncset.done $0x0  }
0x296: {  	[sflag:s1] =	ssyncadd.s32 s31  }
0x297: {  	[sflag:s1] =	ssyncpa.u1 $0x1  }
.LBB2_58:
0x298: {  	_ =	sfence;
	s0 =	simm.s32 $0x1  }
0x299: {  	[sflag:s0] =	ssyncpa.u1 $0x1  }
0x29a: {  	_ =	strace $0x9000004D  }
0x29b: {  	[bflag:$0x2] =	sbarrier.arrive $0xFFFF  }
0x29c: {  	s0 =	rddreg [dreg:$0x5]  }
0x29d: {  	s0 =	sadd.s32 @!p0 $0x100000, s0  }
0x29e: {  	[sflag:s0] =	ssyncadd.tile.s32 @!p0 $0x1;
	_ =	shalt  }
.Lfunc_end2:
_tile_overlayer_lowered:
.L_overlay_start_2:
0x29f: {  	(tag) =	ssettag $0x2  }
0x2a0: {  	s0 =	rddreg [dreg:$0x0];
	s2 =	stileid.u32  }
0x2a1: {  	s1 =	rddreg [dreg:$0x1];
	p0 =	sne.s32 s2, $0x0  }
0x2a2: {  	s3 =	rddreg [dreg:$0x2];
	[bflag:$0x3] =	sbarrier.arrive $0xFFFF;
	s2 =	simm.s32 @!p0 $0x1C01  }
0x2a3: {  	[timem:s3], [sflag:s2] =	dma.local @!p0 [hbm:s0], s1  }
0x2a4: {  	s0 =	simm.s32 @!p0 $0x1  }
0x2a5: {  	_ =	swait.ge @!p0 [sflag:s0], s1  }
0x2a6: {  	s1 =	ssub.s32 @!p0 $0x0, s1;
	[sflag:s0] =	ssyncset.done @!p0 $0x0  }
0x2a7: {  	[sflag:s0] =	ssyncadd.s32 @!p0 s1  }
0x2a8: {  	[bflag:$0x3] =	sbarrier.arrive $0xFFFF  }
0x2a9: {  	_ =	shalt  }

// kernel: scatter_offload_async_start
scs
__scs_entry_jumppad:
0x0: {  	(pc) =	sbr.rel $0x88, $3  }
0x1: {  	(tag) =	ssettag $0x0;
	lr =	simm.s32 $0x1  }
0x2: {  	[smem:$0x3F9D] =	sst lr;
	_ =	strace $0xD0000000  }
0x3: {  	_ = 	snop  }
0x4: {  	_ = 	snop  }
0x5: {  	_ = 	snop  }
0x6: {  	_ = 	snop  }
0x7: {  	_ = 	snop  }
__scs_overlays_trampoline_lowered:
0x8: {  	[smem:$0x3FAC] =	sst s0  }
0x9: {  	[smem:$0x3FAD] =	sst s1  }
0xa: {  	[smem:$0x3FAE] =	sst s2  }
0xb: {  	[smem:$0x3FAF] =	sst s3  }
0xc: {  	[smem:$0x3FB0] =	sst s4  }
0xd: {  	[smem:$0x3FB1] =	sst s5  }
0xe: {  	[smem:$0x3FB2] =	sst s6  }
0xf: {  	[smem:$0x3FB3] =	sst s7  }
0x10: {  	[smem:$0x3FB4] =	sst s8  }
0x11: {  	[smem:$0x3FB5] =	sst s9;
	s0 =	simm.s32 @!p0 $0x0  }
0x12: {  	s1 =	sld [smem:$0x3F9B];
	s0 =	simm.s32 @p0 $0x1  }
0x13: {  	[smem:$0x3FB6] =	sst s0;
	s0 =	simm.s32 @!p1 $0x0  }
0x14: {  	s2 =	sld [smem:$0x3F9A];
	s0 =	simm.s32 @p1 $0x1  }
0x15: {  	[smem:$0x3FB7] =	sst s0;
	s0 =	simm.s32 @!p2 $0x0  }
0x16: {  	s3 =	sld [smem:$0x3FDB];
	s0 =	simm.s32 @p2 $0x1  }
0x17: {  	s4 =	simm.s32 $0x1BF5;
	[smem:$0x3FB9] =	sst s0  }
0x18: {  	s0 =	sld [smem:$0x3F9C];
	_ =	swait.ge [sflag:s4], $0x0  }
0x19: {  	s7 =	sld [smem:$0x3F9D]  }
0x1a: {  	s8 =	sadd.s32 $0xFFFFE003, lr  }
0x1b: {  	s9 =	sadd.s32 $0xFFFFFEF7, lr;
	s5 =	simm.s32 $0xFFFFFFFF;
	p2 =	slt.u32 s8, $0xFFFFF086  }
0x1c: {  	p1 =	slt.u32 s9, $0xF7A;
	s5 =	simm.s32 @!p2 $0x0  }
0x1d: {  	s5 =	simm.s32 @p1 $0x1;
	p0 =	seq.s32 s7, s2  }
0x1e: {  	s7 =	smul.u32 @!p0 $0xF7A, s2;
	p2 =	seq.s32 @!p0 s5, $0x0  }
0x1f: {  	s9 =	smul.u32 $0xF7A, s1;
	s8 =	simm.s32 @!p0 $0x1BF5;
	p2 =	por !p2, p0  }
0x20: {  	[sflag:s8] =	ssyncset.s32 @!p0 $0xFFFFF086;
	s6 =	sadd.s32 @!p0 s3, s7;
	s7 =	simm.s32 @!p0 $0x108  }
0x21: {  	s3 =	sadd.s32 s3, s9;
	s6 =	sadd.s32 @!p0 $0x88, s6;
	s7 =	simm.s32 @p2 $0x1082  }
0x22: {  	[simem:s7], [sflag:s8] =	dma.local @!p0 [hbm:s6], $0xF7A  }
0x23: {  	s9 =	sor.u32 $0xD0000000, s2;
	s6 =	simm.s32 $0x108;
	_ =	swait.ge @!p0 [sflag:s8], $0x0  }
0x24: {  	s3 =	sadd.s32 $0x88, s3;
	s6 =	simm.s32 @!p1 $0x1082;
	[sflag:s4] =	ssyncset.s32 $0xFFFFF086  }
0x25: {  	[simem:s6], [sflag:s4] =	dma.local [hbm:s3], $0xF7A  }
0x26: {  	[smem:$0x3F9D] =	sst s1;
	(tag) =	ssettag s2;
	_ =	strace s9  }
0x27: {  	s1 =	sld [smem:$0x3FAD]  }
0x28: {  	s2 =	sld [smem:$0x3FAE]  }
0x29: {  	s4 =	sld [smem:$0x3FB0]  }
0x2a: {  	p0 =	seq.s32 s5, $0x0;
	s5 =	sld [smem:$0x3FB1]  }
0x2b: {  	s6 =	sld [smem:$0x3FB2]  }
0x2c: {  	s7 =	sld [smem:$0x3FB3]  }
0x2d: {  	s3 =	simm.s32 $0x108;
	s8 =	sld [smem:$0x3FB4]  }
0x2e: {  	s3 =	simm.s32 @!p0 $0x1082;
	s9 =	sld [smem:$0x3FB5]  }
0x2f: {  	lr =	sadd.s32 s0, s3;
	s0 =	sld [smem:$0x3FAC]  }
0x30: {  	s3 =	sld [smem:$0x3FAF]  }
0x31: {  	[smem:$0x3FB8] =	sst s10  }
0x32: {  	s10 =	sld [smem:$0x3FB6];
	_ =	sdelay $0x3  }
0x33: {  	p0 =	seq.s32 s10, $0x1;
	s10 =	sld [smem:$0x3FB8];
	_ =	sdelay $0x3  }
0x34: {  	[smem:$0x3FB8] =	sst s10  }
0x35: {  	s10 =	sld [smem:$0x3FB7];
	_ =	sdelay $0x3  }
0x36: {  	p1 =	seq.s32 s10, $0x1;
	s10 =	sld [smem:$0x3FB8];
	_ =	sdelay $0x3  }
0x37: {  	[smem:$0x3FB8] =	sst s10  }
0x38: {  	s10 =	sld [smem:$0x3FB9]  }
0x39: {  	_ = 	snop;
	(pc) =	sbr.ind lr, $3  }
0x3a: {  	_ = 	snop  }
0x3b: {  	_ = 	snop  }
0x3c: {  	p2 =	seq.s32 s10, $0x1;
	s10 =	sld [smem:$0x3FB8]  }
0x3d: {  	_ =	shalt  }
0x3e: {  	_ =	shalt  }
0x3f: {  	_ =	shalt  }
0x40: {  	_ =	shalt  }
0x41: {  	_ =	shalt  }
0x42: {  	_ =	shalt  }
0x43: {  	_ =	shalt  }
0x44: {  	_ =	shalt  }
0x45: {  	_ =	shalt  }
0x46: {  	_ =	shalt  }
0x47: {  	_ =	shalt  }
0x48: {  	_ =	shalt  }
0x49: {  	_ =	shalt  }
0x4a: {  	_ =	shalt  }
0x4b: {  	_ =	shalt  }
0x4c: {  	_ =	shalt  }
0x4d: {  	_ =	shalt  }
0x4e: {  	_ =	shalt  }
0x4f: {  	_ =	shalt  }
0x50: {  	_ =	shalt  }
0x51: {  	_ =	shalt  }
0x52: {  	_ =	shalt  }
0x53: {  	_ =	shalt  }
0x54: {  	_ =	shalt  }
0x55: {  	_ =	shalt  }
0x56: {  	_ =	shalt  }
0x57: {  	_ =	shalt  }
0x58: {  	_ =	shalt  }
0x59: {  	_ =	shalt  }
0x5a: {  	_ =	shalt  }
0x5b: {  	_ =	shalt  }
0x5c: {  	_ =	shalt  }
0x5d: {  	_ =	shalt  }
0x5e: {  	_ =	shalt  }
0x5f: {  	_ =	shalt  }
0x60: {  	_ =	shalt  }
0x61: {  	_ =	shalt  }
0x62: {  	_ =	shalt  }
0x63: {  	_ =	shalt  }
0x64: {  	_ =	shalt  }
0x65: {  	_ =	shalt  }
0x66: {  	_ =	shalt  }
0x67: {  	_ =	shalt  }
0x68: {  	_ =	shalt  }
0x69: {  	_ =	shalt  }
0x6a: {  	_ =	shalt  }
0x6b: {  	_ =	shalt  }
0x6c: {  	_ =	shalt  }
0x6d: {  	_ =	shalt  }
0x6e: {  	_ =	shalt  }
0x6f: {  	_ =	shalt  }
0x70: {  	_ =	shalt  }
0x71: {  	_ =	shalt  }
0x72: {  	_ =	shalt  }
0x73: {  	_ =	shalt  }
0x74: {  	_ =	shalt  }
0x75: {  	_ =	shalt  }
0x76: {  	_ =	shalt  }
0x77: {  	_ =	shalt  }
0x78: {  	_ =	shalt  }
0x79: {  	_ =	shalt  }
0x7a: {  	_ =	shalt  }
0x7b: {  	_ =	shalt  }
0x7c: {  	_ =	shalt  }
0x7d: {  	_ =	shalt  }
0x7e: {  	_ =	shalt  }
0x7f: {  	_ =	shalt  }
0x80: {  	_ =	shalt  }
0x81: {  	_ =	shalt  }
0x82: {  	_ =	shalt  }
0x83: {  	_ =	shalt  }
0x84: {  	_ =	shalt  }
0x85: {  	_ =	shalt  }
0x86: {  	_ =	shalt  }
0x87: {  	_ =	shalt  }
.Lfunc_end0:
.L_simem_size_0:
called_computation_lowered:
.L_overlay_start_0:
0x88: {  	s2 =	sld [smem:$0x3FD9]  }
0x89: {  	s3 =	sld [smem:$0x3FFE];
	_ =	sdelay $0x1  }
0x8a: {  	s1 =	srdreg.scid  }
0x8b: {  	s0 =	sand.u32 $0x1, s1  }
0x8c: {  	s13 =	sshll.u32 s0, $0xA;
	s2 =	sadd.s32 s3, s2  }
0x8d: {  	s2 =	sadd.s32 s2, s13  }
0x8e: {  	[smem:$0x3FC4] =	sst s2  }
0x8f: {  	_ = 	snop  }
0x90: {  	s2 =	sld [smem:$0x3FD0];
	_ =	sdelay $0x2  }
0x91: {  	s14 =	simm.s32 $0xB;
	s4 =	simm.s32 $0x10  }
0x92: {  	[smem:s4], [sflag:s14] =	dma.local [hbm:s2], $0x1  }
0x93: {  	_ =	swait.eq [sflag:s14], $0x1  }
0x94: {  	[sflag:s14] =	ssyncset.done $0x0  }
0x95: {  	s15 =	sld [smem:$0x10];
	[sflag:s14] =	ssyncadd.s32 $0xFFFFFFFF  }
0x96: {  	s16 =	sld [smem:$0x12];
	(tm) =	ssettm $0x1  }
0x97: {  	s17 =	sld [smem:$0x3FFB];
	_ =	sdelay $0x3  }
0x98: {  	_ =	strace s17  }
0x99: {  	s4 =	sld [smem:$0x3FFC];
	_ =	sdelay $0x3  }
0x9a: {  	_ =	strace s4  }
0x9b: {  	s4 =	sld [smem:$0x3FFD];
	_ =	sdelay $0x3  }
0x9c: {  	_ =	strace s4  }
0x9d: {  	_ =	strace $0x8FFFFFFF  }
0x9e: {  	s18 =	sld [smem:$0x3FDB];
	_ =	sdelay $0x1  }
0x9f: {  	s5 =	simm.s32 $_scs_section_size  }
0xa0: {  	s6 =	simm.s32 $_size__tile_overlayer_lowered;
	s7 =	simm.s32 $_tile_overlayer_lowered  }
0xa1: {  	s21 =	simm.s32 $0x1BFF;
	s20 =	sshll.u32 s7, $0x1;
	s4 =	sadd.s32 s5, s18  }
0xa2: {  	s8 =	simm.s32 $0x0;
	s19 =	sshll.u32 s6, $0x1;
	s6 =	sadd.s32 s20, s4  }
0xa3: {  	[timem:s8], [sflag:s21] =	dma.local [hbm:s6], s19  }
0xa4: {  	_ =	swait.ge [sflag:s21], s19  }
0xa5: {  	s5 =	ssub.s32 $0x0, s19;
	[sflag:s21] =	ssyncset.done $0x0  }
0xa6: {  	[sflag:s21] =	ssyncadd.s32 s5;
	_ =	sdelay $0x1  }
0xa7: {  	s22 =	simm.s32 $0x1B8B  }
0xa8: {  	_ =	swait.ge [sflag:s22], $0x1  }
0xa9: {  	[sflag:s22] =	ssyncset.done $0x0  }
0xaa: {  	s23 =	sld [smem:$0x3FFE];
	[sflag:s22] =	ssyncadd.s32 $0xFFFFFFFF  }
0xab: {  	s25 =	simm.s32 $0x1B8E;
	s24 =	sld [smem:$0x0]  }
0xac: {  	s26 =	simm.s32 $execute0_lowered;
	[smem:$0x3FD2] =	sst s25  }
0xad: {  	s7 =	sshll.u32 s26, $0x1;
	_ =	strace $0x80000046;
	[dreg:$0x1] =	wrdreg $0xFFFFFFFF  }
0xae: {  	s28 =	simm.s32 $_size_execute0_lowered;
	s4 =	sadd.s32 s4, s7;
	[dreg:$0x0] =	wrdreg $0x0  }
0xaf: {  	s7 =	sshll.u32 s28, $0x1;
	[dreg:$0x2] =	wrdreg s4  }
0xb0: {  	[dreg:$0x3] =	wrdreg s7  }
0xb1: {  	[dreg:$0x4] =	wrdreg $0xC0  }
0xb2: {  	_ =	task [dreg:s8], $0x5FFFF  }
0xb3: {  	[dreg:$0x1] =	wrdreg $0xFFFFFFFF  }
0xb4: {  	[dreg:$0x0] =	wrdreg $0x60  }
0xb5: {  	[dreg:$0x2] =	wrdreg s23  }
0xb6: {  	[dreg:$0x3] =	wrdreg s16  }
0xb7: {  	[dreg:$0x4] =	wrdreg s15  }
0xb8: {  	[dreg:$0x5] =	wrdreg s1  }
0xb9: {  	[dreg:$0x6] =	wrdreg s24  }
0xba: {  	[dreg:$0x7] =	wrdreg $0x9  }
0xbb: {  	_ =	task.clear_ibuf [dreg:s8], $0x8FFFF;
	_ =	strace $0x90000046  }
0xbc: {  	s29 =	simm.s32 $0x9;
	_ =	strace $0x80000048  }
0xbd: {  	_ =	swait.ge [sflag:s29], $0x1  }
0xbe: {  	[sflag:s29] =	ssyncadd.s32 $0xFFFFFFFF  }
0xbf: {  	_ =	strace $0x90000048  }
0xc0: {  	_ =	sfence  }
0xc1: {  	s30 =	sld [smem:$0x0];
	_ =	sdelay $0x2  }
0xc2: {  	s31 =	sshll.u32 s1, $0xD;
	s1 =	sshrl.u32 s1, $0x2  }
0xc3: {  	s3 =	sand.u32 $0x4000, s31;
	s1 =	sadd.s32 s1, s30  }
0xc4: {  	s0 =	sor.u32 s3, s0;
	s1 =	sshll.u32 s1, $0x11  }
0xc5: {  	s0 =	sor.u32 s1, s0  }
0xc6: {  	s0 =	sadd.s32 $0x8F2B, s0  }
0xc7: {  	[sflag:s0] =	ssyncadd.remote.s32 $0x1  }
0xc8: {  	_ =	sfence.sel $0xFFFF  }
0xc9: {  	[dreg:$0x0] =	wrdreg $0xFFFFFFFF;
	(pc) =	sbr.abs _section_cstart, $3  }
0xca: {  	[dreg:$0x1] =	wrdreg $0xFFFFFFFF  }
0xcb: {  	_ =	task.clear_ibuf [dreg:s8], $0x2FFFF;
	_ =	strace $0x9FFFFFFF  }
0xcc: {  	(tm) =	ssettm $0x7FFFFFFF  }
0xcd: {  	_ =	shalt  }
tec
execute0_lowered:
.L_overlay_start_1:
0x0: {  	(tag) =	ssettag $0x1  }
0x1: {  	s1 =	rddreg [dreg:$0x0]  }
0x2: {  	s14 =	rddreg [dreg:$0x1]  }
0x3: {  	s13 =	rddreg [dreg:$0x2]  }
0x4: {  	s4 =	rddreg [dreg:$0x3];
	_ =	strace $0x80000047;
	s12 =	simm.s32 $0x1  }
0x5: {  	v0 =	vimm.s32 $0x0;
	[sflag:s12] =	ssyncpa.u1 $0x0  }
0x6: {  	[tilespmem:$0x28] =	vst v0  }
0x7: {  	[tilespmem:$0x38] =	vst v0  }
0x8: {  	[tilespmem:$0x48] =	vst v0  }
0x9: {  	[tilespmem:$0x58] =	vst v0  }
0xa: {  	[tilespmem:$0x68] =	vst v0  }
0xb: {  	[tilespmem:$0x78] =	vst v0  }
0xc: {  	[tilespmem:$0x88] =	vst v0  }
0xd: {  	[tilespmem:$0x98] =	vst v0  }
0xe: {  	[tilespmem:$0xA8] =	vst v0  }
0xf: {  	[tilespmem:$0xB8] =	vst v0  }
0x10: {  	[tilespmem:$0xC8] =	vst v0  }
0x11: {  	[tilespmem:$0xD8] =	vst v0  }
0x12: {  	[tilespmem:$0xE8] =	vst v0  }
0x13: {  	[tilespmem:$0xF8] =	vst v0  }
0x14: {  	[tilespmem:$0x108] =	vst v0  }
0x15: {  	[tilespmem:$0x118] =	vst v0  }
0x16: {  	[tilespmem:$0x128] =	vst v0  }
0x17: {  	[tilespmem:$0x138] =	vst v0  }
0x18: {  	[tilespmem:$0x148] =	vst v0  }
0x19: {  	[tilespmem:$0x158] =	vst v0  }
0x1a: {  	[tilespmem:$0x168] =	vst v0  }
0x1b: {  	[tilespmem:$0x178] =	vst v0  }
0x1c: {  	[tilespmem:$0x188] =	vst v0  }
0x1d: {  	[tilespmem:$0x198] =	vst v0  }
0x1e: {  	[tilespmem:$0x1A8] =	vst v0  }
0x1f: {  	[tilespmem:$0x1B8] =	vst v0  }
0x20: {  	[tilespmem:$0x1C8] =	vst v0  }
0x21: {  	[tilespmem:$0x1D8] =	vst v0  }
0x22: {  	[tilespmem:$0x1E8] =	vst v0  }
0x23: {  	[tilespmem:$0x1F8] =	vst v0  }
0x24: {  	[tilespmem:$0x208] =	vst v0  }
0x25: {  	[tilespmem:$0x218] =	vst v0  }
0x26: {  	[tilespmem:$0x228] =	vst v0  }
0x27: {  	[tilespmem:$0x238] =	vst v0  }
0x28: {  	[tilespmem:$0x248] =	vst v0  }
0x29: {  	[tilespmem:$0x258] =	vst v0  }
0x2a: {  	[tilespmem:$0x268] =	vst v0  }
0x2b: {  	[tilespmem:$0x278] =	vst v0  }
0x2c: {  	[tilespmem:$0x288] =	vst v0  }
0x2d: {  	[tilespmem:$0x298] =	vst v0  }
0x2e: {  	[tilespmem:$0x2A8] =	vst v0  }
0x2f: {  	[tilespmem:$0x2B8] =	vst v0  }
0x30: {  	[tilespmem:$0x2C8] =	vst v0  }
0x31: {  	[tilespmem:$0x2D8] =	vst v0  }
0x32: {  	[tilespmem:$0x2E8] =	vst v0  }
0x33: {  	[tilespmem:$0x2F8] =	vst v0  }
0x34: {  	[tilespmem:$0x308] =	vst v0  }
0x35: {  	[tilespmem:$0x318] =	vst v0  }
0x36: {  	[tilespmem:$0x328] =	vst v0  }
0x37: {  	[tilespmem:$0x338] =	vst v0  }
0x38: {  	[tilespmem:$0x348] =	vst v0  }
0x39: {  	[tilespmem:$0x358] =	vst v0  }
0x3a: {  	[tilespmem:$0x368] =	vst v0  }
0x3b: {  	[tilespmem:$0x378] =	vst v0  }
0x3c: {  	[tilespmem:$0x388] =	vst v0  }
0x3d: {  	[tilespmem:$0x398] =	vst v0  }
0x3e: {  	[tilespmem:$0x3A8] =	vst v0  }
0x3f: {  	[tilespmem:$0x3B8] =	vst v0  }
0x40: {  	[tilespmem:$0x3C8] =	vst v0  }
0x41: {  	[tilespmem:$0x3D8] =	vst v0  }
0x42: {  	[tilespmem:$0x3E8] =	vst v0  }
0x43: {  	[tilespmem:$0x3F8] =	vst v0  }
0x44: {  	[tilespmem:$0x408] =	vst v0  }
0x45: {  	[tilespmem:$0x418] =	vst v0  }
0x46: {  	[tilespmem:$0x428] =	vst v0  }
0x47: {  	[tilespmem:$0x438] =	vst v0  }
0x48: {  	[tilespmem:$0x448] =	vst v0  }
0x49: {  	[tilespmem:$0x458] =	vst v0  }
0x4a: {  	[tilespmem:$0x468] =	vst v0  }
0x4b: {  	[tilespmem:$0x478] =	vst v0  }
0x4c: {  	[tilespmem:$0x488] =	vst v0  }
0x4d: {  	[tilespmem:$0x498] =	vst v0  }
0x4e: {  	[tilespmem:$0x4A8] =	vst v0  }
0x4f: {  	[tilespmem:$0x4B8] =	vst v0  }
0x50: {  	[tilespmem:$0x4C8] =	vst v0  }
0x51: {  	[tilespmem:$0x4D8] =	vst v0  }
0x52: {  	[tilespmem:$0x4E8] =	vst v0  }
0x53: {  	[tilespmem:$0x4F8] =	vst v0  }
0x54: {  	[tilespmem:$0x508] =	vst v0  }
0x55: {  	[tilespmem:$0x518] =	vst v0  }
0x56: {  	[tilespmem:$0x528] =	vst v0  }
0x57: {  	[tilespmem:$0x538] =	vst v0  }
0x58: {  	[tilespmem:$0x548] =	vst v0  }
0x59: {  	[tilespmem:$0x558] =	vst v0  }
0x5a: {  	[tilespmem:$0x568] =	vst v0  }
0x5b: {  	[tilespmem:$0x578] =	vst v0  }
0x5c: {  	[tilespmem:$0x588] =	vst v0  }
0x5d: {  	[tilespmem:$0x598] =	vst v0  }
0x5e: {  	[tilespmem:$0x5A8] =	vst v0  }
0x5f: {  	[tilespmem:$0x5B8] =	vst v0  }
0x60: {  	[tilespmem:$0x5C8] =	vst v0  }
0x61: {  	[tilespmem:$0x5D8] =	vst v0  }
0x62: {  	[tilespmem:$0x5E8] =	vst v0  }
0x63: {  	[tilespmem:$0x5F8] =	vst v0  }
0x64: {  	[tilespmem:$0x608] =	vst v0  }
0x65: {  	[tilespmem:$0x618] =	vst v0  }
0x66: {  	[tilespmem:$0x628] =	vst v0  }
0x67: {  	[tilespmem:$0x638] =	vst v0  }
0x68: {  	[tilespmem:$0x648] =	vst v0  }
0x69: {  	[tilespmem:$0x658] =	vst v0  }
0x6a: {  	[tilespmem:$0x668] =	vst v0  }
0x6b: {  	[tilespmem:$0x678] =	vst v0  }
0x6c: {  	[tilespmem:$0x688] =	vst v0  }
0x6d: {  	[tilespmem:$0x698] =	vst v0  }
0x6e: {  	[tilespmem:$0x6A8] =	vst v0  }
0x6f: {  	[tilespmem:$0x6B8] =	vst v0  }
0x70: {  	[tilespmem:$0x6C8] =	vst v0  }
0x71: {  	[tilespmem:$0x6D8] =	vst v0  }
0x72: {  	[tilespmem:$0x6E8] =	vst v0  }
0x73: {  	[tilespmem:$0x6F8] =	vst v0  }
0x74: {  	[tilespmem:$0x708] =	vst v0  }
0x75: {  	[tilespmem:$0x718] =	vst v0  }
0x76: {  	[tilespmem:$0x728] =	vst v0  }
0x77: {  	[tilespmem:$0x738] =	vst v0  }
0x78: {  	[tilespmem:$0x748] =	vst v0  }
0x79: {  	[tilespmem:$0x758] =	vst v0  }
0x7a: {  	[tilespmem:$0x768] =	vst v0  }
0x7b: {  	[tilespmem:$0x778] =	vst v0  }
0x7c: {  	[tilespmem:$0x788] =	vst v0  }
0x7d: {  	[tilespmem:$0x798] =	vst v0  }
0x7e: {  	[tilespmem:$0x7A8] =	vst v0  }
0x7f: {  	[tilespmem:$0x7B8] =	vst v0  }
0x80: {  	[tilespmem:$0x7C8] =	vst v0  }
0x81: {  	[tilespmem:$0x7D8] =	vst v0  }
0x82: {  	[tilespmem:$0x7E8] =	vst v0  }
0x83: {  	[tilespmem:$0x7F8] =	vst v0  }
0x84: {  	[tilespmem:$0x808] =	vst v0  }
0x85: {  	[tilespmem:$0x818] =	vst v0  }
0x86: {  	[tilespmem:$0x828] =	vst v0  }
0x87: {  	[tilespmem:$0x838] =	vst v0  }
0x88: {  	[tilespmem:$0x848] =	vst v0  }
0x89: {  	[tilespmem:$0x858] =	vst v0  }
0x8a: {  	[tilespmem:$0x868] =	vst v0  }
0x8b: {  	[tilespmem:$0x878] =	vst v0  }
0x8c: {  	[tilespmem:$0x888] =	vst v0  }
0x8d: {  	[tilespmem:$0x898] =	vst v0  }
0x8e: {  	[tilespmem:$0x8A8] =	vst v0  }
0x8f: {  	[tilespmem:$0x8B8] =	vst v0  }
0x90: {  	[tilespmem:$0x8C8] =	vst v0  }
0x91: {  	[tilespmem:$0x8D8] =	vst v0  }
0x92: {  	[tilespmem:$0x8E8] =	vst v0  }
0x93: {  	[tilespmem:$0x8F8] =	vst v0  }
0x94: {  	[tilespmem:$0x908] =	vst v0  }
0x95: {  	[tilespmem:$0x918] =	vst v0  }
0x96: {  	[tilespmem:$0x928] =	vst v0  }
0x97: {  	[tilespmem:$0x938] =	vst v0  }
0x98: {  	[tilespmem:$0x948] =	vst v0  }
0x99: {  	[tilespmem:$0x958] =	vst v0  }
0x9a: {  	[tilespmem:$0x968] =	vst v0  }
0x9b: {  	[tilespmem:$0x978] =	vst v0  }
0x9c: {  	[tilespmem:$0x988] =	vst v0  }
0x9d: {  	[tilespmem:$0x998] =	vst v0  }
0x9e: {  	[tilespmem:$0x9A8] =	vst v0  }
0x9f: {  	[tilespmem:$0x9B8] =	vst v0  }
0xa0: {  	[tilespmem:$0x9C8] =	vst v0  }
0xa1: {  	[tilespmem:$0x9D8] =	vst v0  }
0xa2: {  	[tilespmem:$0x9E8] =	vst v0  }
0xa3: {  	[tilespmem:$0x9F8] =	vst v0  }
0xa4: {  	[tilespmem:$0xA08] =	vst v0  }
0xa5: {  	[tilespmem:$0xA18] =	vst v0  }
0xa6: {  	[tilespmem:$0xA28] =	vst v0  }
0xa7: {  	[tilespmem:$0xA38] =	vst v0  }
0xa8: {  	[tilespmem:$0xA48] =	vst v0  }
0xa9: {  	[tilespmem:$0xA58] =	vst v0  }
0xaa: {  	[tilespmem:$0xA68] =	vst v0  }
0xab: {  	[tilespmem:$0xA78] =	vst v0  }
0xac: {  	[tilespmem:$0xA88] =	vst v0  }
0xad: {  	[tilespmem:$0xA98] =	vst v0  }
0xae: {  	[tilespmem:$0xAA8] =	vst v0  }
0xaf: {  	[tilespmem:$0xAB8] =	vst v0  }
0xb0: {  	[tilespmem:$0xAC8] =	vst v0  }
0xb1: {  	[tilespmem:$0xAD8] =	vst v0  }
0xb2: {  	[tilespmem:$0xAE8] =	vst v0  }
0xb3: {  	[tilespmem:$0xAF8] =	vst v0  }
0xb4: {  	[tilespmem:$0xB08] =	vst v0  }
0xb5: {  	[tilespmem:$0xB18] =	vst v0  }
0xb6: {  	[tilespmem:$0xB28] =	vst v0  }
0xb7: {  	[tilespmem:$0xB38] =	vst v0  }
0xb8: {  	[tilespmem:$0xB48] =	vst v0  }
0xb9: {  	[tilespmem:$0xB58] =	vst v0  }
0xba: {  	[tilespmem:$0xB68] =	vst v0  }
0xbb: {  	[tilespmem:$0xB78] =	vst v0  }
0xbc: {  	[tilespmem:$0xB88] =	vst v0  }
0xbd: {  	[tilespmem:$0xB98] =	vst v0  }
0xbe: {  	[tilespmem:$0xBA8] =	vst v0  }
0xbf: {  	[tilespmem:$0xBB8] =	vst v0  }
0xc0: {  	[tilespmem:$0xBC8] =	vst v0  }
0xc1: {  	[tilespmem:$0xBD8] =	vst v0  }
0xc2: {  	[tilespmem:$0xBE8] =	vst v0  }
0xc3: {  	[tilespmem:$0xBF8] =	vst v0  }
0xc4: {  	[tilespmem:$0xC08] =	vst v0  }
0xc5: {  	[tilespmem:$0xC18] =	vst v0  }
0xc6: {  	[tilespmem:$0xC28] =	vst v0  }
0xc7: {  	[tilespmem:$0xC38] =	vst v0  }
0xc8: {  	[tilespmem:$0xC48] =	vst v0  }
0xc9: {  	[tilespmem:$0xC58] =	vst v0  }
0xca: {  	[tilespmem:$0xC68] =	vst v0  }
0xcb: {  	[tilespmem:$0xC78] =	vst v0  }
0xcc: {  	[tilespmem:$0xC88] =	vst v0  }
0xcd: {  	[tilespmem:$0xC98] =	vst v0  }
0xce: {  	[tilespmem:$0xCA8] =	vst v0  }
0xcf: {  	[tilespmem:$0xCB8] =	vst v0  }
0xd0: {  	[tilespmem:$0xCC8] =	vst v0  }
0xd1: {  	[tilespmem:$0xCD8] =	vst v0  }
0xd2: {  	[tilespmem:$0xCE8] =	vst v0  }
0xd3: {  	[tilespmem:$0xCF8] =	vst v0  }
0xd4: {  	[tilespmem:$0xD08] =	vst v0  }
0xd5: {  	[tilespmem:$0xD18] =	vst v0  }
0xd6: {  	[tilespmem:$0xD28] =	vst v0  }
0xd7: {  	[tilespmem:$0xD38] =	vst v0  }
0xd8: {  	[tilespmem:$0xD48] =	vst v0  }
0xd9: {  	[tilespmem:$0xD58] =	vst v0  }
0xda: {  	[tilespmem:$0xD68] =	vst v0  }
0xdb: {  	[tilespmem:$0xD78] =	vst v0  }
0xdc: {  	[tilespmem:$0xD88] =	vst v0  }
0xdd: {  	[tilespmem:$0xD98] =	vst v0  }
0xde: {  	[tilespmem:$0xDA8] =	vst v0  }
0xdf: {  	[tilespmem:$0xDB8] =	vst v0  }
0xe0: {  	[tilespmem:$0xDC8] =	vst v0  }
0xe1: {  	[tilespmem:$0xDD8] =	vst v0  }
0xe2: {  	[tilespmem:$0xDE8] =	vst v0  }
0xe3: {  	[tilespmem:$0xDF8] =	vst v0  }
0xe4: {  	[tilespmem:$0xE08] =	vst v0  }
0xe5: {  	[tilespmem:$0xE18] =	vst v0  }
0xe6: {  	[tilespmem:$0xE28] =	vst v0  }
0xe7: {  	[tilespmem:$0xE38] =	vst v0  }
0xe8: {  	[tilespmem:$0xE48] =	vst v0  }
0xe9: {  	[tilespmem:$0xE58] =	vst v0  }
0xea: {  	[tilespmem:$0xE68] =	vst v0  }
0xeb: {  	[tilespmem:$0xE78] =	vst v0  }
0xec: {  	[tilespmem:$0xE88] =	vst v0  }
0xed: {  	[tilespmem:$0xE98] =	vst v0  }
0xee: {  	[tilespmem:$0xEA8] =	vst v0  }
0xef: {  	[tilespmem:$0xEB8] =	vst v0  }
0xf0: {  	[tilespmem:$0xEC8] =	vst v0  }
0xf1: {  	[tilespmem:$0xED8] =	vst v0  }
0xf2: {  	[tilespmem:$0xEE8] =	vst v0  }
0xf3: {  	[tilespmem:$0xEF8] =	vst v0  }
0xf4: {  	[tilespmem:$0xF08] =	vst v0  }
0xf5: {  	[tilespmem:$0xF18] =	vst v0  }
0xf6: {  	[tilespmem:$0xF28] =	vst v0  }
0xf7: {  	[tilespmem:$0xF38] =	vst v0  }
0xf8: {  	[tilespmem:$0xF48] =	vst v0  }
0xf9: {  	[tilespmem:$0xF58] =	vst v0  }
0xfa: {  	[tilespmem:$0xF68] =	vst v0  }
0xfb: {  	[tilespmem:$0xF78] =	vst v0  }
0xfc: {  	[tilespmem:$0xF88] =	vst v0  }
0xfd: {  	[tilespmem:$0xF98] =	vst v0  }
0xfe: {  	[tilespmem:$0xFA8] =	vst v0  }
0xff: {  	[tilespmem:$0xFB8] =	vst v0  }
0x100: {  	[tilespmem:$0xFC8] =	vst v0  }
0x101: {  	[tilespmem:$0xFD8] =	vst v0  }
0x102: {  	[tilespmem:$0xFE8] =	vst v0  }
0x103: {  	[tilespmem:$0xFF8] =	vst v0  }
0x104: {  	[tilespmem:$0x1008] =	vst v0  }
0x105: {  	[tilespmem:$0x10C8] =	vst v0  }
0x106: {  	[tilespmem:$0x1B28] =	vst v0  }
0x107: {  	[tilespmem:$0x1B18] =	vst v0  }
0x108: {  	[tilespmem:$0x1B08] =	vst v0  }
0x109: {  	[tilespmem:$0x1AF8] =	vst v0  }
0x10a: {  	[tilespmem:$0x1AE8] =	vst v0  }
0x10b: {  	[tilespmem:$0x1AD8] =	vst v0  }
0x10c: {  	[tilespmem:$0x1AC8] =	vst v0  }
0x10d: {  	[tilespmem:$0x1AB8] =	vst v0  }
0x10e: {  	[tilespmem:$0x1AA8] =	vst v0  }
0x10f: {  	[tilespmem:$0x1A98] =	vst v0  }
0x110: {  	[tilespmem:$0x1A88] =	vst v0  }
0x111: {  	[tilespmem:$0x1A78] =	vst v0  }
0x112: {  	[tilespmem:$0x1A68] =	vst v0  }
0x113: {  	[tilespmem:$0x1A58] =	vst v0  }
0x114: {  	[tilespmem:$0x1A48] =	vst v0  }
0x115: {  	[tilespmem:$0x1A38] =	vst v0  }
0x116: {  	[tilespmem:$0x1A28] =	vst v0  }
0x117: {  	[tilespmem:$0x1A18] =	vst v0  }
0x118: {  	[tilespmem:$0x1A08] =	vst v0  }
0x119: {  	[tilespmem:$0x19F8] =	vst v0  }
0x11a: {  	[tilespmem:$0x19E8] =	vst v0  }
0x11b: {  	[tilespmem:$0x19D8] =	vst v0  }
0x11c: {  	[tilespmem:$0x19C8] =	vst v0  }
0x11d: {  	[tilespmem:$0x19B8] =	vst v0  }
0x11e: {  	[tilespmem:$0x19A8] =	vst v0  }
0x11f: {  	[tilespmem:$0x1998] =	vst v0  }
0x120: {  	[tilespmem:$0x1988] =	vst v0  }
0x121: {  	[tilespmem:$0x1978] =	vst v0  }
0x122: {  	[tilespmem:$0x1968] =	vst v0  }
0x123: {  	[tilespmem:$0x1958] =	vst v0  }
0x124: {  	[tilespmem:$0x1948] =	vst v0  }
0x125: {  	[tilespmem:$0x1938] =	vst v0  }
0x126: {  	[tilespmem:$0x1928] =	vst v0  }
0x127: {  	[tilespmem:$0x1918] =	vst v0  }
0x128: {  	[tilespmem:$0x1908] =	vst v0  }
0x129: {  	[tilespmem:$0x18F8] =	vst v0  }
0x12a: {  	[tilespmem:$0x18E8] =	vst v0  }
0x12b: {  	[tilespmem:$0x18D8] =	vst v0  }
0x12c: {  	[tilespmem:$0x18C8] =	vst v0  }
0x12d: {  	[tilespmem:$0x18B8] =	vst v0  }
0x12e: {  	[tilespmem:$0x18A8] =	vst v0  }
0x12f: {  	[tilespmem:$0x1898] =	vst v0  }
0x130: {  	[tilespmem:$0x1888] =	vst v0  }
0x131: {  	[tilespmem:$0x1878] =	vst v0  }
0x132: {  	[tilespmem:$0x1868] =	vst v0  }
0x133: {  	[tilespmem:$0x1858] =	vst v0  }
0x134: {  	[tilespmem:$0x1848] =	vst v0  }
0x135: {  	[tilespmem:$0x1838] =	vst v0  }
0x136: {  	[tilespmem:$0x1828] =	vst v0  }
0x137: {  	[tilespmem:$0x1818] =	vst v0  }
0x138: {  	[tilespmem:$0x1808] =	vst v0  }
0x139: {  	[tilespmem:$0x17F8] =	vst v0  }
0x13a: {  	[tilespmem:$0x17E8] =	vst v0  }
0x13b: {  	[tilespmem:$0x17D8] =	vst v0  }
0x13c: {  	[tilespmem:$0x17C8] =	vst v0  }
0x13d: {  	[tilespmem:$0x17B8] =	vst v0  }
0x13e: {  	[tilespmem:$0x17A8] =	vst v0  }
0x13f: {  	[tilespmem:$0x1798] =	vst v0  }
0x140: {  	[tilespmem:$0x1788] =	vst v0  }
0x141: {  	[tilespmem:$0x1778] =	vst v0  }
0x142: {  	[tilespmem:$0x1768] =	vst v0  }
0x143: {  	[tilespmem:$0x1758] =	vst v0  }
0x144: {  	[tilespmem:$0x1748] =	vst v0  }
0x145: {  	[tilespmem:$0x1738] =	vst v0  }
0x146: {  	[tilespmem:$0x1728] =	vst v0  }
0x147: {  	[tilespmem:$0x1718] =	vst v0  }
0x148: {  	[tilespmem:$0x1708] =	vst v0  }
0x149: {  	[tilespmem:$0x16F8] =	vst v0  }
0x14a: {  	[tilespmem:$0x16E8] =	vst v0  }
0x14b: {  	[tilespmem:$0x16D8] =	vst v0  }
0x14c: {  	[tilespmem:$0x16C8] =	vst v0  }
0x14d: {  	[tilespmem:$0x16B8] =	vst v0  }
0x14e: {  	[tilespmem:$0x16A8] =	vst v0  }
0x14f: {  	[tilespmem:$0x1698] =	vst v0  }
0x150: {  	[tilespmem:$0x1688] =	vst v0  }
0x151: {  	[tilespmem:$0x1678] =	vst v0  }
0x152: {  	[tilespmem:$0x1668] =	vst v0  }
0x153: {  	[tilespmem:$0x1658] =	vst v0  }
0x154: {  	[tilespmem:$0x1648] =	vst v0  }
0x155: {  	[tilespmem:$0x1638] =	vst v0  }
0x156: {  	[tilespmem:$0x1628] =	vst v0  }
0x157: {  	[tilespmem:$0x1618] =	vst v0  }
0x158: {  	[tilespmem:$0x1608] =	vst v0  }
0x159: {  	[tilespmem:$0x15F8] =	vst v0  }
0x15a: {  	[tilespmem:$0x15E8] =	vst v0  }
0x15b: {  	[tilespmem:$0x15D8] =	vst v0  }
0x15c: {  	[tilespmem:$0x15C8] =	vst v0  }
0x15d: {  	[tilespmem:$0x15B8] =	vst v0  }
0x15e: {  	[tilespmem:$0x15A8] =	vst v0  }
0x15f: {  	[tilespmem:$0x1598] =	vst v0  }
0x160: {  	[tilespmem:$0x1588] =	vst v0  }
0x161: {  	[tilespmem:$0x1578] =	vst v0  }
0x162: {  	[tilespmem:$0x1568] =	vst v0  }
0x163: {  	[tilespmem:$0x1558] =	vst v0  }
0x164: {  	[tilespmem:$0x1548] =	vst v0  }
0x165: {  	[tilespmem:$0x1538] =	vst v0  }
0x166: {  	[tilespmem:$0x1528] =	vst v0  }
0x167: {  	[tilespmem:$0x1518] =	vst v0  }
0x168: {  	[tilespmem:$0x1508] =	vst v0  }
0x169: {  	[tilespmem:$0x14F8] =	vst v0  }
0x16a: {  	[tilespmem:$0x14E8] =	vst v0  }
0x16b: {  	[tilespmem:$0x14D8] =	vst v0  }
0x16c: {  	[tilespmem:$0x14C8] =	vst v0  }
0x16d: {  	[tilespmem:$0x14B8] =	vst v0  }
0x16e: {  	[tilespmem:$0x14A8] =	vst v0  }
0x16f: {  	[tilespmem:$0x1498] =	vst v0  }
0x170: {  	[tilespmem:$0x1488] =	vst v0  }
0x171: {  	[tilespmem:$0x1478] =	vst v0  }
0x172: {  	[tilespmem:$0x1468] =	vst v0  }
0x173: {  	[tilespmem:$0x1458] =	vst v0  }
0x174: {  	[tilespmem:$0x1448] =	vst v0  }
0x175: {  	[tilespmem:$0x1438] =	vst v0  }
0x176: {  	[tilespmem:$0x1428] =	vst v0  }
0x177: {  	[tilespmem:$0x1418] =	vst v0  }
0x178: {  	[tilespmem:$0x1408] =	vst v0  }
0x179: {  	[tilespmem:$0x13F8] =	vst v0  }
0x17a: {  	[tilespmem:$0x13E8] =	vst v0  }
0x17b: {  	[tilespmem:$0x13D8] =	vst v0  }
0x17c: {  	[tilespmem:$0x13C8] =	vst v0  }
0x17d: {  	[tilespmem:$0x13B8] =	vst v0  }
0x17e: {  	[tilespmem:$0x13A8] =	vst v0  }
0x17f: {  	[tilespmem:$0x1398] =	vst v0  }
0x180: {  	[tilespmem:$0x1388] =	vst v0  }
0x181: {  	[tilespmem:$0x1378] =	vst v0  }
0x182: {  	[tilespmem:$0x1368] =	vst v0  }
0x183: {  	[tilespmem:$0x1358] =	vst v0  }
0x184: {  	[tilespmem:$0x1348] =	vst v0  }
0x185: {  	[tilespmem:$0x1338] =	vst v0  }
0x186: {  	[tilespmem:$0x1328] =	vst v0  }
0x187: {  	[tilespmem:$0x1318] =	vst v0  }
0x188: {  	[tilespmem:$0x1308] =	vst v0  }
0x189: {  	[tilespmem:$0x12F8] =	vst v0  }
0x18a: {  	[tilespmem:$0x12E8] =	vst v0  }
0x18b: {  	[tilespmem:$0x12D8] =	vst v0  }
0x18c: {  	[tilespmem:$0x12C8] =	vst v0  }
0x18d: {  	[tilespmem:$0x12B8] =	vst v0  }
0x18e: {  	[tilespmem:$0x12A8] =	vst v0  }
0x18f: {  	[tilespmem:$0x1298] =	vst v0  }
0x190: {  	[tilespmem:$0x1288] =	vst v0  }
0x191: {  	[tilespmem:$0x1278] =	vst v0  }
0x192: {  	[tilespmem:$0x1268] =	vst v0  }
0x193: {  	[tilespmem:$0x1258] =	vst v0  }
0x194: {  	[tilespmem:$0x1248] =	vst v0  }
0x195: {  	[tilespmem:$0x1238] =	vst v0  }
0x196: {  	[tilespmem:$0x1228] =	vst v0  }
0x197: {  	[tilespmem:$0x1218] =	vst v0  }
0x198: {  	[tilespmem:$0x1208] =	vst v0  }
0x199: {  	[tilespmem:$0x11F8] =	vst v0  }
0x19a: {  	[tilespmem:$0x11E8] =	vst v0  }
0x19b: {  	[tilespmem:$0x11D8] =	vst v0  }
0x19c: {  	[tilespmem:$0x11C8] =	vst v0  }
0x19d: {  	[tilespmem:$0x11B8] =	vst v0  }
0x19e: {  	[tilespmem:$0x11A8] =	vst v0  }
0x19f: {  	[tilespmem:$0x1198] =	vst v0  }
0x1a0: {  	[tilespmem:$0x1188] =	vst v0  }
0x1a1: {  	[tilespmem:$0x1178] =	vst v0  }
0x1a2: {  	[tilespmem:$0x1168] =	vst v0  }
0x1a3: {  	[tilespmem:$0x1158] =	vst v0  }
0x1a4: {  	[tilespmem:$0x1148] =	vst v0  }
0x1a5: {  	[tilespmem:$0x1138] =	vst v0  }
0x1a6: {  	[tilespmem:$0x1128] =	vst v0  }
0x1a7: {  	[tilespmem:$0x1118] =	vst v0  }
0x1a8: {  	s8 =	stileid.u32;
	[tilespmem:$0x1108] =	vst v0  }
0x1a9: {  	s0 =	smul.u32 $0x1D, s8;
	[tilespmem:$0x10F8] =	vst v0  }
0x1aa: {  	s2 =	smin.u32 s8, $0xB;
	[tilespmem:$0x10E8] =	vst v0  }
0x1ab: {  	[tilespmem:$0x10D8] =	vst v0;
	s0 =	sadd.s32 s2, s0  }
0x1ac: {  	p0 =	slt.u32 s8, $0xB;
	[tilespmem:$0x10A8] =	vst v0;
	s2 =	simm.s32 $0x32A0;
	s6 =	smul.u32 $0x1B0, s0  }
0x1ad: {  	s2 =	simm.s32 @!p0 $0x30F0;
	[tilespmem:$0x10B8] =	vst v0  }
0x1ae: {  	[tilespmem:$0x1098] =	vst v0;
	s0 =	sadd.s32 s2, s6  }
0x1af: {  	[tilespmem:$0x1028] =	vst v0;
	s7 =	smin.u32 s0, $0x32000  }
0x1b0: {  	s3 =	simm.s32 $0x2;
	s5 =	simm.s32 $0x9;
	[tilespmem:$0x1088] =	vst v0;
	s0 =	ssub.s32 s7, s6  }
0x1b1: {  	s28 =	simm.s32 $0xA;
	s29 =	simm.s32 $0xB;
	[tilespmem:$0x1078] =	vst v0;
	p0 =	sgt.s32 s0, $0x0  }
0x1b2: {  	s16 =	simm.s32 $0x0;
	p4 =	por $0x0, $0x0;
	[tilespmem:$0x1068] =	vst v0;
	s0 =	simm.s32 @!p0 $0x0  }
0x1b3: {  	s17 =	simm.s32 $0xC;
	s21 =	simm.s32 $0x0;
	[tilespmem:$0x1058] =	vst v0;
	s25 =	smulhi.u32 $0x4BDA12F7, s0  }
0x1b4: {  	s18 =	simm.s32 $0x0;
	s20 =	simm.s32 $0x0;
	s4 =	sand.u32 $0x1, s4;
	[tilespmem:$0x1048] =	vst v0  }
0x1b5: {  	s11 =	sadd.s32 $0xC5A800, s1;
	s30 =	smul.u32 $0x6400, s4;
	[tilespmem:$0x1038] =	vst v0;
	s2 =	sshrl.u32 s25, $0x7  }
0x1b6: {  	s31 =	sshll.u32 s8, $0x5;
	[tilespmem:$0x1018] =	vst v0;
	[sflag:s3] =	ssyncpa.u1 $0x0;
	v0 =	vimm.s32 $0xFFFFFFFF;
	s26 =	smul.u32 $0x1B0, s2  }
.Ltmp0:
0x1b7: {  	[dreg:$0x7] =	wrdreg s4;
	[tilespmem:$0x3648] =	vst v0;
	[sflag:s5] =	ssyncpa.u1 $0x0;
	(pc) =	sbr.rel .LBB2_1-.Ltmp0, $4  }
0x1b8: {  	[dreg:$0x6] =	wrdreg s31;
	[sflag:s28] =	ssyncpa.u1 $0x0;
	p0 =	sne.s32 s0, s26  }
0x1b9: {  	s4 =	sadd.s32 s30, s13;
	s15 =	sadd.s32 s30, s14;
	s12 =	simm.s32 @!p0 $0x0  }
0x1ba: {  	[sflag:s29] =	ssyncpa.u1 $0x0;
	s19 =	smov.u32 s6;
	s12 =	sadd.s32 s12, s2  }
0x1bb: {  	v0 =	vlaneseq.u32;
	[dreg:$0x8] =	wrdreg s6;
	p0 =	por $0x1, $0x1;
	s8 =	sadd.s32 $0x1, s12  }
.LBB2_18:
0x1bc: {  	s0 =	simm.s32 $0x2  }
0x1bd: {  	_ =	swait.ge [sflag:s0], $0x0  }
0x1be: {  	[sflag:s0] =	ssyncset.done $0x0;
	s0 =	simm.s32 $0x0  }
.LBB2_19:
0x1bf: {  	_ =	swait.ge [sflag:s17], s0  }
0x1c0: {  	s31 =	ssub.s32 $0x0, s0;
	v1 =	vmov s23;
	vm0 =	veq.s32 v0, $0x0;
	[sflag:s17] =	ssyncset.done $0x0  }
0x1c1: {  	vm15 =	veq.s32 v0, $0x2;
	v1 =	vsel vm0, s28, v1;
	[sflag:s17] =	ssyncadd.s32 s31  }
0x1c2: {  	v1 =	vsel vm15, s21, v1;
	[sflag:s17] =	ssyncpa.u1 $0x1  }
0x1c3: {  	[tilespmem:$0x3648] =	vst v1  }
.LBB2_20:
0x1c4: {  	s0 =	sadd.s32 $0x1B0, s19  }
0x1c5: {  	s2 =	smov.u32 s6;
	p1 =	slt.s32 s0, s7  }
0x1c6: {  	s2 =	smov.u32 @p1 s0;
	p1 =	sne.s32 s20, s8  }
.Ltmp1:
0x1c7: {  	_ = 	snop;
	(pc) =	sbr.rel @!p1 .LBB2_21-.Ltmp1, $4  }
0x1c8: {  	_ = 	snop  }
0x1c9: {  	s21 =	smov.u32 s18  }
0x1ca: {  	s31 =	sadd.s32 $0x1, s20;
	s18 =	smov.u32 s19;
	p0 =	por !p0, !p0  }
0x1cb: {  	p4 =	por !p4, !p4;
	s20 =	smov.u32 s31;
	s19 =	smov.u32 s2  }
.LBB2_1:
0x1cc: {  	p2 =	sge.u32 s20, s12  }
0x1cd: {  	s0 =	smulhi.u32 @!p2 $0xAAAAAAAB, s20  }
0x1ce: {  	s2 =	smov.u32 s19;
	p3 =	sgt.s32 @!p2 s19, $0x31E50  }
0x1cf: {  	s3 =	sshra.s32 @!p2 s19, $0x1F;
	p3 =	por !p3, p2;
	s0 =	sshrl.u32 @!p2 s0, $0x1  }
0x1d0: {  	s3 =	sand.u32 @!p2 s3, s19;
	s2 =	simm.s32 @p3 $0x31E50;
	s0 =	smul.u32 @!p2 $0x3, s0  }
0x1d1: {  	s2 =	ssub.s32 @!p2 s2, s3  }
0x1d2: {  	s23 =	sadd.s32 $0xFFFFFFFF, s20;
	s2 =	sadd.s32 @!p2 $0xFFFCE1B0, s2;
	s0 =	ssub.s32 @!p2 s20, s0  }
0x1d3: {  	s3 =	sshll.u32 @!p2 s2, $0x2;
	p3 =	sgt.s32 @!p2 s2, $0x1AF;
	s0 =	smul.u32 @!p2 $0x6C0, s0  }
0x1d4: {  	s5 =	sand.u32 @!p2 $0x7, s19;
	s2 =	ssub.s32 @!p2 $0x6C0, s3;
	p3 =	por !p3, p2  }
0x1d5: {  	s3 =	sshrl.u32 @!p2 s19, $0x3;
	s2 =	sshrl.u32 @!p2 s2, $0x2;
	s0 =	sshrl.u32 @!p2 s0, $0x2  }
0x1d6: {  	s3 =	sadd.s32 @!p2 s3, s4;
	s2 =	simm.s32 @!p3 $0x0;
	s0 =	sadd.s32 @!p2 $0x3888, s0  }
0x1d7: {  	[tilespmem:s0], [sflag:$0xA] =	stream.linear.gather @!p2 [hbm4b:s3+s5], s2, $0x38;
	[tilespmem:$0x1F0F8] =	vst v63  }
0x1d8: {  	p2 =	sge.u32 s23, s12  }
0x1d9: {  	p3 =	sgt.s32 @!p2 s18, $0x31E50  }
0x1da: {  	s0 =	smov.u32 s18;
	s2 =	sshra.s32 @!p2 s18, $0x1F;
	p3 =	por !p3, p2  }
0x1db: {  	s2 =	sand.u32 @!p2 s2, s18;
	s0 =	simm.s32 @p3 $0x31E50  }
0x1dc: {  	s0 =	ssub.s32 @!p2 s0, s2  }
0x1dd: {  	s0 =	sadd.s32 @!p2 $0xFFFCE1B0, s0  }
0x1de: {  	s2 =	sshll.u32 @!p2 s0, $0x2  }
0x1df: {  	p3 =	sgt.s32 @!p2 s0, $0x1AF;
	s0 =	ssub.s32 @!p2 $0x6C0, s2  }
0x1e0: {  	s22 =	ssub.s32 @!p2 $0x32000, s18;
	p3 =	por !p3, p2;
	s0 =	sshrl.u32 @!p2 s0, $0x2  }
0x1e1: {  	s2 =	sand.u32 @!p2 $0x1, s23;
	s0 =	simm.s32 @!p3 $0x0;
	p3 =	slt.s32 @!p2 s22, $0x1  }
0x1e2: {  	s3 =	simm.s32 @!p2 $0xA;
	s2 =	smul.u32 @!p2 $0x6C0, s2;
	p3 =	por p2, p3  }
.Ltmp2:
0x1e3: {  	_ =	swait.ge @!p2 [sflag:s3], s0;
	(pc) =	sbr.rel @p3 .LBB2_7-.Ltmp2, $4  }
0x1e4: {  	s5 =	ssub.s32 @!p2 $0x0, s0;
	[sflag:s3] =	ssyncset.done @!p2 $0x0  }
0x1e5: {  	s2 =	sshrl.u32 @!p2 s2, $0x2;
	[sflag:s3] =	ssyncadd.s32 @!p2 s5;
	s3 =	sshrl.u32 @!p2 s18, $0x3  }
0x1e6: {  	s2 =	sadd.s32 @!p2 $0x3D98, s2;
	s5 =	sand.u32 @!p2 $0x7, s18;
	s3 =	sadd.s32 @!p2 s3, s15  }
0x1e7: {  	[tilespmem:s2], [sflag:$0xB] =	stream.linear.gather @!p2 [hbm4b:s3+s5], s0, $0x38;
	[tilespmem:$0x1F0F8] =	vst v63  }
0x1e8: {  	s0 =	smulhi.u32 $0xAAAAAAAB, s23;
	_ =	sdelay $0x1  }
0x1e9: {  	s0 =	sshrl.u32 s0, $0x1  }
0x1ea: {  	s0 =	smul.u32 $0x3, s0;
	_ =	sdelay $0x1  }
0x1eb: {  	s0 =	ssub.s32 s23, s0  }
0x1ec: {  	s2 =	simm.s32 $0x1;
	s0 =	smul.u32 $0x6C0, s0  }
.Ltmp3:
0x1ed: {  	s2 =	simm.s32 @!p0 $0x0;
	(pc) =	sbr.rel .LBB2_4-.Ltmp3, $4  }
0x1ee: {  	s2 =	smul.u32 $0x36000, s2  }
0x1ef: {  	p3 =	slt.s32 @!p2 s22, $0x1B0;
	s0 =	sshrl.u32 s0, $0x2  }
0x1f0: {  	p2 =	por !p3, p2;
	s2 =	sshrl.u32 s2, $0x2;
	s0 =	sadd.s32 $0x3888, s0  }
0x1f1: {  	s24 =	simm.s32 $0x0;
	s22 =	simm.s32 @p2 $0x1B0;
	s23 =	sadd.s32 $0x40F8, s2;
	v1 =	vmov s0  }
.LBB2_3:
0x1f2: {  	p2 =	sge.s32 s24, s22  }
.Ltmp4:
0x1f3: {  	_ = 	snop;
	(pc) =	sbr.rel @p2 .LBB2_7-.Ltmp4, $2  }
0x1f4: {  	_ =	sdelay $0x2  }
0x1f5: {  	s23 =	sadd.s32 $0x800, s23  }
.LBB2_4:
0x1f6: {  	p2 =	sle.s32 s22, s24  }
.Ltmp5:
0x1f7: {  	_ = 	snop;
	(pc) =	sbr.rel @p2 .LBB2_3-.Ltmp5, $2  }
0x1f8: {  	_ =	sdelay $0x2  }
0x1f9: {  	s0 =	smov.u32 s24;
	s24 =	sadd.s32 $0x10, s24  }
0x1fa: {  	s2 =	ssub.s32 s22, s0  }
0x1fb: {  	p2 =	slt.s32 s2, $0x10  }
0x1fc: {  	s2 =	simm.s32 @!p2 $0x10  }
0x1fd: {  	v2 =	vmov s2  }
0x1fe: {  	vm0 =	vgt.s32 v2, v0;
	_ =	sdelay $0x5  }
0x1ff: {  	v2 =	vld.idx.msk [tilespmem:v1+s0+$0x0 ss:$0x1], vm0;
	_ =	sdelay $0x2  }
0x200: {  	p2 =	slt.s32 s24, s22;
	s2 =	smov.u32 s22  }
0x201: {  	s3 =	smov.u32 s23;
	s25 =	simm.s32 $0x0;
	s2 =	smov.u32 @p2 s24  }
.LBB2_6:
0x202: {  	(v2sf) =	vpush v2, s25;
	_ =	sdelay $0xc  }
0x203: {  	s25 =	sadd.s32 $0x1, s25  }
0x204: {  	s31 =	sadd.s32 s25, s0  }
0x205: {  	p2 =	slt.s32 s31, s2;
	s5 =	spop (v2sf)  }
.Ltmp6:
0x206: {  	s5 =	sshll.u32 s5, $0x4;
	(pc) =	sbr.rel @p2 .LBB2_6-.Ltmp6, $4  }
0x207: {  	s5 =	sand.u32 $0x1FFFFFF0, s5  }
0x208: {  	s5 =	sadd.s32 s11, s5  }
0x209: {  	[tilespmem:s3], [sflag:$0x9] =	stream.linear.gather [hbm4b:s5+s16], $0x4, $0x38;
	[tilespmem:$0x1F0F8] =	vst v63  }
0x20a: {  	s3 =	sadd.s32 $0x80, s3  }
.Ltmp7:
0x20b: {  	_ = 	snop;
	(pc) =	sbr.rel .LBB2_3-.Ltmp7, $1  }
0x20c: {  	_ =	sdelay $0x3  }
.LBB2_7:
0x20d: {  	p2 =	slt.u32 s20, $0x2  }
.Ltmp8:
0x20e: {  	_ = 	snop;
	(pc) =	sbr.rel @p2 .LBB2_20-.Ltmp8, $1  }
0x20f: {  	_ =	sdelay $0x3  }
0x210: {  	p2 =	sgt.s32 s21, $0x31E50  }
0x211: {  	s0 =	smov.u32 s21;
	s2 =	sshra.s32 s21, $0x1F;
	s3 =	ssub.s32 $0x32000, s21  }
0x212: {  	s0 =	simm.s32 @!p2 $0x31E50;
	s2 =	sand.u32 s2, s21;
	p2 =	slt.s32 s3, $0x1B0  }
0x213: {  	s0 =	ssub.s32 s0, s2;
	s3 =	simm.s32 @!p2 $0x1B0  }
0x214: {  	s0 =	sadd.s32 $0xFFFCE1B0, s0;
	s24 =	sshll.u32 s3, $0x2  }
0x215: {  	s28 =	simm.s32 $0x9;
	s25 =	sshll.u32 s0, $0x2;
	s2 =	sand.u32 $0x3FFFFFFC, s24  }
0x216: {  	p2 =	sgt.s32 s0, $0x1AF;
	s26 =	ssub.s32 $0x6C0, s25;
	_ =	swait.ge [sflag:s28], s2  }
0x217: {  	s2 =	ssub.s32 $0x0, s2;
	[sflag:s28] =	ssyncset.done $0x0;
	s0 =	sshrl.u32 s26, $0x2  }
0x218: {  	s30 =	simm.s32 $0xB;
	[sflag:s28] =	ssyncadd.s32 s2;
	s0 =	simm.s32 @p2 $0x0  }
0x219: {  	_ =	swait.ge [sflag:s30], s0  }
0x21a: {  	s0 =	ssub.s32 $0x0, s0;
	[sflag:s30] =	ssyncset.done $0x0  }
0x21b: {  	[sflag:s30] =	ssyncadd.s32 s0  }
0x21c: {  	v1 =	vld [tilespmem:$0x3648];
	_ =	sdelay $0x4  }
0x21d: {  	(v2sf) =	vpush v1, $0x0  }
0x21e: {  	(v2sf) =	vpush v1, $0x1  }
0x21f: {  	(v2sf) =	vpush v1, $0x2;
	_ =	sdelay $0x3  }
0x220: {  	s0 =	sadd.s32 $0x1B0, s21  }
0x221: {  	s2 =	ssub.s32 $0x64000, s21;
	p2 =	slt.s32 s7, s0  }
0x222: {  	s0 =	smov.u32 @p2 s7;
	p2 =	sgt.s32 s2, $0x0  }
0x223: {  	s25 =	ssub.s32 s0, s21;
	s2 =	simm.s32 @!p2 $0x0  }
0x224: {  	p2 =	slt.s32 s2, s25  }
0x225: {  	s25 =	smov.u32 @p2 s2  }
0x226: {  	s24 =	simm.s32 $0x1;
	p2 =	slt.s32 s25, $0x1  }
.Ltmp9:
0x227: {  	s24 =	simm.s32 @!p4 $0x0;
	(pc) =	sbr.rel @p2 .LBB2_12-.Ltmp9, $4  }
0x228: {  	s31 =	smul.u32 $0x6C0, s24  }
0x229: {  	s26 =	spop (v2sf)  }
0x22a: {  	s0 =	sshrl.u32 s31, $0x2;
	s29 =	spop (v2sf)  }
0x22b: {  	s22 =	sadd.s32 $0x3D98, s0;
	s21 =	spop (v2sf)  }
0x22c: {  	s0 =	smin.u32 s25, $0x10  }
0x22d: {  	v1 =	vmov s0  }
0x22e: {  	p3 =	sgt.s32 s25, $0x10;
	vm1 =	vgt.u32 v1, v0  }
.Ltmp10:
0x22f: {  	_ = 	snop;
	(pc) =	sbr.rel @!p3 .LBB2_11-.Ltmp10, $2  }
0x230: {  	_ =	sdelay $0x2  }
0x231: {  	s23 =	simm.s32 $0x10;
	s28 =	sadd.s32 $0xFFFFFFF0, s25;
	s0 =	smov.u32 s22;
	vm0 =	vmmov vm1  }
.LBB2_10:
0x232: {  	s2 =	smin.u32 s28, $0x10;
	s23 =	sadd.s32 $0x10, s23;
	v1 =	vld.msk [tilespmem:s0+$0x0 ss:$0x1], vm1  }
0x233: {  	v2 =	vmov s2;
	p3 =	slt.s32 s23, s25  }
0x234: {  	vm1 =	vgt.u32 v2, v0  }
.Ltmp11:
0x235: {  	(pc) =	sbr.rel @p3 .LBB2_10-.Ltmp11, $3  }
0x236: {  	_ =	sdelay $0x1  }
0x237: {  	v1 =	vshll.u32 v1, $0x4  }
0x238: {  	s28 =	sadd.s32 $0xFFFFFFF0, s28;
	[tilespmem:s0+$0x0] =	vst.msk vm0, v1;
	s0 =	sadd.s32 $0x10, s0;
	vm0 =	vmmov vm1  }
.LBB2_11:
0x239: {  	_ =	sdelay $0x4  }
0x23a: {  	v1 =	vld.msk [tilespmem:s0+$0x0 ss:$0x1], vm1;
	_ =	sdelay $0x4  }
0x23b: {  	v1 =	vshll.u32 v1, $0x4  }
0x23c: {  	[tilespmem:s0+$0x0] =	vst.msk vm0, v1  }
.LBB2_12:
0x23d: {  	s0 =	sand.u32 $0x1, s20  }
0x23e: {  	s0 =	smul.u32 $0x1B0, s0  }
0x23f: {  	p3 =	sne.s32 s29, $0xFFFFFFFF  }
0x240: {  	v1 =	vld.msk @!p3 [tilespmem:s0+$0x3D98], $0x1;
	_ =	sdelay $0x4  }
0x241: {  	(v2sf) =	vpush @!p3 v1, $0x0;
	_ =	sdelay $0xc  }
.Ltmp12:
0x242: {  	_ = 	snop;
	(pc) =	sbr.rel @p2 .LBB2_18-.Ltmp12, $4  }
0x243: {  	_ = 	snop  }
0x244: {  	s28 =	spop @!p3 (v2sf)  }
0x245: {  	s21 =	simm.s32 @!p3 $0x0;
	s23 =	smov.u32 s28  }
0x246: {  	[sflag:s17] =	ssyncpa.u1 $0x0;
	s28 =	smov.u32 @p3 s26;
	s23 =	smov.u32 @p3 s29  }
0x247: {  	v1 =	vld.msk [tilespmem:s22+$0x0], $0x1;
	_ =	sdelay $0x4  }
0x248: {  	(v2sf) =	vpush v1, $0x0;
	_ =	sdelay $0xe  }
0x249: {  	s0 =	simm.s32 @!p4 $0x0;
	s26 =	smul.u32 $0x36000, s24;
	s31 =	spop (v2sf)  }
0x24a: {  	s29 =	ssub.s32 $0x0, s25;
	s0 =	simm.s32 @p4 $0x1;
	p2 =	seq.s32 s28, s31  }
0x24b: {  	s2 =	smov.u32 s28;
	[smem:$0x7FD] =	sst s0;
	p3 =	sgt.s32 @!p2 s28, $0x0  }
0x24c: {  	s0 =	sshrl.u32 s26, $0x2;
	s26 =	sadd.s32 $0x1, s29;
	p3 =	por !p3, p2  }
0x24d: {  	s2 =	simm.s32 @p3 $0x0;
	p3 =	seq.s32 s26, $0x0  }
.Ltmp13:
0x24e: {  	_ = 	snop;
	(pc) =	sbr.rel @p3 .LBB2_15-.Ltmp13, $4  }
0x24f: {  	s6 =	smov.u32 s8;
	s14 =	smov.u32 s4;
	s25 =	simm.s32 $0x0  }
0x250: {  	s24 =	sadd.s32 $0x40F8, s0;
	s0 =	simm.s32 @!p2 $0x1;
	s3 =	smin.u32 @!p2 s2, $0x407FFF  }
0x251: {  	s30 =	sadd.s32 $0x1, s22;
	s0 =	smov.u32 @p2 s25;
	s5 =	sand.u32 @!p2 $0x7FFFF8, s3  }
0x252: {  	s2 =	simm.s32 @!p2 $0x1B38;
	s3 =	sand.u32 @!p2 $0x7, s3;
	s5 =	sadd.s32 @!p2 s1, s5  }
.LBB2_14:
0x253: {  	s4 =	smov.u32 s0  }
0x254: {  	[tilespmem:s2], [sflag:$0x2] =	stream.linear.gather @!p2 [hbm4b:s5+s3], $0x4, $0x38;
	[tilespmem:$0x1F0F8] =	vst v63  }
0x255: {  	s26 =	sadd.s32 $0x1, s26;
	s3 =	smov.u32 s31;
	v1 =	vld.msk [tilespmem:s30+$0x0], $0x1  }
0x256: {  	p3 =	seq.s32 s26, $0x0;
	_ =	sdelay $0x3  }
0x257: {  	(v2sf) =	vpush v1, $0x0;
	_ =	sdelay $0xe  }
0x258: {  	s31 =	spop (v2sf)  }
0x259: {  	p2 =	seq.s32 s3, s31  }
0x25a: {  	p4 =	sgt.s32 @!p2 s3, $0x0;
	s2 =	sshll.u32 @!p2 s0, $0x6;
	s0 =	sadd.s32 @!p2 $0x1, s0  }
.Ltmp14:
0x25b: {  	p4 =	por !p4, p2;
	s2 =	sshra.s32 @!p2 s2, $0x2;
	(pc) =	sbr.rel @!p3 .LBB2_14-.Ltmp14, $4  }
0x25c: {  	s0 =	smov.u32 @p2 s4;
	s3 =	simm.s32 @p4 $0x0;
	s2 =	sadd.s32 @!p2 $0x1B38, s2  }
0x25d: {  	s3 =	smin.u32 @!p2 s3, $0x407FFF  }
0x25e: {  	s4 =	sand.u32 @!p2 $0x7FFFF8, s3;
	s3 =	sand.u32 @!p2 $0x7, s3  }
0x25f: {  	s30 =	sadd.s32 $0x1, s30;
	s5 =	sadd.s32 @!p2 s1, s4  }
.LBB2_15:
0x260: {  	[tilespmem:s2], [sflag:$0x2] =	stream.linear.gather @!p2 [hbm4b:s5+s3], $0x4, $0x38;
	[tilespmem:$0x1F0F8] =	vst v63  }
0x261: {  	s0 =	sshll.u32 s0, $0x2  }
0x262: {  	s31 =	simm.s32 $0x2;
	s0 =	sand.u32 $0x3FFFFFFC, s0  }
0x263: {  	_ =	swait.ge [sflag:s31], s0  }
0x264: {  	s0 =	ssub.s32 $0x0, s0;
	[sflag:s31] =	ssyncset.done $0x0  }
0x265: {  	[sflag:s31] =	ssyncadd.s32 s0  }
0x266: {  	v1 =	vld.msk [tilespmem:s22+$0x0], $0x1;
	_ =	sdelay $0x4  }
0x267: {  	(v2sf) =	vpush v1, $0x0;
	_ =	sdelay $0xe  }
0x268: {  	s26 =	spop (v2sf)  }
0x269: {  	p2 =	sne.s32 s28, s26  }
0x26a: {  	p4 =	sne.s32 @p2 s28, s23  }
0x26b: {  	p3 =	por !p4, !p2  }
0x26c: {  	s0 =	simm.s32 @!p3 $0x0  }
0x26d: {  	v1 =	vld.msk @!p3 [tilespmem:s0+$0x1B38], $0xf  }
0x26e: {  	p5 =	sgt.u32 @!p3 s28, $0x407FFF  }
0x26f: {  	s2 =	sshll.u32 @!p3 s21, $0x6;
	p6 =	por @p2 p5, !p4  }
0x270: {  	s2 =	sshra.s32 @!p3 s2, $0x2;
	p1 =	por p6, !p2;
	p6 =	por p4, !p2  }
0x271: {  	s3 =	sadd.s32 @!p3 $0x28, s2;
	s4 =	sand.u32 @!p1 $0x7FFFF8, s28;
	s5 =	sshll.u32 @!p6 s21, $0x6  }
0x272: {  	s28 =	sand.u32 @!p1 $0x7, s28;
	[tilespmem:s2+$0x28] =	vst.add.f32.msk @!p3 $0xf, v1;
	s2 =	sadd.s32 @!p1 s1, s4;
	s4 =	sshra.s32 @!p6 s5, $0x2  }
0x273: {  	[hbm4b:s2+s28] =	stream.linear.scatter @!p1 [tilespmem:s3], [sflag:$0xC], $0x4, $0x38;
	[tilespmem:$0x1F0F8] =	vst v63  }
0x274: {  	s0 =	rddreg [dreg:$0x6];
	s2 =	sadd.s32 @!p6 $0x28, s4;
	s3 =	simm.s32 @!p6 $0x1  }
0x275: {  	[spmem:s0] =	stream.linear.scatter @!p6 [tilespmem:s2], [sflag:$0x1], $0x4, $0x38;
	[tilespmem:$0x1F0F8] =	vst v63  }
0x276: {  	s0 =	sadd.s32 @p2 $0x1, s21;
	_ =	swait.ge @!p6 [sflag:s3], $0x4  }
0x277: {  	s2 =	sshrl.u32 @p2 s0, $0x4;
	[sflag:s3] =	ssyncset.done @!p6 $0x0  }
0x278: {  	s2 =	smulhi.u32 @p2 $0x97B425F, s2;
	[sflag:s3] =	ssyncadd.s32 @!p6 $0xFFFFFFFC  }
0x279: {  	s28 =	sadd.s32 $0x1, s29;
	v1 =	vld.msk @p2 [tilespmem:s24+$0x0], $0xf  }
0x27a: {  	p1 =	por @p2 !p5, !p4;
	p4 =	seq.s32 s28, $0x0;
	s2 =	smul.u32 @p2 $0x1B0, s2  }
.Ltmp15:
0x27b: {  	p1 =	por !p1, !p2;
	s3 =	simm.s32 @!p3 $0x0;
	(pc) =	sbr.rel @p4 .LBB2_17-.Ltmp15, $4  }
0x27c: {  	s4 =	sshll.u32 @!p2 s21, $0x6;
	s3 =	simm.s32 @!p1 $0x10;
	s0 =	ssub.s32 @p2 s0, s2  }
0x27d: {  	s29 =	simm.s32 $0x0;
	s3 =	sadd.s32 @!p3 $0x0, s3;
	s5 =	sshll.u32 @p2 s0, $0x4  }
0x27e: {  	s30 =	sshra.s32 @!p2 s4, $0x2;
	s2 =	simm.s32 @p2 $0x1;
	s3 =	smov.u32 @p3 s25;
	[tilespmem:s5+$0x28] =	vst.msk @p2 $0xf, v1  }
0x27f: {  	s21 =	smov.u32 @p2 s0;
	s29 =	smov.u32 @p2 s3;
	s25 =	smov.u32 @p2 s2;
	v1 =	vld.msk @!p2 [tilespmem:s24+$0x0], $0xf  }
.LBB2_16:
0x280: {  	_ =	sdelay $0x3  }
0x281: {  	s22 =	sadd.s32 $0x1, s22;
	[tilespmem:s30+$0x28] =	vst.add.f32.msk @!p2 $0xf, v1  }
0x282: {  	v1 =	vld.msk [tilespmem:s22+$0x0], $0x1;
	_ =	sdelay $0x4  }
0x283: {  	(v2sf) =	vpush v1, $0x0;
	_ =	sdelay $0xe  }
0x284: {  	s0 =	smov.u32 s26;
	s26 =	spop (v2sf)  }
0x285: {  	p2 =	sne.s32 s0, s26  }
0x286: {  	p5 =	sne.s32 @p2 s0, s23  }
0x287: {  	s4 =	sshll.u32 @!p2 s21, $0x6;
	p4 =	por !p5, !p2  }
0x288: {  	s30 =	sshra.s32 @!p2 s4, $0x2;
	s4 =	sshll.u32 @!p4 s25, $0x6  }
0x289: {  	s4 =	sshra.s32 @!p4 s4, $0x2  }
0x28a: {  	p1 =	sgt.u32 @!p4 s0, $0x407FFF;
	v1 =	vld.msk @!p4 [tilespmem:s4+$0x1B38], $0xf  }
0x28b: {  	s31 =	sshll.u32 @!p4 s21, $0x6;
	p6 =	por @p2 p1, !p5;
	p1 =	por @p2 !p1, !p5  }
0x28c: {  	s8 =	simm.s32 @!p4 $0x0;
	s31 =	sshra.s32 @!p4 s31, $0x2;
	p1 =	por !p1, !p2  }
0x28d: {  	p5 =	por p5, !p2;
	s8 =	simm.s32 @!p1 $0x10;
	p1 =	por p6, !p2  }
0x28e: {  	s4 =	sadd.s32 @!p4 $0x28, s31;
	s13 =	sshll.u32 @!p5 s21, $0x6;
	s10 =	sand.u32 @!p1 $0x7FFFF8, s0  }
0x28f: {  	s13 =	sshra.s32 @!p5 s13, $0x2;
	s0 =	sand.u32 @!p1 $0x7, s0;
	s10 =	sadd.s32 @!p1 s1, s10;
	[tilespmem:s31+$0x28] =	vst.add.f32.msk @!p4 $0xf, v1  }
0x290: {  	[hbm4b:s10+s0] =	stream.linear.scatter @!p1 [tilespmem:s4], [sflag:$0xC], $0x4, $0x38;
	[tilespmem:$0x1F0F8] =	vst v63  }
0x291: {  	s2 =	rddreg [dreg:$0x6];
	s0 =	sadd.s32 @!p5 $0x28, s13;
	s4 =	simm.s32 @!p5 $0x1  }
0x292: {  	[spmem:s2] =	stream.linear.scatter @!p5 [tilespmem:s0], [sflag:$0x1], $0x4, $0x38;
	[tilespmem:$0x1F0F8] =	vst v63  }
0x293: {  	s3 =	sadd.s32 @p2 $0x1, s21;
	_ =	swait.ge @!p5 [sflag:s4], $0x4  }
0x294: {  	s5 =	sshrl.u32 @p2 s3, $0x4;
	[sflag:s4] =	ssyncset.done @!p5 $0x0  }
0x295: {  	s24 =	sadd.s32 $0x80, s24;
	s5 =	smulhi.u32 @p2 $0x97B425F, s5;
	[sflag:s4] =	ssyncadd.s32 @!p5 $0xFFFFFFFC  }
0x296: {  	s28 =	sadd.s32 $0x1, s28;
	v1 =	vld.msk @p2 [tilespmem:s24+$0x0], $0xf  }
0x297: {  	p3 =	seq.s32 s28, $0x0;
	s5 =	smul.u32 @p2 $0x1B0, s5  }
.Ltmp16:
0x298: {  	_ = 	snop;
	(pc) =	sbr.rel @!p3 .LBB2_16-.Ltmp16, $4  }
0x299: {  	s3 =	ssub.s32 @p2 s3, s5  }
0x29a: {  	s8 =	sadd.s32 @!p4 s8, s29;
	s5 =	sshll.u32 @p2 s3, $0x4  }
0x29b: {  	s9 =	sadd.s32 @p2 $0x1, s25;
	s8 =	smov.u32 @p4 s29;
	[tilespmem:s5+$0x28] =	vst.msk @p2 $0xf, v1  }
0x29c: {  	s25 =	smov.u32 @p2 s9;
	s21 =	smov.u32 @p2 s3;
	s29 =	smov.u32 @p2 s8;
	v1 =	vld.msk @!p2 [tilespmem:s24+$0x0], $0xf  }
.LBB2_17:
.Ltmp17:
0x29d: {  	_ = 	snop;
	(pc) =	sbr.rel .LBB2_19-.Ltmp17, $3  }
0x29e: {  	s2 =	sld [smem:$0x7FD];
	_ =	sdelay $0x1  }
0x29f: {  	s0 =	sshrl.u32 s29, $0x2;
	s28 =	smov.u32 s26;
	s4 =	smov.u32 s14  }
0x2a0: {  	s8 =	smov.u32 s6;
	s6 =	rddreg [dreg:$0x8];
	p4 =	seq.s32 s2, $0x1;
	[tilespmem:s30+$0x28] =	vst.add.f32.msk @!p2 $0xf, v1  }
.LBB2_21:
0x2a1: {  	_ =	sfence.sel $0x180000  }
0x2a2: {  	s0 =	simm.s32 $0x9;
	[bflag:$0x0] =	sbarrier.arrive $0xFFFF  }
0x2a3: {  	s24 =	simm.s32 $0xA;
	[sflag:s0] =	ssyncpa.u1 $0x1  }
0x2a4: {  	s25 =	simm.s32 $0xB;
	[sflag:s24] =	ssyncpa.u1 $0x1  }
0x2a5: {  	s26 =	simm.s32 $0x2;
	[sflag:s25] =	ssyncpa.u1 $0x1  }
0x2a6: {  	[sflag:s26] =	ssyncpa.u1 $0x1  }
0x2a7: {  	v0 =	vld [tilespmem:$0x3648];
	_ =	sdelay $0x4  }
0x2a8: {  	(v2sf) =	vpush v0, $0x0  }
0x2a9: {  	(v2sf) =	vpush v0, $0x1;
	_ =	sdelay $0x1  }
0x2aa: {  	(v2sf) =	vpush v0, $0x2;
	_ =	sdelay $0xb  }
0x2ab: {  	s0 =	spop (v2sf)  }
0x2ac: {  	s2 =	spop (v2sf)  }
0x2ad: {  	s3 =	smov.u32 s0;
	p0 =	sne.s32 s0, s2  }
0x2ae: {  	s4 =	spop (v2sf);
	s3 =	simm.s32 @!p0 $0xFFFFFFFF  }
0x2af: {  	v2 =	vimm.s32 $0x1;
	v3 =	vlaneseq.u32;
	p0 =	seq.s32 s4, $0xFFFFFFFF;
	v1 =	vmov s3  }
0x2b0: {  	s16 =	stileid.u32;
	v0 =	vperm.xlane v0, v2;
	p1 =	sne.s32 @!p0 s0, s2;
	v1 =	vperm.xlane v1, v3  }
0x2b1: {  	vm0 =	vcmask $0x3F04;
	s6 =	simm.s32 $0x3648;
	s0 =	simm.s32 @!p0 $0x1;
	p1 =	por !p1, p0  }
0x2b2: {  	s3 =	sshll.u32 s16, $0x1;
	s2 =	sshll.u32 @!p0 s4, $0x6;
	s0 =	simm.s32 @p1 $0x0;
	v0 =	vsel vm0, v1, v0  }
0x2b3: {  	s5 =	sor.u32 $0x200, s3;
	s2 =	sshra.s32 @!p0 s2, $0x2;
	s0 =	sor.u32 @!p0 s0, s3;
	[tilespmem:$0x3648] =	vst v0  }
0x2b4: {  	[spmem:s5] =	stream.linear.scatter [tilespmem:s6], [sflag:$0x1], $0x2, $0x38;
	[tilespmem:$0x1F0F8] =	vst v63  }
0x2b5: {  	s2 =	sadd.s32 @!p0 $0x28, s2;
	s0 =	sshll.u32 @!p0 s0, $0x4  }
0x2b6: {  	[spmem:s0] =	stream.linear.scatter @!p0 [tilespmem:s2], [sflag:$0x1], $0x10, $0x38;
	[tilespmem:$0x1F0F8] =	vst v63  }
0x2b7: {  	s0 =	simm.s32 @!p0 $0x12  }
0x2b8: {  	s28 =	simm.s32 $0x1;
	s0 =	simm.s32 @p0 $0x2  }
0x2b9: {  	_ =	swait.ge [sflag:s28], s0  }
0x2ba: {  	s0 =	ssub.s32 $0x0, s0;
	[sflag:s28] =	ssyncset.done $0x0  }
0x2bb: {  	p0 =	sne.s32 s16, $0x0;
	[sflag:s28] =	ssyncadd.s32 s0  }
.Ltmp18:
0x2bc: {  	_ =	sfence.stream.spmem;
	(pc) =	sbr.rel @p0 .LBB2_38-.Ltmp18, $4  }
0x2bd: {  	s29 =	simm.s32 $0x3;
	[bflag:$0x0] =	sbarrier.arrive $0xFFFF  }
0x2be: {  	s30 =	simm.s32 $0x4;
	[sflag:s29] =	ssyncpa.u1 $0x1  }
0x2bf: {  	s31 =	simm.s32 $0x3C;
	[sflag:s30] =	ssyncpa.u1 $0x1  }
0x2c0: {  	s17 =	rddreg [dreg:$0x7];
	[sflag:s31] =	ssyncpa.u1 $0x1  }
0x2c1: {  	_ =	sfence.stream.spmem;
	s0 =	simm.s32 $0x5  }
0x2c2: {  	s2 =	simm.s32 $0x200;
	s3 =	simm.s32 $0x3658;
	[sflag:s0] =	ssyncpa.u1 $0x0  }
0x2c3: {  	[tilespmem:s3], [sflag:$0x5] =	stream.linear.gather [spmem:s2], $0x20, $0x38;
	[tilespmem:$0x1F0F8] =	vst v63  }
0x2c4: {  	s26 =	simm.s32 $0x0;
	s28 =	simm.s32 $0x3678  }
0x2c5: {  	[tilespmem:s28], [sflag:$0x5] =	stream.linear.gather [spmem:s26], $0x200, $0x38;
	[tilespmem:$0x1F0F8] =	vst v63  }
0x2c6: {  	_ =	swait.ge [sflag:s0], $0x220  }
0x2c7: {  	[sflag:s0] =	ssyncset.done $0x0  }
0x2c8: {  	s29 =	simm.s32 $0x0;
	[sflag:s0] =	ssyncadd.s32 $0xFFFFFDE0  }
0x2c9: {  	v0 =	vld.msk [tilespmem:s29+$0x3658], $0x1;
	_ =	sdelay $0x1  }
0x2ca: {  	s30 =	simm.s32 $0x1  }
0x2cb: {  	v1 =	vld.msk [tilespmem:s30+$0x3658], $0x1;
	_ =	sdelay $0x1  }
0x2cc: {  	(v2sf) =	vpush v0, $0x0;
	_ =	sdelay $0x2  }
0x2cd: {  	(v2sf) =	vpush v1, $0x0;
	_ =	sdelay $0x2  }
0x2ce: {  	s31 =	simm.s32 $0x2  }
0x2cf: {  	v0 =	vld.msk [tilespmem:s31+$0x3658], $0x1;
	_ =	sdelay $0x2  }
0x2d0: {  	s6 =	simm.s32 $0xFFFFFFFF;
	s2 =	simm.s32 $0xFFFFFFFF;
	s0 =	simm.s32 $0xC  }
.LBB2_23:
0x2d1: {  	s3 =	smov.u32 s6;
	s4 =	smov.u32 s2  }
0x2d2: {  	s2 =	sshra.s32 s0, $0x2;
	p1 =	sne.s32 s0, $0x7C;
	s0 =	sadd.s32 $0x4, s0;
	(v2sf) =	vpush v0, $0x0  }
0x2d3: {  	v0 =	vld.msk [tilespmem:s2+$0x3658], $0x1  }
.Ltmp19:
0x2d4: {  	(pc) =	sbr.rel @p1 .LBB2_23-.Ltmp19, $4  }
0x2d5: {  	s6 =	spop (v2sf)  }
0x2d6: {  	p2 =	sne.s32 s4, $0xFFFFFFFF;
	s2 =	smov.u32 s6  }
0x2d7: {  	p3 =	seq.s32 s6, $0xFFFFFFFF;
	s2 =	smov.u32 @p2 s4  }
0x2d8: {  	s6 =	smov.u32 @p3 s3;
	s2 =	smov.u32 @p3 s4  }
0x2d9: {  	(v2sf) =	vpush v0, $0x0;
	_ =	sdelay $0x8  }
0x2da: {  	s0 =	spop (v2sf)  }
0x2db: {  	p1 =	sne.s32 s2, $0xFFFFFFFF;
	s3 =	smov.u32 s0  }
0x2dc: {  	s9 =	simm.s32 $0x6;
	p2 =	seq.s32 s0, $0xFFFFFFFF;
	s3 =	smov.u32 @p1 s2  }
0x2dd: {  	s10 =	simm.s32 $0x3638;
	s3 =	smov.u32 @p2 s2;
	s2 =	spop (v2sf)  }
0x2de: {  	s0 =	smov.u32 @p2 s6;
	p1 =	sne.s32 s3, $0xFFFFFFFF;
	s4 =	smov.u32 s2  }
.Ltmp20:
0x2df: {  	p2 =	seq.s32 s2, $0xFFFFFFFF;
	s4 =	smov.u32 @p1 s3;
	(pc) =	sbr.rel .LBB2_25-.Ltmp20, $4  }
0x2e0: {  	s11 =	simm.s32 $0x0;
	s4 =	smov.u32 @p2 s3;
	s7 =	spop (v2sf)  }
0x2e1: {  	[sflag:s9] =	ssyncpa.u1 $0x0;
	p1 =	sne.s32 s4, $0xFFFFFFFF;
	s8 =	smov.u32 s7  }
0x2e2: {  	s2 =	smov.u32 @p2 s0;
	p2 =	seq.s32 s7, $0xFFFFFFFF;
	s8 =	smov.u32 @p1 s4  }
0x2e3: {  	s6 =	simm.s32 $0x0;
	s7 =	smov.u32 @p2 s2;
	s8 =	smov.u32 @p2 s4  }
.LBB2_30:
0x2e4: {  	p1 =	sgt.u32 s12, $0x407FFF  }
0x2e5: {  	p2 =	seq.s32 @!p1 s12, s8  }
0x2e6: {  	p1 =	por p1, p2  }
0x2e7: {  	p2 =	sne.s32 @!p1 s12, s7  }
0x2e8: {  	p1 =	por p1, !p2  }
0x2e9: {  	s0 =	sshll.u32 @p1 s11, $0x6  }
0x2ea: {  	s0 =	sand.u32 @!p1 $0x7FFFF8, s12  }
0x2eb: {  	s2 =	sand.u32 @!p1 $0x7, s12;
	s0 =	sadd.s32 @!p1 s1, s0  }
0x2ec: {  	[tilespmem:s10], [sflag:$0x6] =	stream.linear.gather @!p1 [hbm4b:s0+s2], $0x4, $0x38;
	[tilespmem:$0x1F0F8] =	vst v63  }
0x2ed: {  	_ =	swait.ge @!p1 [sflag:s9], $0x4  }
0x2ee: {  	[sflag:s9] =	ssyncset.done @!p1 $0x0  }
0x2ef: {  	[sflag:s9] =	ssyncadd.s32 @!p1 $0xFFFFFFFC  }
0x2f0: {  	v1 =	vld @!p1 [tilespmem:$0x3638];
	_ =	sdelay $0x2  }
0x2f1: {  	s0 =	sshll.u32 @!p1 s11, $0x6  }
0x2f2: {  	s2 =	sshrl.u32 @!p1 s0, $0x2  }
0x2f3: {  	[tilespmem:s2+$0x3678] =	vst.add.f32.msk @!p1 $0xffff, v1  }
0x2f4: {  	s0 =	sshrl.u32 s0, $0x2;
	[tilespmem:s6+$0x3658] =	vst.msk $0x1, v0  }
0x2f5: {  	v0 =	vld [tilespmem:s0+$0x3678];
	_ =	sdelay $0x2  }
0x2f6: {  	s31 =	sshll.u32 s6, $0x6  }
0x2f7: {  	s0 =	sshra.s32 s31, $0x2  }
0x2f8: {  	s6 =	sadd.s32 $0x1, s6;
	[tilespmem:s0+$0x3678] =	vst v0  }
.LBB2_32:
0x2f9: {  	s11 =	sadd.s32 $0x1, s11  }
0x2fa: {  	p1 =	sne.s32 s11, $0x20  }
.Ltmp21:
0x2fb: {  	_ = 	snop;
	(pc) =	sbr.rel @!p1 .LBB2_33-.Ltmp21, $1  }
0x2fc: {  	_ =	sdelay $0x3  }
.LBB2_25:
0x2fd: {  	v0 =	vld.msk [tilespmem:s11+$0x3658], $0x1;
	_ =	sdelay $0x4  }
0x2fe: {  	(v2sf) =	vpush v0, $0x0;
	_ =	sdelay $0xe  }
0x2ff: {  	s12 =	spop (v2sf)  }
0x300: {  	p1 =	seq.s32 s12, $0xFFFFFFFF  }
.Ltmp22:
0x301: {  	_ = 	snop;
	(pc) =	sbr.rel @p1 .LBB2_32-.Ltmp22, $1  }
0x302: {  	_ =	sdelay $0x3  }
0x303: {  	p1 =	slt.s32 s6, $0x1  }
.Ltmp23:
0x304: {  	_ = 	snop;
	(pc) =	sbr.rel @p1 .LBB2_30-.Ltmp23, $1  }
0x305: {  	_ =	sdelay $0x3  }
0x306: {  	s13 =	simm.s32 $0x3658;
	p1 =	por $0x0, $0x0  }
0x307: {  	v1 =	vld.msk @!p1 [tilespmem:s13+$0x0], $0x1;
	_ =	sdelay $0x4  }
0x308: {  	(v2sf) =	vpush @!p1 v1, $0x0;
	_ =	sdelay $0xd  }
0x309: {  	p3 =	sne.s32 s6, $0x1  }
.Ltmp24:
0x30a: {  	s0 =	spop @!p1 (v2sf);
	(pc) =	sbr.rel @!p3 .LBB2_29-.Ltmp24, $4  }
0x30b: {  	p2 =	seq.s32 @!p1 s12, s0  }
0x30c: {  	s14 =	simm.s32 $0x0;
	p2 =	por !p2, p1  }
0x30d: {  	s0 =	simm.s32 $0xFFFFFFFF;
	s14 =	simm.s32 @p2 $0xFFFFFFFF  }
0x30e: {  	s15 =	simm.s32 $0x1;
	s14 =	smov.u32 @p1 s0  }
.LBB2_28:
0x30f: {  	s0 =	smov.u32 s14;
	p1 =	sne.s32 s14, $0xFFFFFFFF  }
0x310: {  	s13 =	sadd.s32 $0x1, s13;
	s14 =	smov.u32 s15;
	s15 =	sadd.s32 $0x1, s15  }
0x311: {  	p2 =	sne.s32 s6, s15;
	v1 =	vld.msk @!p1 [tilespmem:s13+$0x0], $0x1;
	_ =	sdelay $0x4  }
0x312: {  	(v2sf) =	vpush @!p1 v1, $0x0;
	_ =	sdelay $0xe  }
.Ltmp25:
0x313: {  	s2 =	spop @!p1 (v2sf);
	(pc) =	sbr.rel @p2 .LBB2_28-.Ltmp25, $4  }
0x314: {  	p3 =	seq.s32 @!p1 s12, s2  }
0x315: {  	p3 =	por !p3, p1  }
0x316: {  	s14 =	simm.s32 @p3 $0xFFFFFFFF  }
0x317: {  	s14 =	smov.u32 @p1 s0  }
.LBB2_29:
0x318: {  	p1 =	sne.s32 s14, $0xFFFFFFFF  }
.Ltmp26:
0x319: {  	_ = 	snop;
	(pc) =	sbr.rel @!p1 .LBB2_30-.Ltmp26, $1  }
0x31a: {  	_ =	sdelay $0x3  }
0x31b: {  	s0 =	sshll.u32 s11, $0x4  }
0x31c: {  	s0 =	sand.u32 $0x3FFFFFF0, s0  }
0x31d: {  	v0 =	vld [tilespmem:s0+$0x3678]  }
.Ltmp27:
0x31e: {  	_ = 	snop;
	(pc) =	sbr.rel .LBB2_32-.Ltmp27, $4  }
0x31f: {  	_ = 	snop  }
0x320: {  	s31 =	sshll.u32 s14, $0x6  }
0x321: {  	s0 =	sshra.s32 s31, $0x2  }
0x322: {  	[tilespmem:s0+$0x3678] =	vst.add.f32.msk $0xffff, v0  }
.LBB2_33:
0x323: {  	s0 =	simm.s32 $0x6;
	p1 =	seq.s32 s6, $0x0  }
0x324: {  	[sflag:s0] =	ssyncpa.u1 $0x1;
	v0 =	vimm.s32 @p1 $0xFFFFFFFF  }
0x325: {  	s9 =	sadd.s32 $0xFFFFFFFF, s6;
	[tilespmem:$0x3878] =	vst @p1 v0  }
0x326: {  	v0 =	vld.msk @!p1 [tilespmem:s9+$0x3658], $0x1;
	_ =	sdelay $0x1  }
0x327: {  	v1 =	vld.msk @!p1 [tilespmem:$0x3658], $0x1;
	_ =	sdelay $0x2  }
0x328: {  	p2 =	seq.s32 @!p1 s9, $0x0;
	v0 =	vbroadcast @!p1 v0, $0x0  }
0x329: {  	vm0 =	vmmov @!p1 $0x1;
	p2 =	por !p2, p1  }
0x32a: {  	v1 =	vnsel @!p1 vm0, $0xFFFFFFFF, v1;
	vm0 =	vcmask @!p1 $0x308;
	v0 =	vpsel !p2, $0xFFFFFFFF, v0  }
0x32b: {  	p2 =	sne.s32 @!p1 s8, s7;
	v0 =	vsel @!p1 vm0, v1, v0  }
0x32c: {  	s0 =	simm.s32 @!p1 $0x3678;
	s2 =	simm.s32 @!p1 $0x0;
	p3 =	por !p2, p1;
	[tilespmem:$0x3878] =	vst @!p1 v0  }
0x32d: {  	[spmem:s2] =	stream.linear.scatter @!p1 [tilespmem:s0], [sflag:$0x1], $0x10, $0x38;
	[tilespmem:$0x1F0F8] =	vst v63  }
0x32e: {  	s0 =	sshll.u32 @!p3 s9, $0x6  }
0x32f: {  	s0 =	sshra.s32 @!p3 s0, $0x2  }
0x330: {  	s2 =	simm.s32 @!p3 $0x10;
	s0 =	sadd.s32 @!p3 $0x3678, s0  }
0x331: {  	[spmem:s2] =	stream.linear.scatter @!p3 [tilespmem:s0], [sflag:$0x1], $0x10, $0x38;
	[tilespmem:$0x1F0F8] =	vst v63  }
0x332: {  	s0 =	simm.s32 @!p3 $0x1  }
0x333: {  	_ =	swait.ge @!p3 [sflag:s0], $0x20  }
0x334: {  	p1 =	por p2, p1;
	[sflag:s0] =	ssyncset.done @!p3 $0x0  }
0x335: {  	[sflag:s0] =	ssyncadd.s32 @!p3 $0xFFFFFFE0;
	s0 =	simm.s32 @!p1 $0x1  }
0x336: {  	_ =	swait.ge @!p1 [sflag:s0], $0x10  }
0x337: {  	s29 =	simm.s32 $0x3878;
	[sflag:s0] =	ssyncset.done @!p1 $0x0  }
0x338: {  	s30 =	simm.s32 $0x200;
	s31 =	simm.s32 $0x1;
	[sflag:s0] =	ssyncadd.s32 @!p1 $0xFFFFFFF0  }
0x339: {  	[spmem:s30] =	stream.linear.scatter [tilespmem:s29], [sflag:$0x1], $0x10, $0x38;
	[tilespmem:$0x1F0F8] =	vst v63  }
0x33a: {  	_ =	swait.ge [sflag:s31], $0x10  }
0x33b: {  	[sflag:s31] =	ssyncset.done $0x0  }
0x33c: {  	p1 =	seq.s32 s17, $0x0;
	s8 =	rddreg [dreg:$0x3];
	[sflag:s31] =	ssyncadd.s32 $0xFFFFFFF0  }
0x33d: {  	s2 =	sshll.u32 @p1 s8, $0xE;
	s7 =	rddreg [dreg:$0x4]  }
0x33e: {  	s0 =	sadd.s32 @p1 $0x15C3C, s2;
	s2 =	sshll.u32 @p1 s7, $0x11  }
0x33f: {  	_ =	sfence.stream.spmem;
	s0 =	sor.u32 @p1 s2, s0  }
0x340: {  	[sflag:s0] =	ssyncadd.remote.s32 @p1 $0x1;
	s0 =	simm.s32 @p1 $0x4  }
0x341: {  	s3 =	simm.s32 @!p1 $0x3C;
	s2 =	sand.u32 $0xFFFFFFFE, s8;
	_ =	swait.ge @p1 [sflag:s0], $0x6  }
0x342: {  	s4 =	simm.s32 @!p1 $0x0;
	s2 =	sadd.s32 @!p1 $0x4, s2;
	[sflag:s0] =	ssyncset.done @p1 $0x0  }
0x343: {  	s5 =	simm.s32 @!p1 $0x20;
	[sflag:s0] =	ssyncadd.s32 @p1 $0xFFFFFFFA;
	s0 =	sshll.u32 @!p1 s2, $0x1A  }
0x344: {  	s2 =	sshll.u32 @!p1 s2, $0xD;
	s0 =	sor.u32 @!p1 s0, s7;
	_ =	swait.eq @!p1 [sflag:s3], $0x1  }
0x345: {  	s2 =	sor.u32 @!p1 $0x1C04, s2;
	s3 =	simm.s32 @!p1 $0x1C03;
	s0 =	sor.u32 @!p1 $0x80004000, s0  }
0x346: {  	[spmem:s5], [sflag:s2] =	dma.general @!p1 [spmem:s4], [sflag:s3], length:$0x4, [dreg:$0x0], stride_count:$0x0, ici_dest:s0, dma_misc:DstOpCode:WRITE  }
0x347: {  	p2 =	slt.s32 s9, $0x2;
	s4 =	simm.s32 @!p1 $0x40;
	s5 =	simm.s32 @!p1 $0x42  }
0x348: {  	[spmem:s5], [sflag:s2] =	dma.general @!p1 [spmem:s4], [sflag:s3], length:$0x2, [dreg:$0x0], stride_count:$0x0, ici_dest:s0, dma_misc:DstOpCode:WRITE  }
.Ltmp28:
0x349: {  	s0 =	simm.s32 @!p1 $0x3;
	(pc) =	sbr.rel @p2 .LBB2_37-.Ltmp28, $4  }
0x34a: {  	s2 =	sshll.u32 @!p1 s8, $0xE;
	_ =	swait.ge @!p1 [sflag:s0], $0x6  }
0x34b: {  	s3 =	sshll.u32 @!p1 s7, $0x11;
	s2 =	sadd.s32 @!p1 $0x11C3C, s2;
	[sflag:s0] =	ssyncset.done @!p1 $0x0  }
0x34c: {  	[sflag:s0] =	ssyncadd.s32 @!p1 $0xFFFFFFFA;
	s0 =	sor.u32 @!p1 s3, s2  }
0x34d: {  	[sflag:s0] =	ssyncadd.remote.s32 @!p1 $0xFFFFFFFF;
	s0 =	simm.s32 $0x0  }
0x34e: {  	s0 =	simm.s32 $0x3659  }
0x34f: {  	v0 =	vld.msk [tilespmem:s0+$0x0], $0x1;
	_ =	sdelay $0x4  }
0x350: {  	(v2sf) =	vpush v0, $0x0;
	_ =	sdelay $0xd  }
0x351: {  	s3 =	sadd.s32 $0xFFFFFFFE, s6  }
0x352: {  	s3 =	sadd.s32 $0xFFFFFFFF, s3;
	s0 =	spop (v2sf)  }
0x353: {  	p2 =	sne.s32 s3, $0x0;
	p1 =	sgt.u32 s0, $0x407FFF  }
.Ltmp29:
0x354: {  	s4 =	sand.u32 @!p1 $0x7FFFF8, s0;
	(pc) =	sbr.rel @!p2 .LBB2_36-.Ltmp29, $4  }
0x355: {  	s2 =	simm.s32 $0x3688;
	s0 =	sand.u32 @!p1 $0x7, s0;
	s4 =	sadd.s32 @!p1 s1, s4  }
0x356: {  	[hbm4b:s4+s0] =	stream.linear.scatter @!p1 [tilespmem:s2], [sflag:$0x5], $0x4, $0x38;
	[tilespmem:$0x1F0F8] =	vst v63  }
0x357: {  	s0 =	simm.s32 $0x0  }
0x358: {  	s6 =	simm.s32 $0x0;
	s7 =	simm.s32 $0x365A;
	s0 =	simm.s32 @!p1 $0x10  }
.LBB2_35:
0x359: {  	v0 =	vld.msk [tilespmem:s7+$0x0], $0x1;
	s3 =	sadd.s32 $0xFFFFFFFF, s3;
	s6 =	sadd.s32 s6, s0  }
0x35a: {  	p1 =	sne.s32 s3, $0x0;
	_ =	sdelay $0x3  }
0x35b: {  	(v2sf) =	vpush v0, $0x0;
	_ =	sdelay $0xe  }
.Ltmp30:
0x35c: {  	s4 =	spop (v2sf);
	(pc) =	sbr.rel @p1 .LBB2_35-.Ltmp30, $4  }
0x35d: {  	s0 =	simm.s32 $0x0;
	p2 =	sgt.u32 s4, $0x407FFF  }
0x35e: {  	s2 =	sadd.s32 $0x10, s2;
	s0 =	simm.s32 @!p2 $0x10;
	s5 =	sand.u32 @!p2 $0x7FFFF8, s4  }
0x35f: {  	s7 =	sadd.s32 $0x1, s7;
	s4 =	sand.u32 @!p2 $0x7, s4;
	s5 =	sadd.s32 @!p2 s1, s5  }
0x360: {  	[hbm4b:s5+s4] =	stream.linear.scatter @!p2 [tilespmem:s2], [sflag:$0x5], $0x4, $0x38;
	[tilespmem:$0x1F0F8] =	vst v63  }
.LBB2_36:
0x361: {  	s0 =	sadd.s32 s6, s0  }
0x362: {  	s0 =	sshrl.u32 s0, $0x2  }
.LBB2_37:
0x363: {  	s2 =	simm.s32 $0x5  }
0x364: {  	_ =	swait.ge [sflag:s2], s0  }
0x365: {  	s31 =	ssub.s32 $0x0, s0;
	[sflag:s2] =	ssyncset.done $0x0  }
0x366: {  	[sflag:s2] =	ssyncadd.s32 s31  }
0x367: {  	[sflag:s2] =	ssyncpa.u1 $0x1  }
.LBB2_38:
0x368: {  	s0 =	sor.u32 s17, s16  }
0x369: {  	p1 =	sne.s32 s0, $0x0  }
.Ltmp31:
0x36a: {  	_ = 	snop;
	(pc) =	sbr.rel @p1 .LBB2_53-.Ltmp31, $3  }
0x36b: {  	_ =	sdelay $0x1  }
0x36c: {  	[bflag:$0x0] =	sbarrier.arrive $0xFFFF  }
0x36d: {  	_ =	sfence  }
0x36e: {  	s0 =	simm.s32 $0x7  }
0x36f: {  	s2 =	simm.s32 $0x200;
	s3 =	simm.s32 $0x3658;
	[sflag:s0] =	ssyncpa.u1 $0x0  }
0x370: {  	[tilespmem:s3], [sflag:$0x7] =	stream.linear.gather [spmem:s2], $0x20, $0x38;
	[tilespmem:$0x1F0F8] =	vst v63  }
0x371: {  	s30 =	simm.s32 $0x3678;
	s2 =	simm.s32 $0x0  }
0x372: {  	[tilespmem:s30], [sflag:$0x7] =	stream.linear.gather [spmem:s2], $0x200, $0x38;
	[tilespmem:$0x1F0F8] =	vst v63  }
.Ltmp32:
0x373: {  	_ = 	snop;
	(pc) =	sbr.rel .LBB2_40-.Ltmp32, $4  }
0x374: {  	_ =	swait.ge [sflag:s0], $0x220  }
0x375: {  	[sflag:s0] =	ssyncset.done $0x0  }
0x376: {  	s31 =	simm.s32 $0x8;
	[sflag:s0] =	ssyncadd.s32 $0xFFFFFDE0  }
0x377: {  	s3 =	simm.s32 $0x0;
	[sflag:s31] =	ssyncpa.u1 $0x0  }
.LBB2_45:
0x378: {  	p1 =	slt.u32 s4, $0x408000  }
0x379: {  	s0 =	sand.u32 @p1 $0x7FFFF8, s4  }
0x37a: {  	s4 =	sand.u32 @p1 $0x7, s4;
	s5 =	simm.s32 @p1 $0x3638;
	s0 =	sadd.s32 @p1 s1, s0  }
0x37b: {  	[tilespmem:s5], [sflag:$0x8] =	stream.linear.gather @p1 [hbm4b:s0+s4], $0x4, $0x38;
	[tilespmem:$0x1F0F8] =	vst v63  }
0x37c: {  	s0 =	simm.s32 @p1 $0x8  }
0x37d: {  	_ =	swait.ge @p1 [sflag:s0], $0x4  }
0x37e: {  	[sflag:s0] =	ssyncset.done @p1 $0x0  }
0x37f: {  	[sflag:s0] =	ssyncadd.s32 @p1 $0xFFFFFFFC  }
0x380: {  	v1 =	vld @p1 [tilespmem:$0x3638];
	_ =	sdelay $0x2  }
0x381: {  	s0 =	sshll.u32 @p1 s3, $0x6  }
0x382: {  	s5 =	sshll.u32 @!p1 s3, $0x6;
	s4 =	sshrl.u32 @p1 s0, $0x2  }
0x383: {  	s5 =	smov.u32 @p1 s0;
	[tilespmem:s4+$0x3678] =	vst.add.f32.msk @p1 $0xffff, v1  }
0x384: {  	s0 =	sshrl.u32 s5, $0x2;
	[tilespmem:s2+$0x3658] =	vst.msk $0x1, v0  }
0x385: {  	v0 =	vld [tilespmem:s0+$0x3678];
	_ =	sdelay $0x2  }
0x386: {  	s31 =	sshll.u32 s2, $0x6  }
0x387: {  	s0 =	sshra.s32 s31, $0x2  }
0x388: {  	s2 =	sadd.s32 $0x1, s2;
	[tilespmem:s0+$0x3678] =	vst v0  }
.LBB2_47:
0x389: {  	s3 =	sadd.s32 $0x1, s3  }
0x38a: {  	p1 =	sne.s32 s3, $0x20  }
.Ltmp33:
0x38b: {  	_ = 	snop;
	(pc) =	sbr.rel @!p1 .LBB2_48-.Ltmp33, $1  }
0x38c: {  	_ =	sdelay $0x3  }
.LBB2_40:
0x38d: {  	v0 =	vld.msk [tilespmem:s3+$0x3658], $0x1;
	_ =	sdelay $0x4  }
0x38e: {  	(v2sf) =	vpush v0, $0x0;
	_ =	sdelay $0xe  }
0x38f: {  	s4 =	spop (v2sf)  }
0x390: {  	p1 =	seq.s32 s4, $0xFFFFFFFF  }
.Ltmp34:
0x391: {  	_ = 	snop;
	(pc) =	sbr.rel @p1 .LBB2_47-.Ltmp34, $1  }
0x392: {  	_ =	sdelay $0x3  }
0x393: {  	p1 =	slt.s32 s2, $0x1  }
.Ltmp35:
0x394: {  	_ = 	snop;
	(pc) =	sbr.rel @p1 .LBB2_45-.Ltmp35, $1  }
0x395: {  	_ =	sdelay $0x3  }
0x396: {  	s5 =	simm.s32 $0x3658;
	p1 =	por $0x0, $0x0  }
0x397: {  	v1 =	vld.msk @!p1 [tilespmem:s5+$0x0], $0x1;
	_ =	sdelay $0x4  }
0x398: {  	(v2sf) =	vpush @!p1 v1, $0x0;
	_ =	sdelay $0xd  }
0x399: {  	p3 =	sne.s32 s2, $0x1  }
.Ltmp36:
0x39a: {  	s0 =	spop @!p1 (v2sf);
	(pc) =	sbr.rel @!p3 .LBB2_44-.Ltmp36, $4  }
0x39b: {  	p2 =	seq.s32 @!p1 s4, s0  }
0x39c: {  	s6 =	simm.s32 $0x0;
	p2 =	por !p2, p1  }
0x39d: {  	s0 =	simm.s32 $0xFFFFFFFF;
	s6 =	simm.s32 @p2 $0xFFFFFFFF  }
0x39e: {  	s7 =	simm.s32 $0x1;
	s6 =	smov.u32 @p1 s0  }
.LBB2_43:
0x39f: {  	s0 =	smov.u32 s6;
	p1 =	sne.s32 s6, $0xFFFFFFFF  }
0x3a0: {  	s5 =	sadd.s32 $0x1, s5;
	s6 =	smov.u32 s7;
	s7 =	sadd.s32 $0x1, s7  }
0x3a1: {  	p2 =	sne.s32 s2, s7;
	v1 =	vld.msk @!p1 [tilespmem:s5+$0x0], $0x1;
	_ =	sdelay $0x4  }
0x3a2: {  	(v2sf) =	vpush @!p1 v1, $0x0;
	_ =	sdelay $0xe  }
.Ltmp37:
0x3a3: {  	s8 =	spop @!p1 (v2sf);
	(pc) =	sbr.rel @p2 .LBB2_43-.Ltmp37, $4  }
0x3a4: {  	p3 =	seq.s32 @!p1 s4, s8  }
0x3a5: {  	p3 =	por !p3, p1  }
0x3a6: {  	s6 =	simm.s32 @p3 $0xFFFFFFFF  }
0x3a7: {  	s6 =	smov.u32 @p1 s0  }
.LBB2_44:
0x3a8: {  	p1 =	sne.s32 s6, $0xFFFFFFFF  }
.Ltmp38:
0x3a9: {  	_ = 	snop;
	(pc) =	sbr.rel @!p1 .LBB2_45-.Ltmp38, $1  }
0x3aa: {  	_ =	sdelay $0x3  }
0x3ab: {  	s0 =	sshll.u32 s3, $0x4  }
0x3ac: {  	s0 =	sand.u32 $0x3FFFFFF0, s0  }
0x3ad: {  	v0 =	vld [tilespmem:s0+$0x3678]  }
.Ltmp39:
0x3ae: {  	_ = 	snop;
	(pc) =	sbr.rel .LBB2_47-.Ltmp39, $4  }
0x3af: {  	_ = 	snop  }
0x3b0: {  	s31 =	sshll.u32 s6, $0x6  }
0x3b1: {  	s0 =	sshra.s32 s31, $0x2  }
0x3b2: {  	[tilespmem:s0+$0x3678] =	vst.add.f32.msk $0xffff, v0  }
.LBB2_48:
0x3b3: {  	p1 =	slt.s32 s2, $0x1  }
.Ltmp40:
0x3b4: {  	_ = 	snop;
	(pc) =	sbr.rel @p1 .LBB2_52-.Ltmp40, $3  }
0x3b5: {  	_ =	sdelay $0x1  }
0x3b6: {  	s0 =	simm.s32 $0x8  }
0x3b7: {  	s3 =	simm.s32 $0x0;
	[sflag:s0] =	ssyncpa.u1 $0x1  }
0x3b8: {  	s0 =	simm.s32 $0x3658  }
0x3b9: {  	v0 =	vld.msk [tilespmem:s0+$0x0], $0x1;
	_ =	sdelay $0x4  }
0x3ba: {  	(v2sf) =	vpush v0, $0x0;
	_ =	sdelay $0xe  }
0x3bb: {  	s2 =	sadd.s32 $0xFFFFFFFF, s2;
	s0 =	spop (v2sf)  }
0x3bc: {  	p2 =	sne.s32 s2, $0x0;
	p1 =	sgt.u32 s0, $0x407FFF  }
.Ltmp41:
0x3bd: {  	s5 =	sand.u32 @!p1 $0x7FFFF8, s0;
	(pc) =	sbr.rel @!p2 .LBB2_51-.Ltmp41, $4  }
0x3be: {  	s4 =	simm.s32 $0x3678;
	s0 =	sand.u32 @!p1 $0x7, s0;
	s5 =	sadd.s32 @!p1 s1, s5  }
0x3bf: {  	[hbm4b:s5+s0] =	stream.linear.scatter @!p1 [tilespmem:s4], [sflag:$0x7], $0x4, $0x38;
	[tilespmem:$0x1F0F8] =	vst v63  }
0x3c0: {  	s0 =	simm.s32 $0x0  }
0x3c1: {  	s5 =	simm.s32 $0x3659;
	s0 =	simm.s32 @!p1 $0x10  }
.LBB2_50:
0x3c2: {  	v0 =	vld.msk [tilespmem:s5+$0x0], $0x1;
	s2 =	sadd.s32 $0xFFFFFFFF, s2;
	s3 =	sadd.s32 s3, s0  }
0x3c3: {  	p1 =	sne.s32 s2, $0x0;
	_ =	sdelay $0x3  }
0x3c4: {  	(v2sf) =	vpush v0, $0x0;
	_ =	sdelay $0xe  }
.Ltmp42:
0x3c5: {  	s6 =	spop (v2sf);
	(pc) =	sbr.rel @p1 .LBB2_50-.Ltmp42, $4  }
0x3c6: {  	s0 =	simm.s32 $0x0;
	p2 =	sgt.u32 s6, $0x407FFF  }
0x3c7: {  	s4 =	sadd.s32 $0x10, s4;
	s0 =	simm.s32 @!p2 $0x10;
	s7 =	sand.u32 @!p2 $0x7FFFF8, s6  }
0x3c8: {  	s5 =	sadd.s32 $0x1, s5;
	s6 =	sand.u32 @!p2 $0x7, s6;
	s7 =	sadd.s32 @!p2 s1, s7  }
0x3c9: {  	[hbm4b:s7+s6] =	stream.linear.scatter @!p2 [tilespmem:s4], [sflag:$0x7], $0x4, $0x38;
	[tilespmem:$0x1F0F8] =	vst v63  }
.LBB2_51:
0x3ca: {  	s0 =	sadd.s32 s3, s0  }
0x3cb: {  	s3 =	sshrl.u32 s0, $0x2  }
.LBB2_52:
0x3cc: {  	s0 =	simm.s32 $0x7  }
0x3cd: {  	_ =	swait.ge [sflag:s0], s3  }
0x3ce: {  	s1 =	ssub.s32 $0x0, s3;
	[sflag:s0] =	ssyncset.done $0x0  }
0x3cf: {  	[sflag:s0] =	ssyncadd.s32 s1  }
0x3d0: {  	[sflag:s0] =	ssyncpa.u1 $0x1  }
.LBB2_53:
0x3d1: {  	_ =	sfence;
	s0 =	simm.s32 $0x1  }
0x3d2: {  	[sflag:s0] =	ssyncpa.u1 $0x1  }
0x3d3: {  	_ =	strace $0x90000047  }
0x3d4: {  	[bflag:$0x2] =	sbarrier.arrive $0xFFFF  }
0x3d5: {  	s0 =	rddreg [dreg:$0x5]  }
0x3d6: {  	s0 =	sadd.s32 @!p0 $0x100000, s0  }
0x3d7: {  	[sflag:s0] =	ssyncadd.tile.s32 @!p0 $0x1;
	_ =	shalt  }
.Lfunc_end2:
_tile_overlayer_lowered:
.L_overlay_start_2:
0x3d8: {  	(tag) =	ssettag $0x2  }
0x3d9: {  	s0 =	rddreg [dreg:$0x0];
	s2 =	stileid.u32  }
0x3da: {  	s1 =	rddreg [dreg:$0x1];
	p0 =	sne.s32 s2, $0x0  }
0x3db: {  	s3 =	rddreg [dreg:$0x2];
	[bflag:$0x3] =	sbarrier.arrive $0xFFFF;
	s2 =	simm.s32 @!p0 $0x1C01  }
0x3dc: {  	[timem:s3], [sflag:s2] =	dma.local @!p0 [hbm:s0], s1  }
0x3dd: {  	s0 =	simm.s32 @!p0 $0x1  }
0x3de: {  	_ =	swait.ge @!p0 [sflag:s0], s1  }
0x3df: {  	s1 =	ssub.s32 @!p0 $0x0, s1;
	[sflag:s0] =	ssyncset.done @!p0 $0x0  }
0x3e0: {  	[sflag:s0] =	ssyncadd.s32 @!p0 s1  }
0x3e1: {  	[bflag:$0x3] =	sbarrier.arrive $0xFFFF  }
0x3e2: {  	_ =	shalt  }

// kernel: sparse-core-data-format-call.1.cloned.1.call-start
scs
called_computation.3_lowered:
.L_overlay_start_0:
0x0: {  	s2 =	sld [smem:$0x3FD9]  }
0x1: {  	s3 =	sld [smem:$0x3FFE];
	_ =	sdelay $0x1  }
0x2: {  	s1 =	srdreg.scid  }
0x3: {  	s0 =	sand.u32 $0x1, s1  }
0x4: {  	s16 =	sshll.u32 s0, $0xA;
	s2 =	sadd.s32 s3, s2  }
0x5: {  	s2 =	sadd.s32 s2, s16  }
0x6: {  	[smem:$0x3FC4] =	sst s2  }
0x7: {  	_ = 	snop  }
0x8: {  	s2 =	sld [smem:$0x3FD0];
	_ =	sdelay $0x2  }
0x9: {  	s17 =	simm.s32 $0xB;
	s4 =	simm.s32 $0x10  }
0xa: {  	[smem:s4], [sflag:s17] =	dma.local [hbm:s2], $0x1  }
0xb: {  	_ =	swait.eq [sflag:s17], $0x1  }
0xc: {  	[sflag:s17] =	ssyncset.done $0x0  }
0xd: {  	[sflag:s17] =	ssyncadd.s32 $0xFFFFFFFF  }
0xe: {  	s18 =	sld [smem:$0x10];
	(tm) =	ssettm $0x1  }
0xf: {  	s19 =	sld [smem:$0x3FFB];
	_ =	sdelay $0x3  }
0x10: {  	_ =	strace s19  }
0x11: {  	s2 =	sld [smem:$0x3FFC];
	_ =	sdelay $0x3  }
0x12: {  	_ =	strace s2  }
0x13: {  	s2 =	sld [smem:$0x3FFD];
	_ =	sdelay $0x3  }
0x14: {  	_ =	strace s2  }
0x15: {  	_ =	strace $0x8FFFFFFF  }
0x16: {  	s20 =	sld [smem:$0x3FDB];
	_ =	sdelay $0x1  }
0x17: {  	s21 =	simm.s32 $_scs_section_size  }
0x18: {  	s5 =	simm.s32 $_size__tile_overlayer_lowered;
	s6 =	simm.s32 $_tile_overlayer_lowered  }
0x19: {  	s7 =	simm.s32 $0x1BFF;
	s22 =	sshll.u32 s6, $0x1;
	s4 =	sadd.s32 s21, s20  }
0x1a: {  	s23 =	simm.s32 $0x0;
	s5 =	sshll.u32 s5, $0x1;
	s6 =	sadd.s32 s22, s4  }
0x1b: {  	[timem:s23], [sflag:s7] =	dma.local [hbm:s6], s5  }
0x1c: {  	_ =	swait.ge [sflag:s7], s5  }
0x1d: {  	s5 =	ssub.s32 $0x0, s5;
	[sflag:s7] =	ssyncset.done $0x0  }
0x1e: {  	[sflag:s7] =	ssyncadd.s32 s5;
	_ =	sdelay $0x1  }
0x1f: {  	s24 =	simm.s32 $0x1B8B  }
0x20: {  	_ =	swait.ge [sflag:s24], $0x1  }
0x21: {  	[sflag:s24] =	ssyncset.done $0x0  }
0x22: {  	[sflag:s24] =	ssyncadd.s32 $0xFFFFFFFF  }
0x23: {  	s5 =	sld [smem:$0x0]  }
0x24: {  	s6 =	sand.u32 $0xFFFFFFFE, s1  }
0x25: {  	p0 =	sne.s32 s1, s6  }
0x26: {  	s6 =	sshll.u32 @p0 s6, $0xE  }
0x27: {  	s6 =	sadd.s32 @p0 $0x11B8D, s6;
	s7 =	sshll.u32 @p0 s5, $0x11  }
0x28: {  	s6 =	sor.u32 @p0 s7, s6  }
0x29: {  	[sflag:s6] =	ssyncadd.remote.s32 @p0 $0x1;
	_ =	sdelay $0x1  }
0x2a: {  	s6 =	simm.s32 @p0 $0x1B8D  }
0x2b: {  	_ =	swait.eq @p0 [sflag:s6], $0x1  }
0x2c: {  	[sflag:s6] =	ssyncadd.s32 @p0 $0xFFFFFFFF  }
0x2d: {  	s7 =	sshll.u32 @!p0 s1, $0xE  }
0x2e: {  	s7 =	sor.u32 @!p0 $0x4000, s7;
	s6 =	simm.s32 @!p0 $0x1B8D  }
0x2f: {  	s5 =	sshll.u32 @!p0 s5, $0x11;
	s7 =	sadd.s32 @!p0 $0x11B8D, s7;
	_ =	swait.eq @!p0 [sflag:s6], $0x1  }
0x30: {  	s5 =	sor.u32 @!p0 s5, s7;
	[sflag:s6] =	ssyncadd.s32 @!p0 $0xFFFFFFFF  }
0x31: {  	s26 =	simm.s32 $0x1B8E;
	s25 =	sld [smem:$0x3FFE];
	[sflag:s5] =	ssyncadd.remote.s32 @!p0 $0x1  }
0x32: {  	s27 =	simm.s32 $execute0_lowered;
	[smem:$0x3FD2] =	sst s26  }
0x33: {  	s6 =	sshll.u32 s27, $0x1;
	_ =	strace $0x80000052;
	[dreg:$0x1] =	wrdreg $0xFFFFFFFF  }
0x34: {  	s28 =	simm.s32 $_size_execute0_lowered;
	s4 =	sadd.s32 s4, s6;
	[dreg:$0x0] =	wrdreg $0x0  }
0x35: {  	s6 =	sshll.u32 s28, $0x1;
	[dreg:$0x2] =	wrdreg s4  }
0x36: {  	[dreg:$0x3] =	wrdreg s6  }
0x37: {  	[dreg:$0x4] =	wrdreg $0xC0  }
0x38: {  	_ =	task [dreg:s23], $0x5FFFF  }
0x39: {  	[dreg:$0x1] =	wrdreg $0xFFFFFFFF  }
0x3a: {  	[dreg:$0x0] =	wrdreg $0x60  }
0x3b: {  	[dreg:$0x2] =	wrdreg s25  }
0x3c: {  	[dreg:$0x3] =	wrdreg s18  }
0x3d: {  	[dreg:$0x4] =	wrdreg $0xA  }
0x3e: {  	_ =	task.clear_ibuf [dreg:s23], $0x5FFFF;
	_ =	strace $0x90000052  }
0x3f: {  	s29 =	simm.s32 $0xA;
	_ =	strace $0x80000054  }
0x40: {  	_ =	swait.ge [sflag:s29], $0x1  }
0x41: {  	[sflag:s29] =	ssyncadd.s32 $0xFFFFFFFF  }
0x42: {  	_ =	strace $0x90000054  }
0x43: {  	_ =	sfence  }
0x44: {  	s30 =	sld [smem:$0x0];
	_ =	sdelay $0x2  }
0x45: {  	s31 =	sshll.u32 s1, $0xD;
	s1 =	sshrl.u32 s1, $0x2  }
0x46: {  	s4 =	sand.u32 $0x4000, s31;
	s1 =	sadd.s32 s1, s30  }
0x47: {  	s0 =	sor.u32 s4, s0;
	s1 =	sshll.u32 s1, $0x11  }
0x48: {  	s0 =	sor.u32 s1, s0  }
0x49: {  	s0 =	sadd.s32 $0x8F2B, s0  }
0x4a: {  	[sflag:s0] =	ssyncadd.remote.s32 $0x1  }
0x4b: {  	_ =	sfence.sel $0xFFFF  }
0x4c: {  	[dreg:$0x0] =	wrdreg $0xFFFFFFFF;
	(pc) =	sbr.abs _section_cstart, $3  }
0x4d: {  	[dreg:$0x1] =	wrdreg $0xFFFFFFFF  }
0x4e: {  	_ =	task.clear_ibuf [dreg:s23], $0x2FFFF;
	_ =	strace $0x9FFFFFFF  }
0x4f: {  	(tm) =	ssettm $0x7FFFFFFF  }
tec
execute0_lowered:
.L_overlay_start_1:
0x0: {  	(tag) =	ssettag $0x1  }
0x1: {  	s4 =	rddreg [dreg:$0x0]  }
0x2: {  	s2 =	rddreg [dreg:$0x1];
	s3 =	srdreg.scid  }
0x3: {  	s0 =	rddreg [dreg:$0x2];
	s1 =	stileid.u32;
	_ =	strace $0x80000053  }
0x4: {  	s9 =	simm.s32 $0x2;
	s16 =	simm.s32 $0x0;
	p0 =	por $0x0, $0x0  }
0x5: {  	s17 =	simm.s32 $0x0;
	s20 =	simm.s32 $0x0;
	s18 =	simm.s32 $0x0  }
0x6: {  	s19 =	simm.s32 $0x0;
	s10 =	simm.s32 $0x0;
	s11 =	simm.s32 $0x0  }
0x7: {  	s12 =	simm.s32 $0x0;
	s15 =	simm.s32 $0x0;
	s3 =	sshll.u32 s3, $0x4  }
0x8: {  	s4 =	sadd.s32 $0x810000, s4;
	s5 =	sand.u32 $0x10, s3;
	s3 =	sand.u32 $0x1, s1  }
.Ltmp0:
0x9: {  	s6 =	sor.u32 s1, s5;
	s7 =	ssub.s32 $0x2, s3;
	(pc) =	sbr.rel .LBB1_1-.Ltmp0, $4  }
0xa: {  	s5 =	simm.s32 $0x1;
	s8 =	sshrl.u32 s7, $0x1;
	s7 =	sand.u32 $0x1, s7  }
0xb: {  	s14 =	smov.u32 s3;
	[sflag:s5] =	ssyncpa.u1 $0x0;
	s7 =	sadd.s32 s7, s8  }
0xc: {  	s6 =	sshrl.u32 s6, $0x1;
	[sflag:s9] =	ssyncpa.u1 $0x0;
	s7 =	sshll.u32 s7, $0x5  }
0xd: {  	s9 =	simm.s32 $0x200;
	s13 =	smov.u32 s6;
	s8 =	sor.u32 $0x1, s7  }
.LBB1_4:
0xe: {  	_ =	sdelay $0x3  }
0xf: {  	[tilespmem:v0+s23+$0xFFFFFFA0 ss:$0x1] =	vst.idx.msk $0xffff, v6  }
0x10: {  	v56 =	vld.idx.msk [tilespmem:v1+s22+$0x30 ss:$0x1], $0xffff;
	[tilespmem:v0+s23+$0xFFFFFFB0 ss:$0x1] =	vst.idx.msk $0xffff, v4  }
0x11: {  	v57 =	vld.idx.msk [tilespmem:v1+s22+$0xFFFFFFC0 ss:$0x1], $0xffff;
	[tilespmem:v0+s23+$0xFFFFFFC0 ss:$0x1] =	vst.idx.msk $0xffff, v2  }
0x12: {  	v58 =	vld.idx.msk [tilespmem:v1+s22+$0xFFFFFFD0 ss:$0x1], $0xffff;
	[tilespmem:v0+s23+$0xFFFFFFD0 ss:$0x1] =	vst.idx.msk $0xffff, v3  }
0x13: {  	v59 =	vld.idx.msk [tilespmem:v1+s22+$0xFFFFFFE0 ss:$0x1], $0xffff;
	[tilespmem:v0+s23+$0xFFFFFFE0 ss:$0x1] =	vst.idx.msk $0xffff, v5  }
0x14: {  	v60 =	vld.idx.msk [tilespmem:v1+s22+$0xFFFFFFF0 ss:$0x1], $0xffff;
	[tilespmem:v0+s23+$0xFFFFFFF0 ss:$0x1] =	vst.idx.msk $0xffff, v7  }
0x15: {  	v61 =	vld.idx.msk [tilespmem:v1+s22+$0x0 ss:$0x1], $0xffff;
	[tilespmem:v0+s22+$0x0 ss:$0x1] =	vst.idx.msk $0xffff, v56  }
0x16: {  	v62 =	vld.idx.msk [tilespmem:v1+s22+$0x10 ss:$0x1], $0xffff;
	s20 =	sshll.u32 s20, $0x7;
	[tilespmem:v0+s22+$0xFFFFFF90 ss:$0x1] =	vst.idx.msk $0xffff, v57  }
0x17: {  	v63 =	vld.idx.msk [tilespmem:v1+s22+$0x20 ss:$0x1], $0xffff;
	s27 =	sand.u32 $0x78, s16;
	s19 =	sshll.u32 s19, $0x14;
	s18 =	sshll.u32 s18, $0xE;
	[tilespmem:v0+s22+$0xFFFFFFA0 ss:$0x1] =	vst.idx.msk $0xffff, v58  }
0x18: {  	s17 =	sshll.u32 s17, $0x6;
	s28 =	sshrl.u32 s16, $0x2;
	s19 =	sadd.s32 s2, s19;
	[tilespmem:v0+s22+$0xFFFFFFB0 ss:$0x1] =	vst.idx.msk $0xffff, v59  }
0x19: {  	s30 =	sand.u32 $0x7, s16;
	s20 =	sand.u32 $0x80, s20;
	s18 =	sadd.s32 s18, s19;
	[tilespmem:v0+s22+$0xFFFFFFC0 ss:$0x1] =	vst.idx.msk $0xffff, v60  }
0x1a: {  	s29 =	sand.u32 $0x20, s28;
	s20 =	sor.u32 s20, s27;
	s17 =	sadd.s32 s17, s18;
	[tilespmem:v0+s22+$0xFFFFFFD0 ss:$0x1] =	vst.idx.msk $0xffff, v61  }
0x1b: {  	s16 =	sshll.u32 s30, $0x12;
	s31 =	sshrl.u32 s20, $0x3;
	s17 =	sadd.s32 s29, s17;
	[tilespmem:v0+s22+$0xFFFFFFE0 ss:$0x1] =	vst.idx.msk $0xffff, v62  }
0x1c: {  	s16 =	sor.u32 $0x80, s16;
	[tilespmem:v0+s22+$0xFFFFFFF0 ss:$0x1] =	vst.idx.msk $0xffff, v63;
	s17 =	sadd.s32 s31, s17  }
0x1d: {  	[hbm4b:s17+s16] =	stream.strided.scatter [tilespmem:s21], [sflag:$0x2], $0x4000, s9, s16, $0x38;
	[tilespmem:$0x10000] =	vst v63  }
.LBB1_5:
0x1e: {  	s21 =	sadd.s32 $0x80, s10  }
0x1f: {  	s16 =	sadd.s32 $0x80, s11;
	s22 =	smov.u32 s11;
	p2 =	sgt.s32 s21, $0xFF  }
0x20: {  	s22 =	smov.u32 @p2 s16  }
0x21: {  	s16 =	simm.s32 $0x1;
	p3 =	sgt.s32 s22, $0xFF  }
0x22: {  	s16 =	simm.s32 @!p3 $0x0  }
0x23: {  	s23 =	sadd.s32 s16, s12  }
0x24: {  	s24 =	smov.u32 s13;
	s16 =	sadd.s32 $0x10, s13;
	p4 =	sgt.s32 s23, $0x1  }
0x25: {  	p1 =	slt.u32 s15, $0x2;
	s25 =	smov.u32 s14;
	s24 =	smov.u32 @p4 s16  }
0x26: {  	s17 =	smov.u32 s11;
	s16 =	sadd.s32 $0x2, s14;
	p5 =	sgt.s32 s24, $0x3F  }
0x27: {  	s20 =	smov.u32 s12;
	s18 =	smov.u32 s13;
	s25 =	smov.u32 @p5 s16  }
0x28: {  	s19 =	smov.u32 s14;
	s21 =	simm.s32 @p2 $0x0;
	p2 =	sgt.s32 s25, $0x1  }
0x29: {  	s26 =	simm.s32 @!p1 $0x2;
	s25 =	smov.u32 @p2 s3;
	p2 =	sne.s32 s15, s8  }
.Ltmp1:
0x2a: {  	p0 =	por !p0, !p0;
	_ =	swait.ge @!p1 [sflag:s26], $0x4000;
	(pc) =	sbr.rel @!p2 .LBB1_6-.Ltmp1, $4  }
0x2b: {  	[sflag:s26] =	ssyncset.done @!p1 $0x0;
	s22 =	simm.s32 @p3 $0x0;
	s23 =	simm.s32 @p4 $0x0  }
0x2c: {  	[sflag:s26] =	ssyncadd.s32 @!p1 $0xFFFFC000;
	s11 =	smov.u32 s22;
	s12 =	smov.u32 s23  }
0x2d: {  	s24 =	smov.u32 @p5 s6;
	s16 =	smov.u32 s10;
	s10 =	smov.u32 s21  }
0x2e: {  	s13 =	smov.u32 s24;
	s15 =	sadd.s32 $0x1, s15;
	s14 =	smov.u32 s25  }
.LBB1_1:
0x2f: {  	p1 =	sge.u32 s15, s7  }
0x30: {  	s31 =	sadd.s32 $0xFFFFFFFF, s15;
	s21 =	sxor.u32 @!p1 $0xFFFFFFFF, s15;
	s22 =	sshll.u32 @!p1 s11, $0x8  }
0x31: {  	s23 =	sshll.u32 @!p1 s10, $0x3;
	s24 =	sshll.u32 @!p1 s11, $0x7;
	s25 =	sand.u32 @!p1 $0x78, s10  }
0x32: {  	s26 =	sshll.u32 @!p1 s12, $0xD;
	s22 =	sand.u32 @!p1 $0xF800, s22;
	s23 =	sand.u32 @!p1 $0xFC00, s23  }
0x33: {  	s21 =	sshll.u32 @!p1 s21, $0xE;
	s22 =	sadd.s32 @!p1 s22, s23;
	s23 =	sand.u32 @!p1 $0x300, s24  }
0x34: {  	s22 =	sor.u32 @!p1 s23, s22;
	s23 =	sand.u32 @!p1 $0x80, s24;
	s24 =	sshll.u32 @!p1 s14, $0x14  }
0x35: {  	s23 =	sor.u32 @!p1 s25, s23;
	s25 =	sshll.u32 @!p1 s13, $0xE;
	s24 =	sadd.s32 @!p1 s4, s24  }
0x36: {  	s21 =	sand.u32 @!p1 $0x4000, s21;
	s22 =	sshrl.u32 @!p1 s22, $0x3;
	s24 =	sadd.s32 @!p1 s25, s24  }
0x37: {  	s23 =	sshrl.u32 @!p1 s23, $0x3;
	s25 =	sand.u32 @!p1 $0x7, s10;
	s24 =	sadd.s32 @!p1 s26, s24  }
0x38: {  	s22 =	sand.u32 @!p1 $0x1FE0, s22;
	s23 =	sadd.s32 @!p1 s23, s24;
	s24 =	sshll.u32 @!p1 s25, $0x12  }
0x39: {  	s22 =	sadd.s32 @!p1 s22, s23;
	s23 =	sor.u32 @!p1 $0x400, s24;
	s24 =	simm.s32 @!p1 $0x800  }
0x3a: {  	[tilespmem:s21], [sflag:$0x1] =	stream.strided.gather @!p1 [hbm4b:s22+s23], $0x4000, s24, s23, $0x38;
	[tilespmem:$0x10000] =	vst v63  }
0x3b: {  	p1 =	sge.u32 s31, s7  }
.Ltmp2:
0x3c: {  	_ = 	snop;
	(pc) =	sbr.rel @p1 .LBB1_5-.Ltmp2, $1  }
0x3d: {  	_ =	sdelay $0x3  }
0x3e: {  	s21 =	simm.s32 $0x1  }
0x3f: {  	s21 =	simm.s32 @!p0 $0x0  }
0x40: {  	s21 =	sshll.u32 s21, $0xE  }
0x41: {  	s22 =	sor.u32 $0x40, s21  }
0x42: {  	v1 =	vmov s22;
	_ =	sdelay $0x1  }
0x43: {  	_ =	swait.ge [sflag:s5], $0x4000  }
0x44: {  	[sflag:s5] =	ssyncset.done $0x0  }
0x45: {  	s23 =	simm.s32 $0x0;
	[sflag:s5] =	ssyncadd.s32 $0xFFFFC000  }
0x46: {  	s21 =	sor.u32 $0x8070, s21;
	v7 =	vld.idx.msk [tilespmem:v1+s23+$0x30 ss:$0x1], $0xffff  }
0x47: {  	v0 =	vmov s21;
	v8 =	vld.idx.msk [tilespmem:v1+s23+$0xFFFFFFC0 ss:$0x1], $0xffff  }
0x48: {  	v6 =	vld.idx.msk [tilespmem:v1+s23+$0xFFFFFFD0 ss:$0x1], $0xffff  }
0x49: {  	v4 =	vld.idx.msk [tilespmem:v1+s23+$0xFFFFFFE0 ss:$0x1], $0xffff  }
0x4a: {  	v2 =	vld.idx.msk [tilespmem:v1+s23+$0xFFFFFFF0 ss:$0x1], $0xffff  }
0x4b: {  	s31 =	sshll.u32 s15, $0xE;
	v3 =	vld.idx.msk [tilespmem:v1+s23+$0x0 ss:$0x1], $0xffff  }
0x4c: {  	s21 =	sand.u32 $0x4000, s31;
	v5 =	vld.idx.msk [tilespmem:v1+s23+$0x10 ss:$0x1], $0xffff;
	[tilespmem:v0+s23+$0x0 ss:$0x1] =	vst.idx.msk $0xffff, v7  }
0x4d: {  	s24 =	simm.s32 $0x400;
	s22 =	simm.s32 $0x80;
	s21 =	sor.u32 $0x8000, s21;
	[tilespmem:v0+s23+$0xFFFFFF90 ss:$0x1] =	vst.idx.msk $0xffff, v8;
	v7 =	vld.idx.msk [tilespmem:v1+s23+$0x20 ss:$0x1], $0xffff  }
.LBB1_3:
0x4e: {  	p1 =	sne.s32 s24, $0xFE00;
	v8 =	vld.idx.msk [tilespmem:v1+s22+$0x30 ss:$0x1], $0xffff;
	[tilespmem:v0+s23+$0xFFFFFFA0 ss:$0x1] =	vst.idx.msk $0xffff, v6  }
0x4f: {  	v9 =	vld.idx.msk [tilespmem:v1+s22+$0xFFFFFFC0 ss:$0x1], $0xffff;
	[tilespmem:v0+s23+$0xFFFFFFB0 ss:$0x1] =	vst.idx.msk $0xffff, v4  }
0x50: {  	v6 =	vld.idx.msk [tilespmem:v1+s22+$0xFFFFFFD0 ss:$0x1], $0xffff;
	[tilespmem:v0+s23+$0xFFFFFFC0 ss:$0x1] =	vst.idx.msk $0xffff, v2  }
.Ltmp3:
0x51: {  	v4 =	vld.idx.msk [tilespmem:v1+s22+$0xFFFFFFE0 ss:$0x1], $0xffff;
	[tilespmem:v0+s23+$0xFFFFFFD0 ss:$0x1] =	vst.idx.msk $0xffff, v3;
	(pc) =	sbr.rel @p1 .LBB1_3-.Ltmp3, $4  }
0x52: {  	v2 =	vld.idx.msk [tilespmem:v1+s22+$0xFFFFFFF0 ss:$0x1], $0xffff;
	[tilespmem:v0+s23+$0xFFFFFFE0 ss:$0x1] =	vst.idx.msk $0xffff, v5  }
0x53: {  	v3 =	vld.idx.msk [tilespmem:v1+s22+$0x0 ss:$0x1], $0xffff;
	[tilespmem:v0+s23+$0xFFFFFFF0 ss:$0x1] =	vst.idx.msk $0xffff, v7;
	s23 =	smov.u32 s22  }
0x54: {  	v5 =	vld.idx.msk [tilespmem:v1+s23+$0x10 ss:$0x1], $0xffff;
	[tilespmem:v0+s23+$0x0 ss:$0x1] =	vst.idx.msk $0xffff, v8  }
0x55: {  	s22 =	sshra.s32 s24, $0x2;
	s24 =	sadd.s32 $0x200, s24;
	[tilespmem:v0+s23+$0xFFFFFF90 ss:$0x1] =	vst.idx.msk $0xffff, v9;
	v7 =	vld.idx.msk [tilespmem:v1+s23+$0x20 ss:$0x1], $0xffff  }
.Ltmp4:
0x56: {  	_ = 	snop;
	(pc) =	sbr.rel .LBB1_4-.Ltmp4, $1  }
0x57: {  	_ =	sdelay $0x3  }
.LBB1_6:
0x58: {  	_ =	sfence.sel $0x180000  }
0x59: {  	s2 =	simm.s32 $0x1;
	[bflag:$0x0] =	sbarrier.arrive $0xFFFF  }
0x5a: {  	s31 =	simm.s32 $0x2;
	[sflag:s2] =	ssyncpa.u1 $0x1  }
0x5b: {  	[sflag:s31] =	ssyncpa.u1 $0x1  }
0x5c: {  	p0 =	sne.s32 s1, $0x0;
	_ =	strace $0x90000053  }
0x5d: {  	s0 =	sadd.s32 @!p0 $0x100000, s0;
	[bflag:$0x2] =	sbarrier.arrive $0xFFFF  }
0x5e: {  	[sflag:s0] =	ssyncadd.tile.s32 @!p0 $0x1;
	_ =	shalt  }
.Lfunc_end1:
_tile_overlayer_lowered:
.L_overlay_start_2:
0x5f: {  	(tag) =	ssettag $0x2  }
0x60: {  	s0 =	rddreg [dreg:$0x0];
	s2 =	stileid.u32  }
0x61: {  	s1 =	rddreg [dreg:$0x1];
	p0 =	sne.s32 s2, $0x0  }
0x62: {  	s3 =	rddreg [dreg:$0x2];
	[bflag:$0x3] =	sbarrier.arrive $0xFFFF;
	s2 =	simm.s32 @!p0 $0x1C01  }
0x63: {  	[timem:s3], [sflag:s2] =	dma.local @!p0 [hbm:s0], s1  }
0x64: {  	s0 =	simm.s32 @!p0 $0x1  }
0x65: {  	_ =	swait.ge @!p0 [sflag:s0], s1  }
0x66: {  	s1 =	ssub.s32 @!p0 $0x0, s1;
	[sflag:s0] =	ssyncset.done @!p0 $0x0  }
0x67: {  	[sflag:s0] =	ssyncadd.s32 @!p0 s1  }
0x68: {  	[bflag:$0x3] =	sbarrier.arrive $0xFFFF  }
0x69: {  	_ =	shalt  }

// kernel: sparse-core-data-format-call.cloned.1.call-start
scs
called_computation.2_lowered:
.L_overlay_start_0:
0x0: {  	s2 =	sld [smem:$0x3FD9]  }
0x1: {  	s3 =	sld [smem:$0x3FFE];
	_ =	sdelay $0x1  }
0x2: {  	s1 =	srdreg.scid  }
0x3: {  	s0 =	sand.u32 $0x1, s1  }
0x4: {  	s16 =	sshll.u32 s0, $0xA;
	s2 =	sadd.s32 s3, s2  }
0x5: {  	s2 =	sadd.s32 s2, s16  }
0x6: {  	[smem:$0x3FC4] =	sst s2  }
0x7: {  	_ = 	snop  }
0x8: {  	s2 =	sld [smem:$0x3FD0];
	_ =	sdelay $0x2  }
0x9: {  	s17 =	simm.s32 $0xB;
	s4 =	simm.s32 $0x10  }
0xa: {  	[smem:s4], [sflag:s17] =	dma.local [hbm:s2], $0x1  }
0xb: {  	_ =	swait.eq [sflag:s17], $0x1  }
0xc: {  	[sflag:s17] =	ssyncset.done $0x0  }
0xd: {  	[sflag:s17] =	ssyncadd.s32 $0xFFFFFFFF  }
0xe: {  	s18 =	sld [smem:$0x11];
	(tm) =	ssettm $0x1  }
0xf: {  	s19 =	sld [smem:$0x3FFB];
	_ =	sdelay $0x3  }
0x10: {  	_ =	strace s19  }
0x11: {  	s2 =	sld [smem:$0x3FFC];
	_ =	sdelay $0x3  }
0x12: {  	_ =	strace s2  }
0x13: {  	s2 =	sld [smem:$0x3FFD];
	_ =	sdelay $0x3  }
0x14: {  	_ =	strace s2  }
0x15: {  	_ =	strace $0x8FFFFFFF  }
0x16: {  	s20 =	sld [smem:$0x3FDB];
	_ =	sdelay $0x1  }
0x17: {  	s21 =	simm.s32 $_scs_section_size  }
0x18: {  	s5 =	simm.s32 $_size__tile_overlayer_lowered;
	s6 =	simm.s32 $_tile_overlayer_lowered  }
0x19: {  	s7 =	simm.s32 $0x1BFF;
	s22 =	sshll.u32 s6, $0x1;
	s4 =	sadd.s32 s21, s20  }
0x1a: {  	s23 =	simm.s32 $0x0;
	s5 =	sshll.u32 s5, $0x1;
	s6 =	sadd.s32 s22, s4  }
0x1b: {  	[timem:s23], [sflag:s7] =	dma.local [hbm:s6], s5  }
0x1c: {  	_ =	swait.ge [sflag:s7], s5  }
0x1d: {  	s5 =	ssub.s32 $0x0, s5;
	[sflag:s7] =	ssyncset.done $0x0  }
0x1e: {  	[sflag:s7] =	ssyncadd.s32 s5;
	_ =	sdelay $0x1  }
0x1f: {  	s24 =	simm.s32 $0x1B8B  }
0x20: {  	_ =	swait.ge [sflag:s24], $0x1  }
0x21: {  	[sflag:s24] =	ssyncset.done $0x0  }
0x22: {  	[sflag:s24] =	ssyncadd.s32 $0xFFFFFFFF  }
0x23: {  	s5 =	sld [smem:$0x0]  }
0x24: {  	s6 =	sand.u32 $0xFFFFFFFE, s1  }
0x25: {  	p0 =	sne.s32 s1, s6  }
0x26: {  	s6 =	sshll.u32 @p0 s6, $0xE  }
0x27: {  	s6 =	sadd.s32 @p0 $0x11B8D, s6;
	s7 =	sshll.u32 @p0 s5, $0x11  }
0x28: {  	s6 =	sor.u32 @p0 s7, s6  }
0x29: {  	[sflag:s6] =	ssyncadd.remote.s32 @p0 $0x1;
	_ =	sdelay $0x1  }
0x2a: {  	s6 =	simm.s32 @p0 $0x1B8D  }
0x2b: {  	_ =	swait.eq @p0 [sflag:s6], $0x1  }
0x2c: {  	[sflag:s6] =	ssyncadd.s32 @p0 $0xFFFFFFFF  }
0x2d: {  	s7 =	sshll.u32 @!p0 s1, $0xE  }
0x2e: {  	s7 =	sor.u32 @!p0 $0x4000, s7;
	s6 =	simm.s32 @!p0 $0x1B8D  }
0x2f: {  	s5 =	sshll.u32 @!p0 s5, $0x11;
	s7 =	sadd.s32 @!p0 $0x11B8D, s7;
	_ =	swait.eq @!p0 [sflag:s6], $0x1  }
0x30: {  	s5 =	sor.u32 @!p0 s5, s7;
	[sflag:s6] =	ssyncadd.s32 @!p0 $0xFFFFFFFF  }
0x31: {  	s26 =	simm.s32 $0x1B8E;
	s25 =	sld [smem:$0x3FFE];
	[sflag:s5] =	ssyncadd.remote.s32 @!p0 $0x1  }
0x32: {  	s27 =	simm.s32 $execute0_lowered;
	[smem:$0x3FD2] =	sst s26  }
0x33: {  	s6 =	sshll.u32 s27, $0x1;
	_ =	strace $0x8000004F;
	[dreg:$0x1] =	wrdreg $0xFFFFFFFF  }
0x34: {  	s28 =	simm.s32 $_size_execute0_lowered;
	s4 =	sadd.s32 s4, s6;
	[dreg:$0x0] =	wrdreg $0x0  }
0x35: {  	s6 =	sshll.u32 s28, $0x1;
	[dreg:$0x2] =	wrdreg s4  }
0x36: {  	[dreg:$0x3] =	wrdreg s6  }
0x37: {  	[dreg:$0x4] =	wrdreg $0xC0  }
0x38: {  	_ =	task [dreg:s23], $0x5FFFF  }
0x39: {  	[dreg:$0x1] =	wrdreg $0xFFFFFFFF  }
0x3a: {  	[dreg:$0x0] =	wrdreg $0x60  }
0x3b: {  	[dreg:$0x2] =	wrdreg s25  }
0x3c: {  	[dreg:$0x3] =	wrdreg s18  }
0x3d: {  	[dreg:$0x4] =	wrdreg $0x9  }
0x3e: {  	_ =	task.clear_ibuf [dreg:s23], $0x5FFFF;
	_ =	strace $0x9000004F  }
0x3f: {  	s29 =	simm.s32 $0x9;
	_ =	strace $0x80000051  }
0x40: {  	_ =	swait.ge [sflag:s29], $0x1  }
0x41: {  	[sflag:s29] =	ssyncadd.s32 $0xFFFFFFFF  }
0x42: {  	_ =	strace $0x90000051  }
0x43: {  	_ =	sfence  }
0x44: {  	s30 =	sld [smem:$0x0];
	_ =	sdelay $0x2  }
0x45: {  	s31 =	sshll.u32 s1, $0xD;
	s1 =	sshrl.u32 s1, $0x2  }
0x46: {  	s4 =	sand.u32 $0x4000, s31;
	s1 =	sadd.s32 s1, s30  }
0x47: {  	s0 =	sor.u32 s4, s0;
	s1 =	sshll.u32 s1, $0x11  }
0x48: {  	s0 =	sor.u32 s1, s0  }
0x49: {  	s0 =	sadd.s32 $0x8F2B, s0  }
0x4a: {  	[sflag:s0] =	ssyncadd.remote.s32 $0x1  }
0x4b: {  	_ =	sfence.sel $0xFFFF  }
0x4c: {  	[dreg:$0x0] =	wrdreg $0xFFFFFFFF;
	(pc) =	sbr.abs _section_cstart, $3  }
0x4d: {  	[dreg:$0x1] =	wrdreg $0xFFFFFFFF  }
0x4e: {  	_ =	task.clear_ibuf [dreg:s23], $0x2FFFF;
	_ =	strace $0x9FFFFFFF  }
0x4f: {  	(tm) =	ssettm $0x7FFFFFFF  }
tec
execute0_lowered:
.L_overlay_start_1:
0x0: {  	(tag) =	ssettag $0x1  }
0x1: {  	s0 =	stileid.u32  }
0x2: {  	s1 =	srdreg.scid;
	s7 =	rddreg [dreg:$0x0]  }
0x3: {  	s2 =	rddreg [dreg:$0x1];
	s31 =	simm.s32 $0x2;
	s14 =	simm.s32 $0x0  }
0x4: {  	p0 =	por $0x0, $0x0;
	s3 =	sshll.u32 s0, $0x6;
	s1 =	sshll.u32 s1, $0xA  }
0x5: {  	s13 =	simm.s32 $0x0;
	s4 =	sor.u32 s3, s1;
	s3 =	sand.u32 $0x1, s0  }
0x6: {  	s12 =	simm.s32 $0x0;
	s4 =	sand.u32 $0x780, s4;
	s5 =	ssub.s32 $0x2, s3  }
0x7: {  	s7 =	sadd.s32 $0x1088000, s7;
	s6 =	ssub.s32 $0x18680, s4;
	s8 =	sshrl.u32 s5, $0x1  }
.Ltmp0:
0x8: {  	s9 =	sand.u32 $0x1, s5;
	s6 =	sshrl.u32 s6, $0xB;
	(pc) =	sbr.rel .LBB1_1-.Ltmp0, $4  }
0x9: {  	s1 =	rddreg [dreg:$0x2];
	s8 =	sadd.s32 s9, s8;
	s6 =	sadd.s32 $0x1, s6  }
0xa: {  	_ =	strace $0x80000050;
	s5 =	simm.s32 $0x1;
	s6 =	smul.u32 s8, s6  }
0xb: {  	s11 =	smov.u32 s3;
	s10 =	smov.u32 s4;
	[sflag:s5] =	ssyncpa.u1 $0x0  }
0xc: {  	s9 =	simm.s32 $0xC3800;
	[sflag:s31] =	ssyncpa.u1 $0x0;
	s8 =	sadd.s32 $0x1, s6  }
.LBB1_4:
0xd: {  	s17 =	sshll.u32 s14, $0x3  }
0xe: {  	s29 =	sand.u32 $0x7F, s14;
	s17 =	sand.u32 $0xFFFFFC00, s17  }
0xf: {  	s14 =	sor.u32 s29, s17  }
0x10: {  	s18 =	smulhi.u32 $0xA79C7B17, s14  }
0x11: {  	s17 =	smulhi.u32 $0xA79C7B17, s17  }
0x12: {  	s18 =	sshrl.u32 s18, $0x10  }
0x13: {  	s17 =	sshrl.u32 s17, $0x10;
	s18 =	smul.u32 $0x18700, s18  }
0x14: {  	s13 =	smul.u32 $0xC3800, s13;
	s17 =	sand.u32 $0x3F, s17  }
0x15: {  	s17 =	smul.u32 $0x30E0, s17;
	s14 =	ssub.s32 s14, s18  }
0x16: {  	[tilespmem:s16+$0x810 ss:$0x81] =	vst.msk $0xffff, v2;
	s13 =	sadd.s32 s2, s13;
	s18 =	sand.u32 $0x7, s14  }
0x17: {  	[tilespmem:s16+$0x1020 ss:$0x81] =	vst.msk $0xffff, v0;
	s13 =	sadd.s32 s17, s13;
	s14 =	sshrl.u32 s14, $0x3;
	s30 =	sshll.u32 s18, $0x12  }
0x18: {  	[tilespmem:s16+$0x0 ss:$0x81] =	vst.msk $0xffff, v1;
	s13 =	sadd.s32 s14, s13;
	s31 =	sor.u32 $0x400, s30  }
0x19: {  	[hbm4b:s13+s31] =	stream.strided.scatter [tilespmem:s15], [sflag:$0x2], $0x2000, s9, s31, $0x20;
	[tilespmem:$0x8080] =	vst v63  }
.LBB1_5:
0x1a: {  	s15 =	sadd.s32 $0x800, s10  }
0x1b: {  	s13 =	sadd.s32 $0x2, s11;
	s17 =	smov.u32 s11;
	p2 =	sgt.s32 s15, $0x1869F  }
0x1c: {  	s17 =	smov.u32 @p2 s13  }
0x1d: {  	s15 =	smov.u32 @p2 s4;
	p2 =	sgt.s32 s17, $0x1  }
0x1e: {  	s17 =	smov.u32 @p2 s3;
	p2 =	sne.s32 s12, s8  }
.Ltmp1:
0x1f: {  	p1 =	slt.u32 s12, $0x2;
	(pc) =	sbr.rel @!p2 .LBB1_6-.Ltmp1, $4  }
0x20: {  	s16 =	simm.s32 @!p1 $0x2  }
0x21: {  	s14 =	smov.u32 s10;
	p0 =	por !p0, !p0;
	_ =	swait.ge @!p1 [sflag:s16], $0x2000  }
0x22: {  	s13 =	smov.u32 s11;
	[sflag:s16] =	ssyncset.done @!p1 $0x0;
	s10 =	smov.u32 s15  }
0x23: {  	s12 =	sadd.s32 $0x1, s12;
	[sflag:s16] =	ssyncadd.s32 @!p1 $0xFFFFE000;
	s11 =	smov.u32 s17  }
.LBB1_1:
0x24: {  	p1 =	sge.u32 s12, s6  }
0x25: {  	s17 =	smov.u32 s11;
	p2 =	sgt.s32 @!p1 s11, $0x1  }
0x26: {  	s19 =	smov.u32 s10;
	s15 =	sand.u32 @!p1 $0x1FFFFFF, s10;
	p2 =	por !p2, p1  }
0x27: {  	s18 =	sshra.s32 @!p1 s11, $0x1F;
	s17 =	simm.s32 @p2 $0x1;
	p2 =	sgt.s32 @!p1 s10, $0x18620  }
0x28: {  	s20 =	sshra.s32 @!p1 s10, $0x1F;
	s18 =	sand.u32 @!p1 s18, s11;
	p2 =	por !p2, p1  }
0x29: {  	s20 =	sand.u32 @!p1 s20, s10;
	s18 =	sxor.u32 @!p1 $0xFFFFFFFF, s18;
	s19 =	simm.s32 @p2 $0x18620  }
0x2a: {  	s16 =	smulhi.u32 @!p1 $0x14F8B59, s15;
	s17 =	sadd.s32 @!p1 s18, s17;
	s18 =	ssub.s32 @!p1 s19, s20  }
0x2b: {  	p2 =	sgt.s32 @!p1 s17, $0x0;
	s17 =	sshll.u32 @!p1 s17, $0x6;
	s19 =	sadd.s32 @!p1 $0xFFFE79E0, s18  }
0x2c: {  	s16 =	sshrl.u32 @!p1 s16, $0x9;
	s17 =	ssub.s32 @!p1 $0x40, s17;
	p3 =	sgt.s32 @!p1 s19, $0x7F  }
0x2d: {  	p2 =	por !p2, p1;
	s18 =	ssub.s32 @!p1 $0x186A0, s18;
	p3 =	por !p3, p1  }
0x2e: {  	s16 =	smul.u32 @!p1 $0x186A0, s16;
	s17 =	simm.s32 @!p2 $0x0;
	s18 =	simm.s32 @!p3 $0x0  }
0x2f: {  	s19 =	sxor.u32 @!p1 $0xFFFFFFFF, s12;
	s17 =	smul.u32 @!p1 s18, s17  }
0x30: {  	s15 =	ssub.s32 @!p1 s15, s16;
	s18 =	sshll.u32 @!p1 s19, $0xD;
	s19 =	smul.u32 @!p1 $0x186A00, s11  }
0x31: {  	s31 =	sadd.s32 $0xFFFFFFFF, s12;
	s15 =	sshll.u32 @!p1 s15, $0x4  }
0x32: {  	s18 =	sand.u32 @!p1 $0x2000, s18;
	s16 =	sand.u32 @!p1 $0x3FFFFFC0, s17;
	s17 =	sadd.s32 @!p1 s7, s19  }
0x33: {  	s19 =	simm.s32 @!p1 $0x80;
	s15 =	sadd.s32 @!p1 s15, s17;
	s17 =	simm.s32 @!p1 $0x40  }
0x34: {  	[tilespmem:s18], [sflag:$0x1] =	stream.strided.gather @!p1 [hbm4b:s15+s17], s16, s19, s17, $0x38;
	[tilespmem:$0x8080] =	vst v63  }
0x35: {  	p1 =	sge.u32 s31, s6  }
.Ltmp2:
0x36: {  	_ = 	snop;
	(pc) =	sbr.rel @p1 .LBB1_5-.Ltmp2, $1  }
0x37: {  	_ =	sdelay $0x3  }
0x38: {  	p1 =	sgt.s32 s13, $0x1;
	s15 =	smov.u32 s13  }
0x39: {  	s16 =	sshra.s32 s13, $0x1F;
	s17 =	smov.u32 s14;
	s18 =	sshra.s32 s14, $0x1F  }
0x3a: {  	s15 =	simm.s32 @!p1 $0x1;
	s16 =	sand.u32 s16, s13;
	p1 =	sgt.s32 s14, $0x18620  }
0x3b: {  	s18 =	sand.u32 s18, s14;
	s16 =	sxor.u32 $0xFFFFFFFF, s16;
	s17 =	simm.s32 @!p1 $0x18620  }
0x3c: {  	s15 =	sadd.s32 s16, s15;
	s27 =	ssub.s32 s17, s18  }
0x3d: {  	p1 =	sgt.s32 s15, $0x0;
	s17 =	sadd.s32 $0xFFFE79E0, s27;
	s15 =	sshll.u32 s15, $0x6  }
0x3e: {  	s16 =	ssub.s32 $0x186A0, s27;
	p2 =	sgt.s32 s17, $0x7F;
	s15 =	ssub.s32 $0x40, s15  }
0x3f: {  	s16 =	simm.s32 @p2 $0x0;
	s15 =	simm.s32 @p1 $0x0  }
0x40: {  	s15 =	smul.u32 s16, s15;
	_ =	sdelay $0x1  }
0x41: {  	s16 =	simm.s32 $0x1;
	s15 =	sand.u32 $0x3FFFFFC0, s15  }
0x42: {  	s16 =	simm.s32 @!p0 $0x0;
	_ =	swait.ge [sflag:s5], s15  }
0x43: {  	s28 =	sshll.u32 s16, $0xD;
	s15 =	ssub.s32 $0x0, s15;
	[sflag:s5] =	ssyncset.done $0x0  }
0x44: {  	s19 =	sor.u32 $0x20, s28;
	[sflag:s5] =	ssyncadd.s32 s15  }
0x45: {  	s29 =	smul.u32 $0x8100, s16;
	v3 =	vld [tilespmem:s19+$0x10]  }
0x46: {  	s30 =	sand.u32 $0x1, s12;
	v2 =	vld [tilespmem:s19+$0xFFFFFFF0]  }
0x47: {  	s16 =	smul.u32 $0x8100, s30;
	s15 =	sshrl.u32 s29, $0x2;
	v0 =	vld [tilespmem:s19+$0x0]  }
0x48: {  	s17 =	sor.u32 $0x4000, s15;
	v1 =	vld [tilespmem:s19+$0xFFFFFFE0]  }
0x49: {  	s31 =	sshrl.u32 s16, $0x2;
	s16 =	sadd.s32 $0x0, s17  }
0x4a: {  	s18 =	simm.s32 $0x4;
	s15 =	sor.u32 $0x4000, s31;
	s19 =	sadd.s32 $0x40, s19;
	[tilespmem:s16+$0x1830 ss:$0x81] =	vst.msk $0xffff, v3  }
.LBB1_3:
0x4b: {  	v3 =	vld [tilespmem:s19+$0x10];
	p1 =	sne.s32 s18, $0x1FC;
	[tilespmem:s16+$0x810 ss:$0x81] =	vst.msk $0xffff, v2;
	s20 =	smov.u32 s18;
	s18 =	sadd.s32 $0x4, s18  }
.Ltmp3:
0x4c: {  	v2 =	vld [tilespmem:s19+$0xFFFFFFF0];
	[tilespmem:s16+$0x1020 ss:$0x81] =	vst.msk $0xffff, v0;
	(pc) =	sbr.rel @p1 .LBB1_3-.Ltmp3, $4  }
0x4d: {  	v0 =	vld [tilespmem:s19+$0x0];
	[tilespmem:s16+$0x0 ss:$0x81] =	vst.msk $0xffff, v1  }
0x4e: {  	s16 =	sshra.s32 s20, $0x2;
	v1 =	vld [tilespmem:s19+$0xFFFFFFE0]  }
0x4f: {  	s16 =	sadd.s32 s16, s17  }
0x50: {  	s19 =	sadd.s32 $0x40, s19;
	[tilespmem:s16+$0x1830 ss:$0x81] =	vst.msk $0xffff, v3  }
.Ltmp4:
0x51: {  	_ = 	snop;
	(pc) =	sbr.rel .LBB1_4-.Ltmp4, $1  }
0x52: {  	_ =	sdelay $0x3  }
.LBB1_6:
0x53: {  	_ =	sfence.sel $0x180000  }
0x54: {  	s2 =	simm.s32 $0x1;
	[bflag:$0x0] =	sbarrier.arrive $0xFFFF  }
0x55: {  	s31 =	simm.s32 $0x2;
	[sflag:s2] =	ssyncpa.u1 $0x1  }
0x56: {  	[sflag:s31] =	ssyncpa.u1 $0x1  }
0x57: {  	p0 =	sne.s32 s0, $0x0;
	_ =	strace $0x90000050  }
0x58: {  	s0 =	sadd.s32 @!p0 $0x100000, s1;
	[bflag:$0x2] =	sbarrier.arrive $0xFFFF  }
0x59: {  	[sflag:s0] =	ssyncadd.tile.s32 @!p0 $0x1;
	_ =	shalt  }
.Lfunc_end1:
_tile_overlayer_lowered:
.L_overlay_start_2:
0x5a: {  	(tag) =	ssettag $0x2  }
0x5b: {  	s0 =	rddreg [dreg:$0x0];
	s2 =	stileid.u32  }
0x5c: {  	s1 =	rddreg [dreg:$0x1];
	p0 =	sne.s32 s2, $0x0  }
0x5d: {  	s3 =	rddreg [dreg:$0x2];
	[bflag:$0x3] =	sbarrier.arrive $0xFFFF;
	s2 =	simm.s32 @!p0 $0x1C01  }
0x5e: {  	[timem:s3], [sflag:s2] =	dma.local @!p0 [hbm:s0], s1  }
0x5f: {  	s0 =	simm.s32 @!p0 $0x1  }
0x60: {  	_ =	swait.ge @!p0 [sflag:s0], s1  }
0x61: {  	s1 =	ssub.s32 @!p0 $0x0, s1;
	[sflag:s0] =	ssyncset.done @!p0 $0x0  }
0x62: {  	[sflag:s0] =	ssyncadd.s32 @!p0 s1  }
0x63: {  	[bflag:$0x3] =	sbarrier.arrive $0xFFFF  }
0x64: {  	_ =	shalt  }

</sc_bundles>
